<compile_context>
chip_gen: v7x
topology: tpu7x:2x2x1
jax: 0.10.2.dev20260603
libtpu: 0.0.44.dev20260713+nightly
codegen_flags: <defaults>
</compile_context>

<pallas_src>
import jax
import jax.numpy as jnp
from jax import lax
from jax.experimental import pallas as pl
from jax.experimental.pallas import tpu as pltpu
from jax.experimental.pallas import tpu_sc as plsc

N_NODES = 10000
D = 128
E = 320000
NC = 2
NS = 16
NW = NC * NS
CHUNK = 128
NCORES = 1
K0 = 160
K1 = 0
NCHUNK = K0 + K1
E_PAD = NS * NCHUNK * CHUNK
N_PAD = 10240
ROWS_PER_TILE = N_PAD // NS
ZROWS = 128
SDEPTH = 40
NSTAGE0 = K0 // SDEPTH
NSTAGE1 = K1 // SDEPTH
NBUF = 2


def _hop_body(src_hbm, row_hbm, col_hbm, w_hbm, parts_hbm,
              acc_sh, rows0, rows1, ridx_v, cidx_v, w_v,
              gsem0, gsem1, ssem0, ssem1):
  cid = lax.axis_index("c")
  sid = lax.axis_index("s")

  bufs = (rows0, rows1)
  gsems = (gsem0, gsem1)

  def _zero_row(r, _):
    for j in range(D // 16):
      rows0[r, pl.ds(j * 16, 16)] = jnp.zeros((16,), jnp.float32)
    return 0
  lax.fori_loop(0, ZROWS, _zero_row, 0)
  for k in range(ROWS_PER_TILE // ZROWS):
    pltpu.async_copy(rows0, acc_sh.at[pl.ds(sid * ROWS_PER_TILE + k * ZROWS,
                                            ZROWS)], ssem0)
  for k in range(ROWS_PER_TILE // ZROWS):
    pltpu.make_async_copy(rows0, acc_sh.at[pl.ds(sid * ROWS_PER_TILE
                                                 + k * ZROWS, ZROWS)],
                          ssem0).wait()
  plsc.subcore_barrier()

  def _run_stage(cbase):
    pltpu.async_copy(row_hbm.at[pl.ds(cbase, SDEPTH)], ridx_v, ssem1)
    pltpu.async_copy(col_hbm.at[pl.ds(cbase, SDEPTH)], cidx_v, ssem1)
    pltpu.async_copy(w_hbm.at[pl.ds(cbase, SDEPTH)], w_v, ssem1)
    pltpu.make_async_copy(row_hbm.at[pl.ds(cbase, SDEPTH)], ridx_v,
                          ssem1).wait()
    pltpu.make_async_copy(col_hbm.at[pl.ds(cbase, SDEPTH)], cidx_v,
                          ssem1).wait()
    pltpu.make_async_copy(w_hbm.at[pl.ds(cbase, SDEPTH)], w_v, ssem1).wait()

    pltpu.async_copy(src_hbm.at[ridx_v.at[0]], bufs[0], gsems[0])
    pltpu.async_copy(src_hbm.at[ridx_v.at[1]], bufs[1], gsems[1])

    def _pair(k, _):
      for b in range(NBUF):
        lj = NBUF * k + b

        pltpu.make_async_copy(src_hbm.at[ridx_v.at[lj]], bufs[b],
                              gsems[b]).wait()

        @plsc.parallel_loop(0, CHUNK, 1, unroll=4)
        def _scale(e):
          ws = plsc.load_gather(w_v, [jnp.full((16,), lj, jnp.int32),
                                      jnp.full((16,), e, jnp.int32)])
          for j in range(D // 16):
            sl = pl.ds(j * 16, 16)
            bufs[b][e, sl] = bufs[b][e, sl] * ws

        pltpu.sync_copy(bufs[b], acc_sh.at[cidx_v.at[lj]], add=True)

        @pl.when(lj + 2 < SDEPTH)
        def _():
          pltpu.async_copy(src_hbm.at[ridx_v.at[lj + 2]], bufs[b], gsems[b])
      return 0
    lax.fori_loop(0, SDEPTH // NBUF, _pair, 0)

  def _stage(s, _):
    _run_stage(pl.multiple_of(sid * K0 + s * SDEPTH, 8))
    return 0
  lax.fori_loop(0, NSTAGE0, _stage, 0)

  plsc.subcore_barrier()

  base = sid * ROWS_PER_TILE
  pltpu.async_copy(acc_sh.at[pl.ds(base, ROWS_PER_TILE)],
                   parts_hbm.at[cid, pl.ds(base, ROWS_PER_TILE)], ssem0)
  pltpu.make_async_copy(acc_sh.at[pl.ds(base, ROWS_PER_TILE)],
                        parts_hbm.at[cid, pl.ds(base, ROWS_PER_TILE)],
                        ssem0).wait()


_hop = pl.kernel(
    _hop_body,
    out_type=jax.ShapeDtypeStruct((NCORES, N_PAD, D), jnp.float32),
    mesh=plsc.VectorSubcoreMesh(core_axis_name="c", subcore_axis_name="s",
                                num_cores=NCORES, num_subcores=NS),
    scratch_types=[
        pltpu.VMEM_SHARED((N_PAD, D), jnp.float32),
        pltpu.VMEM((CHUNK, D), jnp.float32),
        pltpu.VMEM((CHUNK, D), jnp.float32),
        pltpu.VMEM((SDEPTH, CHUNK), jnp.int32),
        pltpu.VMEM((SDEPTH, CHUNK), jnp.int32),
        pltpu.VMEM((SDEPTH, CHUNK), jnp.float32),
        pltpu.SemaphoreType.DMA,
        pltpu.SemaphoreType.DMA,
        pltpu.SemaphoreType.DMA,
        pltpu.SemaphoreType.DMA,
    ],
    compiler_params=pltpu.CompilerParams(needs_layout_passes=False),
)


def _add_body(a_ref, b_ref, o_ref):
  o_ref[...] = a_ref[...] + b_ref[...]


_BLK = 2000


def _combine(parts):
  return pl.pallas_call(
      _add_body,
      grid=(N_NODES // _BLK,),
      in_specs=[pl.BlockSpec((_BLK, D), lambda i: (i, 0)),
                pl.BlockSpec((_BLK, D), lambda i: (i, 0))],
      out_specs=pl.BlockSpec((_BLK, D), lambda i: (i, 0)),
      out_shape=jax.ShapeDtypeStruct((N_NODES, D), jnp.float32),
  )(parts[0, :N_NODES], parts[1, :N_NODES])


@jax.jit
def kernel(embed, adj_sp_norm, edge_index, edge_weight, deg):
  pad = E_PAD - E
  row = jnp.concatenate([edge_index[0], jnp.zeros((pad,), jnp.int32)])
  col = jnp.concatenate([edge_index[1], jnp.zeros((pad,), jnp.int32)])
  w = jnp.concatenate([edge_weight, jnp.zeros((pad,), jnp.float32)])
  row2d = row.reshape(NS * NCHUNK, CHUNK)
  col2d = col.reshape(NS * NCHUNK, CHUNK)
  w2d = w.reshape(NS * NCHUNK, CHUNK)

  embs = [embed]
  a = embed
  for _ in range(3):
    parts = _hop(a, row2d, col2d, w2d)
    a = parts[0, :N_NODES]
    embs.append(a)
  embs = jnp.stack(embs, axis=1)
  return (embs[: N_NODES // 2], embs[N_NODES // 2:])

# --- scband reference (transcript-rebuilt; emitter-appended) ---
"""Pipeline reference for scband-graph-conv-55989193671005 (READ-ONLY COPY).

The authoritative reference and input builder live on the scoring server;
editing this copy changes nothing except your own understanding.
"""

import jax, jax.numpy as jnp
import numpy as np

N_USERS = 5000
N_ITEMS = 5000
N_NODES = N_USERS + N_ITEMS
N_EDGES = 320000
D_FEAT = 128
N_HOPS = 3


def setup_inputs(seed: int = 0) -> dict:
    key = jax.random.key(seed)
    k1, k2, k3 = jax.random.split(key, 3)
    embed = jax.random.normal(k1, (N_NODES, D_FEAT), dtype=jnp.float32)
    adj_sp_norm = jnp.zeros((1,), dtype=jnp.float32)  # unused by forward
    edge_index = jax.random.randint(k2, (2, N_EDGES), 0, N_NODES, dtype=jnp.int32)
    edge_weight = jax.random.uniform(k3, (N_EDGES,), dtype=jnp.float32)
    deg = jnp.ones((N_NODES,), dtype=jnp.float32)  # unused by forward
    return {"embed": embed, "adj_sp_norm": adj_sp_norm, "edge_index": edge_index, "edge_weight": edge_weight, "deg": deg}


def reference(embed, adj_sp_norm, edge_index, edge_weight, deg):
    row = edge_index[0]
    col = edge_index[1]
    agg_embed = embed
    embs = [embed]
    for hop in range(N_HOPS):
        out = agg_embed[row] * edge_weight[:, None]
        agg_embed = jax.ops.segment_sum(out, col, num_segments=N_NODES)
        embs.append(agg_embed)
    embs = jnp.stack(embs, axis=1)
    return (embs[:N_USERS, :], embs[N_USERS:, :])

if __name__ == "__main__":
    import jax
    _d = setup_inputs()
    print(jax.jit(kernel)(*tuple(_d.values())))

</pallas_src>

<mosaic_0001>
#map = affine_map<(d0, d1) -> (0, 0)>
#map1 = affine_map<(d0, d1) -> (0, 0, 0)>
module attributes {stable_mosaic.version = 14 : i64} {
  func.func @_hop_body(%arg0: i32, %arg1: i32, %arg2: memref<10000x128xf32, #tpu.memory_space<hbm>>, %arg3: memref<2560x128xi32, #tpu.memory_space<hbm>>, %arg4: memref<2560x128xi32, #tpu.memory_space<hbm>>, %arg5: memref<2560x128xf32, #tpu.memory_space<hbm>>, %arg6: memref<1x10240x128xf32, #tpu.memory_space<hbm>>, %arg7: memref<10240x128xf32, #tpu.memory_space<vmem_shared>>, %arg8: memref<128x128xf32, #tpu.memory_space<vmem>>, %arg9: memref<128x128xf32, #tpu.memory_space<vmem>>, %arg10: memref<40x128xi32, #tpu.memory_space<vmem>>, %arg11: memref<40x128xi32, #tpu.memory_space<vmem>>, %arg12: memref<40x128xf32, #tpu.memory_space<vmem>>, %arg13: memref<!tpu.dma_semaphore, #tpu.memory_space<semaphore_mem>>, %arg14: memref<!tpu.dma_semaphore, #tpu.memory_space<semaphore_mem>>, %arg15: memref<!tpu.dma_semaphore, #tpu.memory_space<semaphore_mem>>, %arg16: memref<!tpu.dma_semaphore, #tpu.memory_space<semaphore_mem>>) attributes {dimension_semantics = [#tpu.dimension_semantics<core_parallel>, #tpu.dimension_semantics<subcore_parallel>], iteration_bounds = array<i64: 1, 16>, scalar_prefetch = 0 : i64, scratch_operands = 10 : i64, tpu.core_type = #tpu.core_type<sc_vector_subcore>, window_params = [{transform_indices = #map}, {transform_indices = #map}, {transform_indices = #map}, {transform_indices = #map}, {transform_indices = #map1}]} {
    %scan3A = arith.constant 0 : i32
    %scan3A_0 = arith.constant 0 : i32
    %scan3A_1 = arith.constant 128 : i32
    %scan3A_2 = arith.addi %scan3A_0, %scan3A_1 : i32
    %scan3A_3 = arith.constant 1 : i32
    %scan3A_4 = scf.for %scan3A_102 = %scan3A_0 to %scan3A_2 step %scan3A_3 iter_args(%scan3A_103 = %scan3A) -> (i32)  : i32 {
      %broadcast_in_dim3A = arith.constant 0.000000e+00 : f32
      %broadcast_in_dim3A_104 = vector.broadcast %broadcast_in_dim3A : f32 to vector<16xf32>
      %swap3A = arith.index_cast %scan3A_102 : i32 to index
      %swap3A_105 = arith.constant 0 : index
      %swap3A_106 = tpu.vector_load %arg8[%swap3A, %swap3A_105] {strides = array<i32>} : memref<128x128xf32, #tpu.memory_space<vmem>>, vector<16xf32>,
      tpu.vector_store %arg8[%swap3A, %swap3A_105], %broadcast_in_dim3A_104 {strides = array<i32>} : memref<128x128xf32, #tpu.memory_space<vmem>>, vector<16xf32>,
      %broadcast_in_dim3A_107 = arith.constant 0.000000e+00 : f32
      %broadcast_in_dim3A_108 = vector.broadcast %broadcast_in_dim3A_107 : f32 to vector<16xf32>
      %swap3A_109 = arith.index_cast %scan3A_102 : i32 to index
      %swap3A_110 = arith.constant 16 : index
      %swap3A_111 = tpu.vector_load %arg8[%swap3A_109, %swap3A_110] {strides = array<i32>} : memref<128x128xf32, #tpu.memory_space<vmem>>, vector<16xf32>,
      tpu.vector_store %arg8[%swap3A_109, %swap3A_110], %broadcast_in_dim3A_108 {strides = array<i32>} : memref<128x128xf32, #tpu.memory_space<vmem>>, vector<16xf32>,
      %broadcast_in_dim3A_112 = arith.constant 0.000000e+00 : f32
      %broadcast_in_dim3A_113 = vector.broadcast %broadcast_in_dim3A_112 : f32 to vector<16xf32>
      %swap3A_114 = arith.index_cast %scan3A_102 : i32 to index
      %swap3A_115 = arith.constant 32 : index
      %swap3A_116 = tpu.vector_load %arg8[%swap3A_114, %swap3A_115] {strides = array<i32>} : memref<128x128xf32, #tpu.memory_space<vmem>>, vector<16xf32>,
      tpu.vector_store %arg8[%swap3A_114, %swap3A_115], %broadcast_in_dim3A_113 {strides = array<i32>} : memref<128x128xf32, #tpu.memory_space<vmem>>, vector<16xf32>,
      %broadcast_in_dim3A_117 = arith.constant 0.000000e+00 : f32
      %broadcast_in_dim3A_118 = vector.broadcast %broadcast_in_dim3A_117 : f32 to vector<16xf32>
      %swap3A_119 = arith.index_cast %scan3A_102 : i32 to index
      %swap3A_120 = arith.constant 48 : index
      %swap3A_121 = tpu.vector_load %arg8[%swap3A_119, %swap3A_120] {strides = array<i32>} : memref<128x128xf32, #tpu.memory_space<vmem>>, vector<16xf32>,
      tpu.vector_store %arg8[%swap3A_119, %swap3A_120], %broadcast_in_dim3A_118 {strides = array<i32>} : memref<128x128xf32, #tpu.memory_space<vmem>>, vector<16xf32>,
      %broadcast_in_dim3A_122 = arith.constant 0.000000e+00 : f32
      %broadcast_in_dim3A_123 = vector.broadcast %broadcast_in_dim3A_122 : f32 to vector<16xf32>
      %swap3A_124 = arith.index_cast %scan3A_102 : i32 to index
      %swap3A_125 = arith.constant 64 : index
      %swap3A_126 = tpu.vector_load %arg8[%swap3A_124, %swap3A_125] {strides = array<i32>} : memref<128x128xf32, #tpu.memory_space<vmem>>, vector<16xf32>,
      tpu.vector_store %arg8[%swap3A_124, %swap3A_125], %broadcast_in_dim3A_123 {strides = array<i32>} : memref<128x128xf32, #tpu.memory_space<vmem>>, vector<16xf32>,
      %broadcast_in_dim3A_127 = arith.constant 0.000000e+00 : f32
      %broadcast_in_dim3A_128 = vector.broadcast %broadcast_in_dim3A_127 : f32 to vector<16xf32>
      %swap3A_129 = arith.index_cast %scan3A_102 : i32 to index
      %swap3A_130 = arith.constant 80 : index
      %swap3A_131 = tpu.vector_load %arg8[%swap3A_129, %swap3A_130] {strides = array<i32>} : memref<128x128xf32, #tpu.memory_space<vmem>>, vector<16xf32>,
      tpu.vector_store %arg8[%swap3A_129, %swap3A_130], %broadcast_in_dim3A_128 {strides = array<i32>} : memref<128x128xf32, #tpu.memory_space<vmem>>, vector<16xf32>,
      %broadcast_in_dim3A_132 = arith.constant 0.000000e+00 : f32
      %broadcast_in_dim3A_133 = vector.broadcast %broadcast_in_dim3A_132 : f32 to vector<16xf32>
      %swap3A_134 = arith.index_cast %scan3A_102 : i32 to index
      %swap3A_135 = arith.constant 96 : index
      %swap3A_136 = tpu.vector_load %arg8[%swap3A_134, %swap3A_135] {strides = array<i32>} : memref<128x128xf32, #tpu.memory_space<vmem>>, vector<16xf32>,
      tpu.vector_store %arg8[%swap3A_134, %swap3A_135], %broadcast_in_dim3A_133 {strides = array<i32>} : memref<128x128xf32, #tpu.memory_space<vmem>>, vector<16xf32>,
      %broadcast_in_dim3A_137 = arith.constant 0.000000e+00 : f32
      %broadcast_in_dim3A_138 = vector.broadcast %broadcast_in_dim3A_137 : f32 to vector<16xf32>
      %swap3A_139 = arith.index_cast %scan3A_102 : i32 to index
      %swap3A_140 = arith.constant 112 : index
      %swap3A_141 = tpu.vector_load %arg8[%swap3A_139, %swap3A_140] {strides = array<i32>} : memref<128x128xf32, #tpu.memory_space<vmem>>, vector<16xf32>,
      tpu.vector_store %arg8[%swap3A_139, %swap3A_140], %broadcast_in_dim3A_138 {strides = array<i32>} : memref<128x128xf32, #tpu.memory_space<vmem>>, vector<16xf32>,
      %scan3A_142 = arith.constant 0 : i32
      scf.yield %scan3A_142 : i32
    }
    %scan3A_5 = arith.constant 128 : i32
    %mul3A = arith.constant 640 : i32
    %mul3A_6 = arith.muli %arg1, %mul3A : i32
    %add3A = arith.constant 0 : i32
    %add3A_7 = arith.addi %mul3A_6, %add3A : i32
    %dma_start3A = arith.constant 0 : i32
    %dma_start3A_8 = tpu.memref_slice %arg7[%add3A_7, %dma_start3A] : memref<10240x128xf32, #tpu.memory_space<vmem_shared>> -> memref<128x128xf32, #tpu.memory_space<vmem_shared>>
    %dma_start3A_9 = arith.constant 0 : i32
    %dma_start3A_10 = tpu.memref_slice %arg7[%add3A_7, %dma_start3A_9] : memref<10240x128xf32, #tpu.memory_space<vmem_shared>> -> memref<128x128xf32, #tpu.memory_space<vmem_shared>>
    tpu.enqueue_dma source(%arg8 : memref<128x128xf32, #tpu.memory_space<vmem>>) target(%dma_start3A_10 : memref<128x128xf32, #tpu.memory_space<vmem_shared>>) target_semaphore(%arg15 : memref<!tpu.dma_semaphore, #tpu.memory_space<semaphore_mem>>)
    %mul3A_11 = arith.constant 640 : i32
    %mul3A_12 = arith.muli %arg1, %mul3A_11 : i32
    %add3A_13 = arith.constant 128 : i32
    %add3A_14 = arith.addi %mul3A_12, %add3A_13 : i32
    %dma_start3A_15 = arith.constant 0 : i32
    %dma_start3A_16 = tpu.memref_slice %arg7[%add3A_14, %dma_start3A_15] : memref<10240x128xf32, #tpu.memory_space<vmem_shared>> -> memref<128x128xf32, #tpu.memory_space<vmem_shared>>
    %dma_start3A_17 = arith.constant 0 : i32
    %dma_start3A_18 = tpu.memref_slice %arg7[%add3A_14, %dma_start3A_17] : memref<10240x128xf32, #tpu.memory_space<vmem_shared>> -> memref<128x128xf32, #tpu.memory_space<vmem_shared>>
    tpu.enqueue_dma source(%arg8 : memref<128x128xf32, #tpu.memory_space<vmem>>) target(%dma_start3A_18 : memref<128x128xf32, #tpu.memory_space<vmem_shared>>) target_semaphore(%arg15 : memref<!tpu.dma_semaphore, #tpu.memory_space<semaphore_mem>>)
    %mul3A_19 = arith.constant 640 : i32
    %mul3A_20 = arith.muli %arg1, %mul3A_19 : i32
    %add3A_21 = arith.constant 256 : i32
    %add3A_22 = arith.addi %mul3A_20, %add3A_21 : i32
    %dma_start3A_23 = arith.constant 0 : i32
    %dma_start3A_24 = tpu.memref_slice %arg7[%add3A_22, %dma_start3A_23] : memref<10240x128xf32, #tpu.memory_space<vmem_shared>> -> memref<128x128xf32, #tpu.memory_space<vmem_shared>>
    %dma_start3A_25 = arith.constant 0 : i32
    %dma_start3A_26 = tpu.memref_slice %arg7[%add3A_22, %dma_start3A_25] : memref<10240x128xf32, #tpu.memory_space<vmem_shared>> -> memref<128x128xf32, #tpu.memory_space<vmem_shared>>
    tpu.enqueue_dma source(%arg8 : memref<128x128xf32, #tpu.memory_space<vmem>>) target(%dma_start3A_26 : memref<128x128xf32, #tpu.memory_space<vmem_shared>>) target_semaphore(%arg15 : memref<!tpu.dma_semaphore, #tpu.memory_space<semaphore_mem>>)
    %mul3A_27 = arith.constant 640 : i32
    %mul3A_28 = arith.muli %arg1, %mul3A_27 : i32
    %add3A_29 = arith.constant 384 : i32
    %add3A_30 = arith.addi %mul3A_28, %add3A_29 : i32
    %dma_start3A_31 = arith.constant 0 : i32
    %dma_start3A_32 = tpu.memref_slice %arg7[%add3A_30, %dma_start3A_31] : memref<10240x128xf32, #tpu.memory_space<vmem_shared>> -> memref<128x128xf32, #tpu.memory_space<vmem_shared>>
    %dma_start3A_33 = arith.constant 0 : i32
    %dma_start3A_34 = tpu.memref_slice %arg7[%add3A_30, %dma_start3A_33] : memref<10240x128xf32, #tpu.memory_space<vmem_shared>> -> memref<128x128xf32, #tpu.memory_space<vmem_shared>>
    tpu.enqueue_dma source(%arg8 : memref<128x128xf32, #tpu.memory_space<vmem>>) target(%dma_start3A_34 : memref<128x128xf32, #tpu.memory_space<vmem_shared>>) target_semaphore(%arg15 : memref<!tpu.dma_semaphore, #tpu.memory_space<semaphore_mem>>)
    %mul3A_35 = arith.constant 640 : i32
    %mul3A_36 = arith.muli %arg1, %mul3A_35 : i32
    %add3A_37 = arith.constant 512 : i32
    %add3A_38 = arith.addi %mul3A_36, %add3A_37 : i32
    %dma_start3A_39 = arith.constant 0 : i32
    %dma_start3A_40 = tpu.memref_slice %arg7[%add3A_38, %dma_start3A_39] : memref<10240x128xf32, #tpu.memory_space<vmem_shared>> -> memref<128x128xf32, #tpu.memory_space<vmem_shared>>
    %dma_start3A_41 = arith.constant 0 : i32
    %dma_start3A_42 = tpu.memref_slice %arg7[%add3A_38, %dma_start3A_41] : memref<10240x128xf32, #tpu.memory_space<vmem_shared>> -> memref<128x128xf32, #tpu.memory_space<vmem_shared>>
    tpu.enqueue_dma source(%arg8 : memref<128x128xf32, #tpu.memory_space<vmem>>) target(%dma_start3A_42 : memref<128x128xf32, #tpu.memory_space<vmem_shared>>) target_semaphore(%arg15 : memref<!tpu.dma_semaphore, #tpu.memory_space<semaphore_mem>>)
    %mul3A_43 = arith.constant 640 : i32
    %mul3A_44 = arith.muli %arg1, %mul3A_43 : i32
    %add3A_45 = arith.constant 0 : i32
    %add3A_46 = arith.addi %mul3A_44, %add3A_45 : i32
    %dma_wait3A = arith.constant 0 : i32
    %dma_wait3A_47 = tpu.memref_slice %arg7[%add3A_46, %dma_wait3A] : memref<10240x128xf32, #tpu.memory_space<vmem_shared>> -> memref<128x128xf32, #tpu.memory_space<vmem_shared>>
    %dma_wait3A_48 = arith.constant 0 : i32
    %dma_wait3A_49 = tpu.memref_slice %arg7[%add3A_46, %dma_wait3A_48] : memref<10240x128xf32, #tpu.memory_space<vmem_shared>> -> memref<128x128xf32, #tpu.memory_space<vmem_shared>>
    tpu.wait_dma2 semaphore(%arg15 : memref<!tpu.dma_semaphore, #tpu.memory_space<semaphore_mem>>) src(%arg8 : memref<128x128xf32, #tpu.memory_space<vmem>>) dst(%dma_wait3A_49 : memref<128x128xf32, #tpu.memory_space<vmem_shared>>)
    %mul3A_50 = arith.constant 640 : i32
    %mul3A_51 = arith.muli %arg1, %mul3A_50 : i32
    %add3A_52 = arith.constant 128 : i32
    %add3A_53 = arith.addi %mul3A_51, %add3A_52 : i32
    %dma_wait3A_54 = arith.constant 0 : i32
    %dma_wait3A_55 = tpu.memref_slice %arg7[%add3A_53, %dma_wait3A_54] : memref<10240x128xf32, #tpu.memory_space<vmem_shared>> -> memref<128x128xf32, #tpu.memory_space<vmem_shared>>
    %dma_wait3A_56 = arith.constant 0 : i32
    %dma_wait3A_57 = tpu.memref_slice %arg7[%add3A_53, %dma_wait3A_56] : memref<10240x128xf32, #tpu.memory_space<vmem_shared>> -> memref<128x128xf32, #tpu.memory_space<vmem_shared>>
    tpu.wait_dma2 semaphore(%arg15 : memref<!tpu.dma_semaphore, #tpu.memory_space<semaphore_mem>>) src(%arg8 : memref<128x128xf32, #tpu.memory_space<vmem>>) dst(%dma_wait3A_57 : memref<128x128xf32, #tpu.memory_space<vmem_shared>>)
    %mul3A_58 = arith.constant 640 : i32
    %mul3A_59 = arith.muli %arg1, %mul3A_58 : i32
    %add3A_60 = arith.constant 256 : i32
    %add3A_61 = arith.addi %mul3A_59, %add3A_60 : i32
    %dma_wait3A_62 = arith.constant 0 : i32
    %dma_wait3A_63 = tpu.memref_slice %arg7[%add3A_61, %dma_wait3A_62] : memref<10240x128xf32, #tpu.memory_space<vmem_shared>> -> memref<128x128xf32, #tpu.memory_space<vmem_shared>>
    %dma_wait3A_64 = arith.constant 0 : i32
    %dma_wait3A_65 = tpu.memref_slice %arg7[%add3A_61, %dma_wait3A_64] : memref<10240x128xf32, #tpu.memory_space<vmem_shared>> -> memref<128x128xf32, #tpu.memory_space<vmem_shared>>
    tpu.wait_dma2 semaphore(%arg15 : memref<!tpu.dma_semaphore, #tpu.memory_space<semaphore_mem>>) src(%arg8 : memref<128x128xf32, #tpu.memory_space<vmem>>) dst(%dma_wait3A_65 : memref<128x128xf32, #tpu.memory_space<vmem_shared>>)
    %mul3A_66 = arith.constant 640 : i32
    %mul3A_67 = arith.muli %arg1, %mul3A_66 : i32
    %add3A_68 = arith.constant 384 : i32
    %add3A_69 = arith.addi %mul3A_67, %add3A_68 : i32
    %dma_wait3A_70 = arith.constant 0 : i32
    %dma_wait3A_71 = tpu.memref_slice %arg7[%add3A_69, %dma_wait3A_70] : memref<10240x128xf32, #tpu.memory_space<vmem_shared>> -> memref<128x128xf32, #tpu.memory_space<vmem_shared>>
    %dma_wait3A_72 = arith.constant 0 : i32
    %dma_wait3A_73 = tpu.memref_slice %arg7[%add3A_69, %dma_wait3A_72] : memref<10240x128xf32, #tpu.memory_space<vmem_shared>> -> memref<128x128xf32, #tpu.memory_space<vmem_shared>>
    tpu.wait_dma2 semaphore(%arg15 : memref<!tpu.dma_semaphore, #tpu.memory_space<semaphore_mem>>) src(%arg8 : memref<128x128xf32, #tpu.memory_space<vmem>>) dst(%dma_wait3A_73 : memref<128x128xf32, #tpu.memory_space<vmem_shared>>)
    %mul3A_74 = arith.constant 640 : i32
    %mul3A_75 = arith.muli %arg1, %mul3A_74 : i32
    %add3A_76 = arith.constant 512 : i32
    %add3A_77 = arith.addi %mul3A_75, %add3A_76 : i32
    %dma_wait3A_78 = arith.constant 0 : i32
    %dma_wait3A_79 = tpu.memref_slice %arg7[%add3A_77, %dma_wait3A_78] : memref<10240x128xf32, #tpu.memory_space<vmem_shared>> -> memref<128x128xf32, #tpu.memory_space<vmem_shared>>
    %dma_wait3A_80 = arith.constant 0 : i32
    %dma_wait3A_81 = tpu.memref_slice %arg7[%add3A_77, %dma_wait3A_80] : memref<10240x128xf32, #tpu.memory_space<vmem_shared>> -> memref<128x128xf32, #tpu.memory_space<vmem_shared>>
    tpu.wait_dma2 semaphore(%arg15 : memref<!tpu.dma_semaphore, #tpu.memory_space<semaphore_mem>>) src(%arg8 : memref<128x128xf32, #tpu.memory_space<vmem>>) dst(%dma_wait3A_81 : memref<128x128xf32, #tpu.memory_space<vmem_shared>>)
    %barrier3A = arith.constant 0 : index
    tpu.barrier barrier_id(%barrier3A)
    %scan3A_82 = arith.constant 0 : i32
    %scan3A_83 = arith.constant 0 : i32
    %scan3A_84 = arith.constant 4 : i32
    %scan3A_85 = arith.addi %scan3A_83, %scan3A_84 : i32
    %scan3A_86 = arith.constant 1 : i32
    %scan3A_87 = scf.for %scan3A_102 = %scan3A_83 to %scan3A_85 step %scan3A_86 iter_args(%scan3A_103 = %scan3A_82) -> (i32)  : i32 {
      %mul3A_104 = arith.constant 160 : i32
      %mul3A_105 = arith.muli %arg1, %mul3A_104 : i32
      %mul3A_106 = arith.constant 40 : i32
      %mul3A_107 = arith.muli %scan3A_102, %mul3A_106 : i32
      %add3A_108 = arith.addi %mul3A_105, %mul3A_107 : i32
      %multiple_of3A = tpu.assume_multiple %add3A_108, 8 : i32
      %dma_start3A_109 = arith.constant 0 : i32
      %dma_start3A_110 = tpu.memref_slice %arg3[%multiple_of3A, %dma_start3A_109] : memref<2560x128xi32, #tpu.memory_space<hbm>> -> memref<40x128xi32, #tpu.memory_space<hbm>>
      %dma_start3A_111 = arith.constant 0 : i32
      %dma_start3A_112 = tpu.memref_slice %arg3[%multiple_of3A, %dma_start3A_111] : memref<2560x128xi32, #tpu.memory_space<hbm>> -> memref<40x128xi32, #tpu.memory_space<hbm>>
      tpu.enqueue_dma source(%dma_start3A_112 : memref<40x128xi32, #tpu.memory_space<hbm>>) target(%arg10 : memref<40x128xi32, #tpu.memory_space<vmem>>) target_semaphore(%arg16 : memref<!tpu.dma_semaphore, #tpu.memory_space<semaphore_mem>>)
      %dma_start3A_113 = arith.constant 0 : i32
      %dma_start3A_114 = tpu.memref_slice %arg4[%multiple_of3A, %dma_start3A_113] : memref<2560x128xi32, #tpu.memory_space<hbm>> -> memref<40x128xi32, #tpu.memory_space<hbm>>
      %dma_start3A_115 = arith.constant 0 : i32
      %dma_start3A_116 = tpu.memref_slice %arg4[%multiple_of3A, %dma_start3A_115] : memref<2560x128xi32, #tpu.memory_space<hbm>> -> memref<40x128xi32, #tpu.memory_space<hbm>>
      tpu.enqueue_dma source(%dma_start3A_116 : memref<40x128xi32, #tpu.memory_space<hbm>>) target(%arg11 : memref<40x128xi32, #tpu.memory_space<vmem>>) target_semaphore(%arg16 : memref<!tpu.dma_semaphore, #tpu.memory_space<semaphore_mem>>)
      %dma_start3A_117 = arith.constant 0 : i32
      %dma_start3A_118 = tpu.memref_slice %arg5[%multiple_of3A, %dma_start3A_117] : memref<2560x128xf32, #tpu.memory_space<hbm>> -> memref<40x128xf32, #tpu.memory_space<hbm>>
      %dma_start3A_119 = arith.constant 0 : i32
      %dma_start3A_120 = tpu.memref_slice %arg5[%multiple_of3A, %dma_start3A_119] : memref<2560x128xf32, #tpu.memory_space<hbm>> -> memref<40x128xf32, #tpu.memory_space<hbm>>
      tpu.enqueue_dma source(%dma_start3A_120 : memref<40x128xf32, #tpu.memory_space<hbm>>) target(%arg12 : memref<40x128xf32, #tpu.memory_space<vmem>>) target_semaphore(%arg16 : memref<!tpu.dma_semaphore, #tpu.memory_space<semaphore_mem>>)
      %dma_wait3A_121 = arith.constant 0 : i32
      %dma_wait3A_122 = tpu.memref_slice %arg3[%multiple_of3A, %dma_wait3A_121] : memref<2560x128xi32, #tpu.memory_space<hbm>> -> memref<40x128xi32, #tpu.memory_space<hbm>>
      %dma_wait3A_123 = arith.constant 0 : i32
      %dma_wait3A_124 = tpu.memref_slice %arg3[%multiple_of3A, %dma_wait3A_123] : memref<2560x128xi32, #tpu.memory_space<hbm>> -> memref<40x128xi32, #tpu.memory_space<hbm>>
      tpu.wait_dma2 semaphore(%arg16 : memref<!tpu.dma_semaphore, #tpu.memory_space<semaphore_mem>>) src(%dma_wait3A_124 : memref<40x128xi32, #tpu.memory_space<hbm>>) dst(%arg10 : memref<40x128xi32, #tpu.memory_space<vmem>>)
      %dma_wait3A_125 = arith.constant 0 : i32
      %dma_wait3A_126 = tpu.memref_slice %arg4[%multiple_of3A, %dma_wait3A_125] : memref<2560x128xi32, #tpu.memory_space<hbm>> -> memref<40x128xi32, #tpu.memory_space<hbm>>
      %dma_wait3A_127 = arith.constant 0 : i32
      %dma_wait3A_128 = tpu.memref_slice %arg4[%multiple_of3A, %dma_wait3A_127] : memref<2560x128xi32, #tpu.memory_space<hbm>> -> memref<40x128xi32, #tpu.memory_space<hbm>>
      tpu.wait_dma2 semaphore(%arg16 : memref<!tpu.dma_semaphore, #tpu.memory_space<semaphore_mem>>) src(%dma_wait3A_128 : memref<40x128xi32, #tpu.memory_space<hbm>>) dst(%arg11 : memref<40x128xi32, #tpu.memory_space<vmem>>)
      %dma_wait3A_129 = arith.constant 0 : i32
      %dma_wait3A_130 = tpu.memref_slice %arg5[%multiple_of3A, %dma_wait3A_129] : memref<2560x128xf32, #tpu.memory_space<hbm>> -> memref<40x128xf32, #tpu.memory_space<hbm>>
      %dma_wait3A_131 = arith.constant 0 : i32
      %dma_wait3A_132 = tpu.memref_slice %arg5[%multiple_of3A, %dma_wait3A_131] : memref<2560x128xf32, #tpu.memory_space<hbm>> -> memref<40x128xf32, #tpu.memory_space<hbm>>
      tpu.wait_dma2 semaphore(%arg16 : memref<!tpu.dma_semaphore, #tpu.memory_space<semaphore_mem>>) src(%dma_wait3A_132 : memref<40x128xf32, #tpu.memory_space<hbm>>) dst(%arg12 : memref<40x128xf32, #tpu.memory_space<vmem>>)
      %dma_start3A_133 = arith.constant 0 : i32
      %dma_start3A_134 = arith.constant 0 : i32
      %dma_start3A_135 = tpu.memref_slice %arg10[%dma_start3A_133, %dma_start3A_134] : memref<40x128xi32, #tpu.memory_space<vmem>> -> memref<1x128xi32, #tpu.memory_space<vmem>>
      %dma_start3A_136 = tpu.memref_squeeze %dma_start3A_135 : memref<1x128xi32, #tpu.memory_space<vmem>> -> memref<128xi32, #tpu.memory_space<vmem>>
      %dma_start3A_137 = arith.constant 0 : i32
      %dma_start3A_138 = arith.constant 0 : i32
      %dma_start3A_139 = tpu.memref_slice %arg2[%dma_start3A_137, %dma_start3A_138] : memref<10000x128xf32, #tpu.memory_space<hbm>> -> memref<10000x128xf32, #tpu.memory_space<hbm>>
      tpu.enqueue_indirect_dma source(%dma_start3A_139 : memref<10000x128xf32, #tpu.memory_space<hbm>>) target(%arg8 : memref<128x128xf32, #tpu.memory_space<vmem>>) offsets(%dma_start3A_136 : memref<128xi32, #tpu.memory_space<vmem>>) semaphore(%arg13 : memref<!tpu.dma_semaphore, #tpu.memory_space<semaphore_mem>>)
      %dma_start3A_140 = arith.constant 1 : i32
      %dma_start3A_141 = arith.constant 0 : i32
      %dma_start3A_142 = tpu.memref_slice %arg10[%dma_start3A_140, %dma_start3A_141] : memref<40x128xi32, #tpu.memory_space<vmem>> -> memref<1x128xi32, #tpu.memory_space<vmem>>
      %dma_start3A_143 = tpu.memref_squeeze %dma_start3A_142 : memref<1x128xi32, #tpu.memory_space<vmem>> -> memref<128xi32, #tpu.memory_space<vmem>>
      %dma_start3A_144 = arith.constant 0 : i32
      %dma_start3A_145 = arith.constant 0 : i32
      %dma_start3A_146 = tpu.memref_slice %arg2[%dma_start3A_144, %dma_start3A_145] : memref<10000x128xf32, #tpu.memory_space<hbm>> -> memref<10000x128xf32, #tpu.memory_space<hbm>>
      tpu.enqueue_indirect_dma source(%dma_start3A_146 : memref<10000x128xf32, #tpu.memory_space<hbm>>) target(%arg9 : memref<128x128xf32, #tpu.memory_space<vmem>>) offsets(%dma_start3A_143 : memref<128xi32, #tpu.memory_space<vmem>>) semaphore(%arg14 : memref<!tpu.dma_semaphore, #tpu.memory_space<semaphore_mem>>)
      %scan3A_147 = arith.constant 0 : i32
      %scan3A_148 = arith.constant 0 : i32
      %scan3A_149 = arith.constant 20 : i32
      %scan3A_150 = arith.addi %scan3A_148, %scan3A_149 : i32
      %scan3A_151 = arith.constant 1 : i32
      %scan3A_152 = scf.for %scan3A_155 = %scan3A_148 to %scan3A_150 step %scan3A_151 iter_args(%scan3A_156 = %scan3A_147) -> (i32)  : i32 {
        %mul3A_157 = arith.constant 2 : i32
        %mul3A_158 = arith.muli %mul3A_157, %scan3A_155 : i32
        %add3A_159 = arith.constant 0 : i32
        %add3A_160 = arith.addi %mul3A_158, %add3A_159 : i32
        %dma_wait3A_161 = arith.constant 0 : i32
        %dma_wait3A_162 = tpu.memref_slice %arg10[%add3A_160, %dma_wait3A_161] : memref<40x128xi32, #tpu.memory_space<vmem>> -> memref<1x128xi32, #tpu.memory_space<vmem>>
        %dma_wait3A_163 = tpu.memref_squeeze %dma_wait3A_162 : memref<1x128xi32, #tpu.memory_space<vmem>> -> memref<128xi32, #tpu.memory_space<vmem>>
        %dma_wait3A_164 = arith.constant 0 : i32
        %dma_wait3A_165 = arith.constant 0 : i32
        %dma_wait3A_166 = tpu.memref_slice %arg2[%dma_wait3A_164, %dma_wait3A_165] : memref<10000x128xf32, #tpu.memory_space<hbm>> -> memref<10000x128xf32, #tpu.memory_space<hbm>>
        tpu.wait_indirect_dma semaphore(%arg13 : memref<!tpu.dma_semaphore, #tpu.memory_space<semaphore_mem>>) src(%dma_wait3A_166 : memref<10000x128xf32, #tpu.memory_space<hbm>>) dst(%arg8 : memref<128x128xf32, #tpu.memory_space<vmem>>)
        %parallel_loop3A = arith.constant 0 : i32
        %parallel_loop3A_167 = arith.constant 128 : i32
        %parallel_loop3A_168 = arith.constant 1 : i32
        scf.for %parallel_loop3A_194 = %parallel_loop3A to %parallel_loop3A_167 step %parallel_loop3A_168  : i32 {
          %parallel_loop3A_195 = vector.broadcast %add3A_160 : i32 to vector<16xi32>
          %parallel_loop3A_196 = vector.broadcast %parallel_loop3A_194 : i32 to vector<16xi32>
          %parallel_loop3A_197 = tpu.vector_load_idx %arg12[%parallel_loop3A_195, %parallel_loop3A_196] : memref<40x128xf32, #tpu.memory_space<vmem>>[vector<16xi32>, vector<16xi32>], vector<16xf32>,
          %parallel_loop3A_198 = arith.index_cast %parallel_loop3A_194 : i32 to index
          %parallel_loop3A_199 = arith.constant 0 : index
          %parallel_loop3A_200 = tpu.vector_load %arg8[%parallel_loop3A_198, %parallel_loop3A_199] {strides = array<i32>} : memref<128x128xf32, #tpu.memory_space<vmem>>, vector<16xf32>,
          %parallel_loop3A_201 = arith.mulf %parallel_loop3A_200, %parallel_loop3A_197 : vector<16xf32>
          %parallel_loop3A_202 = arith.index_cast %parallel_loop3A_194 : i32 to index
          %parallel_loop3A_203 = arith.constant 0 : index
          %parallel_loop3A_204 = tpu.vector_load %arg8[%parallel_loop3A_202, %parallel_loop3A_203] {strides = array<i32>} : memref<128x128xf32, #tpu.memory_space<vmem>>, vector<16xf32>,
          tpu.vector_store %arg8[%parallel_loop3A_202, %parallel_loop3A_203], %parallel_loop3A_201 {strides = array<i32>} : memref<128x128xf32, #tpu.memory_space<vmem>>, vector<16xf32>,
          %parallel_loop3A_205 = arith.index_cast %parallel_loop3A_194 : i32 to index
          %parallel_loop3A_206 = arith.constant 16 : index
          %parallel_loop3A_207 = tpu.vector_load %arg8[%parallel_loop3A_205, %parallel_loop3A_206] {strides = array<i32>} : memref<128x128xf32, #tpu.memory_space<vmem>>, vector<16xf32>,
          %parallel_loop3A_208 = arith.mulf %parallel_loop3A_207, %parallel_loop3A_197 : vector<16xf32>
          %parallel_loop3A_209 = arith.index_cast %parallel_loop3A_194 : i32 to index
          %parallel_loop3A_210 = arith.constant 16 : index
          %parallel_loop3A_211 = tpu.vector_load %arg8[%parallel_loop3A_209, %parallel_loop3A_210] {strides = array<i32>} : memref<128x128xf32, #tpu.memory_space<vmem>>, vector<16xf32>,
          tpu.vector_store %arg8[%parallel_loop3A_209, %parallel_loop3A_210], %parallel_loop3A_208 {strides = array<i32>} : memref<128x128xf32, #tpu.memory_space<vmem>>, vector<16xf32>,
          %parallel_loop3A_212 = arith.index_cast %parallel_loop3A_194 : i32 to index
          %parallel_loop3A_213 = arith.constant 32 : index
          %parallel_loop3A_214 = tpu.vector_load %arg8[%parallel_loop3A_212, %parallel_loop3A_213] {strides = array<i32>} : memref<128x128xf32, #tpu.memory_space<vmem>>, vector<16xf32>,
          %parallel_loop3A_215 = arith.mulf %parallel_loop3A_214, %parallel_loop3A_197 : vector<16xf32>
          %parallel_loop3A_216 = arith.index_cast %parallel_loop3A_194 : i32 to index
          %parallel_loop3A_217 = arith.constant 32 : index
          %parallel_loop3A_218 = tpu.vector_load %arg8[%parallel_loop3A_216, %parallel_loop3A_217] {strides = array<i32>} : memref<128x128xf32, #tpu.memory_space<vmem>>, vector<16xf32>,
          tpu.vector_store %arg8[%parallel_loop3A_216, %parallel_loop3A_217], %parallel_loop3A_215 {strides = array<i32>} : memref<128x128xf32, #tpu.memory_space<vmem>>, vector<16xf32>,
          %parallel_loop3A_219 = arith.index_cast %parallel_loop3A_194 : i32 to index
          %parallel_loop3A_220 = arith.constant 48 : index
          %parallel_loop3A_221 = tpu.vector_load %arg8[%parallel_loop3A_219, %parallel_loop3A_220] {strides = array<i32>} : memref<128x128xf32, #tpu.memory_space<vmem>>, vector<16xf32>,
          %parallel_loop3A_222 = arith.mulf %parallel_loop3A_221, %parallel_loop3A_197 : vector<16xf32>
          %parallel_loop3A_223 = arith.index_cast %parallel_loop3A_194 : i32 to index
          %parallel_loop3A_224 = arith.constant 48 : index
          %parallel_loop3A_225 = tpu.vector_load %arg8[%parallel_loop3A_223, %parallel_loop3A_224] {strides = array<i32>} : memref<128x128xf32, #tpu.memory_space<vmem>>, vector<16xf32>,
          tpu.vector_store %arg8[%parallel_loop3A_223, %parallel_loop3A_224], %parallel_loop3A_222 {strides = array<i32>} : memref<128x128xf32, #tpu.memory_space<vmem>>, vector<16xf32>,
          %parallel_loop3A_226 = arith.index_cast %parallel_loop3A_194 : i32 to index
          %parallel_loop3A_227 = arith.constant 64 : index
          %parallel_loop3A_228 = tpu.vector_load %arg8[%parallel_loop3A_226, %parallel_loop3A_227] {strides = array<i32>} : memref<128x128xf32, #tpu.memory_space<vmem>>, vector<16xf32>,
          %parallel_loop3A_229 = arith.mulf %parallel_loop3A_228, %parallel_loop3A_197 : vector<16xf32>
          %parallel_loop3A_230 = arith.index_cast %parallel_loop3A_194 : i32 to index
          %parallel_loop3A_231 = arith.constant 64 : index
          %parallel_loop3A_232 = tpu.vector_load %arg8[%parallel_loop3A_230, %parallel_loop3A_231] {strides = array<i32>} : memref<128x128xf32, #tpu.memory_space<vmem>>, vector<16xf32>,
          tpu.vector_store %arg8[%parallel_loop3A_230, %parallel_loop3A_231], %parallel_loop3A_229 {strides = array<i32>} : memref<128x128xf32, #tpu.memory_space<vmem>>, vector<16xf32>,
          %parallel_loop3A_233 = arith.index_cast %parallel_loop3A_194 : i32 to index
          %parallel_loop3A_234 = arith.constant 80 : index
          %parallel_loop3A_235 = tpu.vector_load %arg8[%parallel_loop3A_233, %parallel_loop3A_234] {strides = array<i32>} : memref<128x128xf32, #tpu.memory_space<vmem>>, vector<16xf32>,
          %parallel_loop3A_236 = arith.mulf %parallel_loop3A_235, %parallel_loop3A_197 : vector<16xf32>
          %parallel_loop3A_237 = arith.index_cast %parallel_loop3A_194 : i32 to index
          %parallel_loop3A_238 = arith.constant 80 : index
          %parallel_loop3A_239 = tpu.vector_load %arg8[%parallel_loop3A_237, %parallel_loop3A_238] {strides = array<i32>} : memref<128x128xf32, #tpu.memory_space<vmem>>, vector<16xf32>,
          tpu.vector_store %arg8[%parallel_loop3A_237, %parallel_loop3A_238], %parallel_loop3A_236 {strides = array<i32>} : memref<128x128xf32, #tpu.memory_space<vmem>>, vector<16xf32>,
          %parallel_loop3A_240 = arith.index_cast %parallel_loop3A_194 : i32 to index
          %parallel_loop3A_241 = arith.constant 96 : index
          %parallel_loop3A_242 = tpu.vector_load %arg8[%parallel_loop3A_240, %parallel_loop3A_241] {strides = array<i32>} : memref<128x128xf32, #tpu.memory_space<vmem>>, vector<16xf32>,
          %parallel_loop3A_243 = arith.mulf %parallel_loop3A_242, %parallel_loop3A_197 : vector<16xf32>
          %parallel_loop3A_244 = arith.index_cast %parallel_loop3A_194 : i32 to index
          %parallel_loop3A_245 = arith.constant 96 : index
          %parallel_loop3A_246 = tpu.vector_load %arg8[%parallel_loop3A_244, %parallel_loop3A_245] {strides = array<i32>} : memref<128x128xf32, #tpu.memory_space<vmem>>, vector<16xf32>,
          tpu.vector_store %arg8[%parallel_loop3A_244, %parallel_loop3A_245], %parallel_loop3A_243 {strides = array<i32>} : memref<128x128xf32, #tpu.memory_space<vmem>>, vector<16xf32>,
          %parallel_loop3A_247 = arith.index_cast %parallel_loop3A_194 : i32 to index
          %parallel_loop3A_248 = arith.constant 112 : index
          %parallel_loop3A_249 = tpu.vector_load %arg8[%parallel_loop3A_247, %parallel_loop3A_248] {strides = array<i32>} : memref<128x128xf32, #tpu.memory_space<vmem>>, vector<16xf32>,
          %parallel_loop3A_250 = arith.mulf %parallel_loop3A_249, %parallel_loop3A_197 : vector<16xf32>
          %parallel_loop3A_251 = arith.index_cast %parallel_loop3A_194 : i32 to index
          %parallel_loop3A_252 = arith.constant 112 : index
          %parallel_loop3A_253 = tpu.vector_load %arg8[%parallel_loop3A_251, %parallel_loop3A_252] {strides = array<i32>} : memref<128x128xf32, #tpu.memory_space<vmem>>, vector<16xf32>,
          tpu.vector_store %arg8[%parallel_loop3A_251, %parallel_loop3A_252], %parallel_loop3A_250 {strides = array<i32>} : memref<128x128xf32, #tpu.memory_space<vmem>>, vector<16xf32>,
        } {sc.loop_unroll_factor = 4 : i64, sc.parallel_access}
        "tpu.region"() ({
          %run_scoped3A = tpu.sem_alloc : memref<!tpu.dma_semaphore, #tpu.memory_space<semaphore_mem>>
          %dma_start3A_194 = arith.constant 0 : i32
          %dma_start3A_195 = tpu.memref_slice %arg11[%add3A_160, %dma_start3A_194] : memref<40x128xi32, #tpu.memory_space<vmem>> -> memref<1x128xi32, #tpu.memory_space<vmem>>
          %dma_start3A_196 = tpu.memref_squeeze %dma_start3A_195 : memref<1x128xi32, #tpu.memory_space<vmem>> -> memref<128xi32, #tpu.memory_space<vmem>>
          %dma_start3A_197 = arith.constant 0 : i32
          %dma_start3A_198 = arith.constant 0 : i32
          %dma_start3A_199 = tpu.memref_slice %arg7[%dma_start3A_197, %dma_start3A_198] : memref<10240x128xf32, #tpu.memory_space<vmem_shared>> -> memref<10240x128xf32, #tpu.memory_space<vmem_shared>>
          tpu.enqueue_indirect_dma source(%arg8 : memref<128x128xf32, #tpu.memory_space<vmem>>) target(%dma_start3A_199 : memref<10240x128xf32, #tpu.memory_space<vmem_shared>>) offsets(%dma_start3A_196 : memref<128xi32, #tpu.memory_space<vmem>>) semaphore(%run_scoped3A : memref<!tpu.dma_semaphore, #tpu.memory_space<semaphore_mem>>) {add = true}
          %dma_wait3A_200 = arith.constant 0 : i32
          %dma_wait3A_201 = tpu.memref_slice %arg11[%add3A_160, %dma_wait3A_200] : memref<40x128xi32, #tpu.memory_space<vmem>> -> memref<1x128xi32, #tpu.memory_space<vmem>>
          %dma_wait3A_202 = tpu.memref_squeeze %dma_wait3A_201 : memref<1x128xi32, #tpu.memory_space<vmem>> -> memref<128xi32, #tpu.memory_space<vmem>>
          %dma_wait3A_203 = arith.constant 0 : i32
          %dma_wait3A_204 = arith.constant 0 : i32
          %dma_wait3A_205 = tpu.memref_slice %arg7[%dma_wait3A_203, %dma_wait3A_204] : memref<10240x128xf32, #tpu.memory_space<vmem_shared>> -> memref<10240x128xf32, #tpu.memory_space<vmem_shared>>
          tpu.wait_indirect_dma semaphore(%run_scoped3A : memref<!tpu.dma_semaphore, #tpu.memory_space<semaphore_mem>>) src(%arg8 : memref<128x128xf32, #tpu.memory_space<vmem>>) dst(%dma_wait3A_205 : memref<10240x128xf32, #tpu.memory_space<vmem_shared>>)
          tpu.yield
        }) : () -> ()
        %add3A_169 = arith.constant 2 : i32
        %add3A_170 = arith.addi %add3A_160, %add3A_169 : i32
        %lt3A = arith.constant 40 : i32
        %lt3A_171 = arith.cmpi slt, %add3A_170, %lt3A : i32
        %convert_element_type3A = arith.extui %lt3A_171 : i1 to i32
        %cond3A = arith.constant 0 : i32
        %cond3A_172 = arith.cmpi ne, %convert_element_type3A, %cond3A : i32
        scf.if %cond3A_172 {
          %add3A_194 = arith.constant 2 : i32
          %add3A_195 = arith.addi %add3A_160, %add3A_194 : i32
          %dma_start3A_196 = arith.constant 0 : i32
          %dma_start3A_197 = tpu.memref_slice %arg10[%add3A_195, %dma_start3A_196] : memref<40x128xi32, #tpu.memory_space<vmem>> -> memref<1x128xi32, #tpu.memory_space<vmem>>
          %dma_start3A_198 = tpu.memref_squeeze %dma_start3A_197 : memref<1x128xi32, #tpu.memory_space<vmem>> -> memref<128xi32, #tpu.memory_space<vmem>>
          %dma_start3A_199 = arith.constant 0 : i32
          %dma_start3A_200 = arith.constant 0 : i32
          %dma_start3A_201 = tpu.memref_slice %arg2[%dma_start3A_199, %dma_start3A_200] : memref<10000x128xf32, #tpu.memory_space<hbm>> -> memref<10000x128xf32, #tpu.memory_space<hbm>>
          tpu.enqueue_indirect_dma source(%dma_start3A_201 : memref<10000x128xf32, #tpu.memory_space<hbm>>) target(%arg8 : memref<128x128xf32, #tpu.memory_space<vmem>>) offsets(%dma_start3A_198 : memref<128xi32, #tpu.memory_space<vmem>>) semaphore(%arg13 : memref<!tpu.dma_semaphore, #tpu.memory_space<semaphore_mem>>)
        } else {
        }
        %mul3A_173 = arith.constant 2 : i32
        %mul3A_174 = arith.muli %mul3A_173, %scan3A_155 : i32
        %add3A_175 = arith.constant 1 : i32
        %add3A_176 = arith.addi %mul3A_174, %add3A_175 : i32
        %dma_wait3A_177 = arith.constant 0 : i32
        %dma_wait3A_178 = tpu.memref_slice %arg10[%add3A_176, %dma_wait3A_177] : memref<40x128xi32, #tpu.memory_space<vmem>> -> memref<1x128xi32, #tpu.memory_space<vmem>>
        %dma_wait3A_179 = tpu.memref_squeeze %dma_wait3A_178 : memref<1x128xi32, #tpu.memory_space<vmem>> -> memref<128xi32, #tpu.memory_space<vmem>>
        %dma_wait3A_180 = arith.constant 0 : i32
        %dma_wait3A_181 = arith.constant 0 : i32
        %dma_wait3A_182 = tpu.memref_slice %arg2[%dma_wait3A_180, %dma_wait3A_181] : memref<10000x128xf32, #tpu.memory_space<hbm>> -> memref<10000x128xf32, #tpu.memory_space<hbm>>
        tpu.wait_indirect_dma semaphore(%arg14 : memref<!tpu.dma_semaphore, #tpu.memory_space<semaphore_mem>>) src(%dma_wait3A_182 : memref<10000x128xf32, #tpu.memory_space<hbm>>) dst(%arg9 : memref<128x128xf32, #tpu.memory_space<vmem>>)
        %parallel_loop3A_183 = arith.constant 0 : i32
        %parallel_loop3A_184 = arith.constant 128 : i32
        %parallel_loop3A_185 = arith.constant 1 : i32
        scf.for %parallel_loop3A_194 = %parallel_loop3A_183 to %parallel_loop3A_184 step %parallel_loop3A_185  : i32 {
          %parallel_loop3A_195 = vector.broadcast %add3A_176 : i32 to vector<16xi32>
          %parallel_loop3A_196 = vector.broadcast %parallel_loop3A_194 : i32 to vector<16xi32>
          %parallel_loop3A_197 = tpu.vector_load_idx %arg12[%parallel_loop3A_195, %parallel_loop3A_196] : memref<40x128xf32, #tpu.memory_space<vmem>>[vector<16xi32>, vector<16xi32>], vector<16xf32>,
          %parallel_loop3A_198 = arith.index_cast %parallel_loop3A_194 : i32 to index
          %parallel_loop3A_199 = arith.constant 0 : index
          %parallel_loop3A_200 = tpu.vector_load %arg9[%parallel_loop3A_198, %parallel_loop3A_199] {strides = array<i32>} : memref<128x128xf32, #tpu.memory_space<vmem>>, vector<16xf32>,
          %parallel_loop3A_201 = arith.mulf %parallel_loop3A_200, %parallel_loop3A_197 : vector<16xf32>
          %parallel_loop3A_202 = arith.index_cast %parallel_loop3A_194 : i32 to index
          %parallel_loop3A_203 = arith.constant 0 : index
          %parallel_loop3A_204 = tpu.vector_load %arg9[%parallel_loop3A_202, %parallel_loop3A_203] {strides = array<i32>} : memref<128x128xf32, #tpu.memory_space<vmem>>, vector<16xf32>,
          tpu.vector_store %arg9[%parallel_loop3A_202, %parallel_loop3A_203], %parallel_loop3A_201 {strides = array<i32>} : memref<128x128xf32, #tpu.memory_space<vmem>>, vector<16xf32>,
          %parallel_loop3A_205 = arith.index_cast %parallel_loop3A_194 : i32 to index
          %parallel_loop3A_206 = arith.constant 16 : index
          %parallel_loop3A_207 = tpu.vector_load %arg9[%parallel_loop3A_205, %parallel_loop3A_206] {strides = array<i32>} : memref<128x128xf32, #tpu.memory_space<vmem>>, vector<16xf32>,
          %parallel_loop3A_208 = arith.mulf %parallel_loop3A_207, %parallel_loop3A_197 : vector<16xf32>
          %parallel_loop3A_209 = arith.index_cast %parallel_loop3A_194 : i32 to index
          %parallel_loop3A_210 = arith.constant 16 : index
          %parallel_loop3A_211 = tpu.vector_load %arg9[%parallel_loop3A_209, %parallel_loop3A_210] {strides = array<i32>} : memref<128x128xf32, #tpu.memory_space<vmem>>, vector<16xf32>,
          tpu.vector_store %arg9[%parallel_loop3A_209, %parallel_loop3A_210], %parallel_loop3A_208 {strides = array<i32>} : memref<128x128xf32, #tpu.memory_space<vmem>>, vector<16xf32>,
          %parallel_loop3A_212 = arith.index_cast %parallel_loop3A_194 : i32 to index
          %parallel_loop3A_213 = arith.constant 32 : index
          %parallel_loop3A_214 = tpu.vector_load %arg9[%parallel_loop3A_212, %parallel_loop3A_213] {strides = array<i32>} : memref<128x128xf32, #tpu.memory_space<vmem>>, vector<16xf32>,
          %parallel_loop3A_215 = arith.mulf %parallel_loop3A_214, %parallel_loop3A_197 : vector<16xf32>
          %parallel_loop3A_216 = arith.index_cast %parallel_loop3A_194 : i32 to index
          %parallel_loop3A_217 = arith.constant 32 : index
          %parallel_loop3A_218 = tpu.vector_load %arg9[%parallel_loop3A_216, %parallel_loop3A_217] {strides = array<i32>} : memref<128x128xf32, #tpu.memory_space<vmem>>, vector<16xf32>,
          tpu.vector_store %arg9[%parallel_loop3A_216, %parallel_loop3A_217], %parallel_loop3A_215 {strides = array<i32>} : memref<128x128xf32, #tpu.memory_space<vmem>>, vector<16xf32>,
          %parallel_loop3A_219 = arith.index_cast %parallel_loop3A_194 : i32 to index
          %parallel_loop3A_220 = arith.constant 48 : index
          %parallel_loop3A_221 = tpu.vector_load %arg9[%parallel_loop3A_219, %parallel_loop3A_220] {strides = array<i32>} : memref<128x128xf32, #tpu.memory_space<vmem>>, vector<16xf32>,
          %parallel_loop3A_222 = arith.mulf %parallel_loop3A_221, %parallel_loop3A_197 : vector<16xf32>
          %parallel_loop3A_223 = arith.index_cast %parallel_loop3A_194 : i32 to index
          %parallel_loop3A_224 = arith.constant 48 : index
          %parallel_loop3A_225 = tpu.vector_load %arg9[%parallel_loop3A_223, %parallel_loop3A_224] {strides = array<i32>} : memref<128x128xf32, #tpu.memory_space<vmem>>, vector<16xf32>,
          tpu.vector_store %arg9[%parallel_loop3A_223, %parallel_loop3A_224], %parallel_loop3A_222 {strides = array<i32>} : memref<128x128xf32, #tpu.memory_space<vmem>>, vector<16xf32>,
          %parallel_loop3A_226 = arith.index_cast %parallel_loop3A_194 : i32 to index
          %parallel_loop3A_227 = arith.constant 64 : index
          %parallel_loop3A_228 = tpu.vector_load %arg9[%parallel_loop3A_226, %parallel_loop3A_227] {strides = array<i32>} : memref<128x128xf32, #tpu.memory_space<vmem>>, vector<16xf32>,
          %parallel_loop3A_229 = arith.mulf %parallel_loop3A_228, %parallel_loop3A_197 : vector<16xf32>
          %parallel_loop3A_230 = arith.index_cast %parallel_loop3A_194 : i32 to index
          %parallel_loop3A_231 = arith.constant 64 : index
          %parallel_loop3A_232 = tpu.vector_load %arg9[%parallel_loop3A_230, %parallel_loop3A_231] {strides = array<i32>} : memref<128x128xf32, #tpu.memory_space<vmem>>, vector<16xf32>,
          tpu.vector_store %arg9[%parallel_loop3A_230, %parallel_loop3A_231], %parallel_loop3A_229 {strides = array<i32>} : memref<128x128xf32, #tpu.memory_space<vmem>>, vector<16xf32>,
          %parallel_loop3A_233 = arith.index_cast %parallel_loop3A_194 : i32 to index
          %parallel_loop3A_234 = arith.constant 80 : index
          %parallel_loop3A_235 = tpu.vector_load %arg9[%parallel_loop3A_233, %parallel_loop3A_234] {strides = array<i32>} : memref<128x128xf32, #tpu.memory_space<vmem>>, vector<16xf32>,
          %parallel_loop3A_236 = arith.mulf %parallel_loop3A_235, %parallel_loop3A_197 : vector<16xf32>
          %parallel_loop3A_237 = arith.index_cast %parallel_loop3A_194 : i32 to index
          %parallel_loop3A_238 = arith.constant 80 : index
          %parallel_loop3A_239 = tpu.vector_load %arg9[%parallel_loop3A_237, %parallel_loop3A_238] {strides = array<i32>} : memref<128x128xf32, #tpu.memory_space<vmem>>, vector<16xf32>,
          tpu.vector_store %arg9[%parallel_loop3A_237, %parallel_loop3A_238], %parallel_loop3A_236 {strides = array<i32>} : memref<128x128xf32, #tpu.memory_space<vmem>>, vector<16xf32>,
          %parallel_loop3A_240 = arith.index_cast %parallel_loop3A_194 : i32 to index
          %parallel_loop3A_241 = arith.constant 96 : index
          %parallel_loop3A_242 = tpu.vector_load %arg9[%parallel_loop3A_240, %parallel_loop3A_241] {strides = array<i32>} : memref<128x128xf32, #tpu.memory_space<vmem>>, vector<16xf32>,
          %parallel_loop3A_243 = arith.mulf %parallel_loop3A_242, %parallel_loop3A_197 : vector<16xf32>
          %parallel_loop3A_244 = arith.index_cast %parallel_loop3A_194 : i32 to index
          %parallel_loop3A_245 = arith.constant 96 : index
          %parallel_loop3A_246 = tpu.vector_load %arg9[%parallel_loop3A_244, %parallel_loop3A_245] {strides = array<i32>} : memref<128x128xf32, #tpu.memory_space<vmem>>, vector<16xf32>,
          tpu.vector_store %arg9[%parallel_loop3A_244, %parallel_loop3A_245], %parallel_loop3A_243 {strides = array<i32>} : memref<128x128xf32, #tpu.memory_space<vmem>>, vector<16xf32>,
          %parallel_loop3A_247 = arith.index_cast %parallel_loop3A_194 : i32 to index
          %parallel_loop3A_248 = arith.constant 112 : index
          %parallel_loop3A_249 = tpu.vector_load %arg9[%parallel_loop3A_247, %parallel_loop3A_248] {strides = array<i32>} : memref<128x128xf32, #tpu.memory_space<vmem>>, vector<16xf32>,
          %parallel_loop3A_250 = arith.mulf %parallel_loop3A_249, %parallel_loop3A_197 : vector<16xf32>
          %parallel_loop3A_251 = arith.index_cast %parallel_loop3A_194 : i32 to index
          %parallel_loop3A_252 = arith.constant 112 : index
          %parallel_loop3A_253 = tpu.vector_load %arg9[%parallel_loop3A_251, %parallel_loop3A_252] {strides = array<i32>} : memref<128x128xf32, #tpu.memory_space<vmem>>, vector<16xf32>,
          tpu.vector_store %arg9[%parallel_loop3A_251, %parallel_loop3A_252], %parallel_loop3A_250 {strides = array<i32>} : memref<128x128xf32, #tpu.memory_space<vmem>>, vector<16xf32>,
        } {sc.loop_unroll_factor = 4 : i64, sc.parallel_access}
        "tpu.region"() ({
          %run_scoped3A = tpu.sem_alloc : memref<!tpu.dma_semaphore, #tpu.memory_space<semaphore_mem>>
          %dma_start3A_194 = arith.constant 0 : i32
          %dma_start3A_195 = tpu.memref_slice %arg11[%add3A_176, %dma_start3A_194] : memref<40x128xi32, #tpu.memory_space<vmem>> -> memref<1x128xi32, #tpu.memory_space<vmem>>
          %dma_start3A_196 = tpu.memref_squeeze %dma_start3A_195 : memref<1x128xi32, #tpu.memory_space<vmem>> -> memref<128xi32, #tpu.memory_space<vmem>>
          %dma_start3A_197 = arith.constant 0 : i32
          %dma_start3A_198 = arith.constant 0 : i32
          %dma_start3A_199 = tpu.memref_slice %arg7[%dma_start3A_197, %dma_start3A_198] : memref<10240x128xf32, #tpu.memory_space<vmem_shared>> -> memref<10240x128xf32, #tpu.memory_space<vmem_shared>>
          tpu.enqueue_indirect_dma source(%arg9 : memref<128x128xf32, #tpu.memory_space<vmem>>) target(%dma_start3A_199 : memref<10240x128xf32, #tpu.memory_space<vmem_shared>>) offsets(%dma_start3A_196 : memref<128xi32, #tpu.memory_space<vmem>>) semaphore(%run_scoped3A : memref<!tpu.dma_semaphore, #tpu.memory_space<semaphore_mem>>) {add = true}
          %dma_wait3A_200 = arith.constant 0 : i32
          %dma_wait3A_201 = tpu.memref_slice %arg11[%add3A_176, %dma_wait3A_200] : memref<40x128xi32, #tpu.memory_space<vmem>> -> memref<1x128xi32, #tpu.memory_space<vmem>>
          %dma_wait3A_202 = tpu.memref_squeeze %dma_wait3A_201 : memref<1x128xi32, #tpu.memory_space<vmem>> -> memref<128xi32, #tpu.memory_space<vmem>>
          %dma_wait3A_203 = arith.constant 0 : i32
          %dma_wait3A_204 = arith.constant 0 : i32
          %dma_wait3A_205 = tpu.memref_slice %arg7[%dma_wait3A_203, %dma_wait3A_204] : memref<10240x128xf32, #tpu.memory_space<vmem_shared>> -> memref<10240x128xf32, #tpu.memory_space<vmem_shared>>
          tpu.wait_indirect_dma semaphore(%run_scoped3A : memref<!tpu.dma_semaphore, #tpu.memory_space<semaphore_mem>>) src(%arg9 : memref<128x128xf32, #tpu.memory_space<vmem>>) dst(%dma_wait3A_205 : memref<10240x128xf32, #tpu.memory_space<vmem_shared>>)
          tpu.yield
        }) : () -> ()
        %add3A_186 = arith.constant 2 : i32
        %add3A_187 = arith.addi %add3A_176, %add3A_186 : i32
        %lt3A_188 = arith.constant 40 : i32
        %lt3A_189 = arith.cmpi slt, %add3A_187, %lt3A_188 : i32
        %convert_element_type3A_190 = arith.extui %lt3A_189 : i1 to i32
        %cond3A_191 = arith.constant 0 : i32
        %cond3A_192 = arith.cmpi ne, %convert_element_type3A_190, %cond3A_191 : i32
        scf.if %cond3A_192 {
          %add3A_194 = arith.constant 2 : i32
          %add3A_195 = arith.addi %add3A_176, %add3A_194 : i32
          %dma_start3A_196 = arith.constant 0 : i32
          %dma_start3A_197 = tpu.memref_slice %arg10[%add3A_195, %dma_start3A_196] : memref<40x128xi32, #tpu.memory_space<vmem>> -> memref<1x128xi32, #tpu.memory_space<vmem>>
          %dma_start3A_198 = tpu.memref_squeeze %dma_start3A_197 : memref<1x128xi32, #tpu.memory_space<vmem>> -> memref<128xi32, #tpu.memory_space<vmem>>
          %dma_start3A_199 = arith.constant 0 : i32
          %dma_start3A_200 = arith.constant 0 : i32
          %dma_start3A_201 = tpu.memref_slice %arg2[%dma_start3A_199, %dma_start3A_200] : memref<10000x128xf32, #tpu.memory_space<hbm>> -> memref<10000x128xf32, #tpu.memory_space<hbm>>
          tpu.enqueue_indirect_dma source(%dma_start3A_201 : memref<10000x128xf32, #tpu.memory_space<hbm>>) target(%arg9 : memref<128x128xf32, #tpu.memory_space<vmem>>) offsets(%dma_start3A_198 : memref<128xi32, #tpu.memory_space<vmem>>) semaphore(%arg14 : memref<!tpu.dma_semaphore, #tpu.memory_space<semaphore_mem>>)
        } else {
        }
        %scan3A_193 = arith.constant 0 : i32
        scf.yield %scan3A_193 : i32
      }
      %scan3A_153 = arith.constant 20 : i32
      %scan3A_154 = arith.constant 0 : i32
      scf.yield %scan3A_154 : i32
    }
    %scan3A_88 = arith.constant 4 : i32
    %barrier3A_89 = arith.constant 0 : index
    tpu.barrier barrier_id(%barrier3A_89)
    %mul3A_90 = arith.constant 640 : i32
    %mul3A_91 = arith.muli %arg1, %mul3A_90 : i32
    %dma_start3A_92 = arith.constant 0 : i32
    %dma_start3A_93 = tpu.memref_slice %arg6[%arg0, %mul3A_91, %dma_start3A_92] : memref<1x10240x128xf32, #tpu.memory_space<hbm>> -> memref<1x640x128xf32, #tpu.memory_space<hbm>>
    %dma_start3A_94 = tpu.memref_squeeze %dma_start3A_93 : memref<1x640x128xf32, #tpu.memory_space<hbm>> -> memref<640x128xf32, #tpu.memory_space<hbm>>
    %dma_start3A_95 = arith.constant 0 : i32
    %dma_start3A_96 = tpu.memref_slice %arg7[%mul3A_91, %dma_start3A_95] : memref<10240x128xf32, #tpu.memory_space<vmem_shared>> -> memref<640x128xf32, #tpu.memory_space<vmem_shared>>
    tpu.enqueue_dma source(%dma_start3A_96 : memref<640x128xf32, #tpu.memory_space<vmem_shared>>) target(%dma_start3A_94 : memref<640x128xf32, #tpu.memory_space<hbm>>) target_semaphore(%arg15 : memref<!tpu.dma_semaphore, #tpu.memory_space<semaphore_mem>>)
    %dma_wait3A_97 = arith.constant 0 : i32
    %dma_wait3A_98 = tpu.memref_slice %arg6[%arg0, %mul3A_91, %dma_wait3A_97] : memref<1x10240x128xf32, #tpu.memory_space<hbm>> -> memref<1x640x128xf32, #tpu.memory_space<hbm>>
    %dma_wait3A_99 = tpu.memref_squeeze %dma_wait3A_98 : memref<1x640x128xf32, #tpu.memory_space<hbm>> -> memref<640x128xf32, #tpu.memory_space<hbm>>
    %dma_wait3A_100 = arith.constant 0 : i32
    %dma_wait3A_101 = tpu.memref_slice %arg7[%mul3A_91, %dma_wait3A_100] : memref<10240x128xf32, #tpu.memory_space<vmem_shared>> -> memref<640x128xf32, #tpu.memory_space<vmem_shared>>
    tpu.wait_dma2 semaphore(%arg15 : memref<!tpu.dma_semaphore, #tpu.memory_space<semaphore_mem>>) src(%dma_wait3A_101 : memref<640x128xf32, #tpu.memory_space<vmem_shared>>) dst(%dma_wait3A_99 : memref<640x128xf32, #tpu.memory_space<hbm>>)
    return
  }
}

#map = affine_map<(d0, d1) -> (0, 0)>
#map1 = affine_map<(d0, d1) -> (0, 0, 0)>
module attributes {stable_mosaic.version = 14 : i64} {
  func.func @_hop_body(%arg0: i32, %arg1: i32, %arg2: memref<10000x128xf32, #tpu.memory_space<hbm>>, %arg3: memref<2560x128xi32, #tpu.memory_space<hbm>>, %arg4: memref<2560x128xi32, #tpu.memory_space<hbm>>, %arg5: memref<2560x128xf32, #tpu.memory_space<hbm>>, %arg6: memref<1x10240x128xf32, #tpu.memory_space<hbm>>, %arg7: memref<10240x128xf32, #tpu.memory_space<vmem_shared>>, %arg8: memref<128x128xf32, #tpu.memory_space<vmem>>, %arg9: memref<128x128xf32, #tpu.memory_space<vmem>>, %arg10: memref<40x128xi32, #tpu.memory_space<vmem>>, %arg11: memref<40x128xi32, #tpu.memory_space<vmem>>, %arg12: memref<40x128xf32, #tpu.memory_space<vmem>>, %arg13: memref<!tpu.dma_semaphore, #tpu.memory_space<semaphore_mem>>, %arg14: memref<!tpu.dma_semaphore, #tpu.memory_space<semaphore_mem>>, %arg15: memref<!tpu.dma_semaphore, #tpu.memory_space<semaphore_mem>>, %arg16: memref<!tpu.dma_semaphore, #tpu.memory_space<semaphore_mem>>) attributes {dimension_semantics = [#tpu.dimension_semantics<core_parallel>, #tpu.dimension_semantics<subcore_parallel>], iteration_bounds = array<i64: 1, 16>, scalar_prefetch = 0 : i64, scratch_operands = 10 : i64, tpu.core_type = #tpu.core_type<sc_vector_subcore>, window_params = [{transform_indices = #map}, {transform_indices = #map}, {transform_indices = #map}, {transform_indices = #map}, {transform_indices = #map1}]} {
    %scan3A = arith.constant 0 : i32
    %scan3A_0 = arith.constant 0 : i32
    %scan3A_1 = arith.constant 128 : i32
    %scan3A_2 = arith.addi %scan3A_0, %scan3A_1 : i32
    %scan3A_3 = arith.constant 1 : i32
    %scan3A_4 = scf.for %scan3A_102 = %scan3A_0 to %scan3A_2 step %scan3A_3 iter_args(%scan3A_103 = %scan3A) -> (i32)  : i32 {
      %broadcast_in_dim3A = arith.constant 0.000000e+00 : f32
      %broadcast_in_dim3A_104 = vector.broadcast %broadcast_in_dim3A : f32 to vector<16xf32>
      %swap3A = arith.index_cast %scan3A_102 : i32 to index
      %swap3A_105 = arith.constant 0 : index
      %swap3A_106 = tpu.vector_load %arg8[%swap3A, %swap3A_105] {strides = array<i32>} : memref<128x128xf32, #tpu.memory_space<vmem>>, vector<16xf32>,
      tpu.vector_store %arg8[%swap3A, %swap3A_105], %broadcast_in_dim3A_104 {strides = array<i32>} : memref<128x128xf32, #tpu.memory_space<vmem>>, vector<16xf32>,
      %broadcast_in_dim3A_107 = arith.constant 0.000000e+00 : f32
      %broadcast_in_dim3A_108 = vector.broadcast %broadcast_in_dim3A_107 : f32 to vector<16xf32>
      %swap3A_109 = arith.index_cast %scan3A_102 : i32 to index
      %swap3A_110 = arith.constant 16 : index
      %swap3A_111 = tpu.vector_load %arg8[%swap3A_109, %swap3A_110] {strides = array<i32>} : memref<128x128xf32, #tpu.memory_space<vmem>>, vector<16xf32>,
      tpu.vector_store %arg8[%swap3A_109, %swap3A_110], %broadcast_in_dim3A_108 {strides = array<i32>} : memref<128x128xf32, #tpu.memory_space<vmem>>, vector<16xf32>,
      %broadcast_in_dim3A_112 = arith.constant 0.000000e+00 : f32
      %broadcast_in_dim3A_113 = vector.broadcast %broadcast_in_dim3A_112 : f32 to vector<16xf32>
      %swap3A_114 = arith.index_cast %scan3A_102 : i32 to index
      %swap3A_115 = arith.constant 32 : index
      %swap3A_116 = tpu.vector_load %arg8[%swap3A_114, %swap3A_115] {strides = array<i32>} : memref<128x128xf32, #tpu.memory_space<vmem>>, vector<16xf32>,
      tpu.vector_store %arg8[%swap3A_114, %swap3A_115], %broadcast_in_dim3A_113 {strides = array<i32>} : memref<128x128xf32, #tpu.memory_space<vmem>>, vector<16xf32>,
      %broadcast_in_dim3A_117 = arith.constant 0.000000e+00 : f32
      %broadcast_in_dim3A_118 = vector.broadcast %broadcast_in_dim3A_117 : f32 to vector<16xf32>
      %swap3A_119 = arith.index_cast %scan3A_102 : i32 to index
      %swap3A_120 = arith.constant 48 : index
      %swap3A_121 = tpu.vector_load %arg8[%swap3A_119, %swap3A_120] {strides = array<i32>} : memref<128x128xf32, #tpu.memory_space<vmem>>, vector<16xf32>,
      tpu.vector_store %arg8[%swap3A_119, %swap3A_120], %broadcast_in_dim3A_118 {strides = array<i32>} : memref<128x128xf32, #tpu.memory_space<vmem>>, vector<16xf32>,
      %broadcast_in_dim3A_122 = arith.constant 0.000000e+00 : f32
      %broadcast_in_dim3A_123 = vector.broadcast %broadcast_in_dim3A_122 : f32 to vector<16xf32>
      %swap3A_124 = arith.index_cast %scan3A_102 : i32 to index
      %swap3A_125 = arith.constant 64 : index
      %swap3A_126 = tpu.vector_load %arg8[%swap3A_124, %swap3A_125] {strides = array<i32>} : memref<128x128xf32, #tpu.memory_space<vmem>>, vector<16xf32>,
      tpu.vector_store %arg8[%swap3A_124, %swap3A_125], %broadcast_in_dim3A_123 {strides = array<i32>} : memref<128x128xf32, #tpu.memory_space<vmem>>, vector<16xf32>,
      %broadcast_in_dim3A_127 = arith.constant 0.000000e+00 : f32
      %broadcast_in_dim3A_128 = vector.broadcast %broadcast_in_dim3A_127 : f32 to vector<16xf32>
      %swap3A_129 = arith.index_cast %scan3A_102 : i32 to index
      %swap3A_130 = arith.constant 80 : index
      %swap3A_131 = tpu.vector_load %arg8[%swap3A_129, %swap3A_130] {strides = array<i32>} : memref<128x128xf32, #tpu.memory_space<vmem>>, vector<16xf32>,
      tpu.vector_store %arg8[%swap3A_129, %swap3A_130], %broadcast_in_dim3A_128 {strides = array<i32>} : memref<128x128xf32, #tpu.memory_space<vmem>>, vector<16xf32>,
      %broadcast_in_dim3A_132 = arith.constant 0.000000e+00 : f32
      %broadcast_in_dim3A_133 = vector.broadcast %broadcast_in_dim3A_132 : f32 to vector<16xf32>
      %swap3A_134 = arith.index_cast %scan3A_102 : i32 to index
      %swap3A_135 = arith.constant 96 : index
      %swap3A_136 = tpu.vector_load %arg8[%swap3A_134, %swap3A_135] {strides = array<i32>} : memref<128x128xf32, #tpu.memory_space<vmem>>, vector<16xf32>,
      tpu.vector_store %arg8[%swap3A_134, %swap3A_135], %broadcast_in_dim3A_133 {strides = array<i32>} : memref<128x128xf32, #tpu.memory_space<vmem>>, vector<16xf32>,
      %broadcast_in_dim3A_137 = arith.constant 0.000000e+00 : f32
      %broadcast_in_dim3A_138 = vector.broadcast %broadcast_in_dim3A_137 : f32 to vector<16xf32>
      %swap3A_139 = arith.index_cast %scan3A_102 : i32 to index
      %swap3A_140 = arith.constant 112 : index
      %swap3A_141 = tpu.vector_load %arg8[%swap3A_139, %swap3A_140] {strides = array<i32>} : memref<128x128xf32, #tpu.memory_space<vmem>>, vector<16xf32>,
      tpu.vector_store %arg8[%swap3A_139, %swap3A_140], %broadcast_in_dim3A_138 {strides = array<i32>} : memref<128x128xf32, #tpu.memory_space<vmem>>, vector<16xf32>,
      %scan3A_142 = arith.constant 0 : i32
      scf.yield %scan3A_142 : i32
    }
    %scan3A_5 = arith.constant 128 : i32
    %mul3A = arith.constant 640 : i32
    %mul3A_6 = arith.muli %arg1, %mul3A : i32
    %add3A = arith.constant 0 : i32
    %add3A_7 = arith.addi %mul3A_6, %add3A : i32
    %dma_start3A = arith.constant 0 : i32
    %dma_start3A_8 = tpu.memref_slice %arg7[%add3A_7, %dma_start3A] : memref<10240x128xf32, #tpu.memory_space<vmem_shared>> -> memref<128x128xf32, #tpu.memory_space<vmem_shared>>
    %dma_start3A_9 = arith.constant 0 : i32
    %dma_start3A_10 = tpu.memref_slice %arg7[%add3A_7, %dma_start3A_9] : memref<10240x128xf32, #tpu.memory_space<vmem_shared>> -> memref<128x128xf32, #tpu.memory_space<vmem_shared>>
    tpu.enqueue_dma source(%arg8 : memref<128x128xf32, #tpu.memory_space<vmem>>) target(%dma_start3A_10 : memref<128x128xf32, #tpu.memory_space<vmem_shared>>) target_semaphore(%arg15 : memref<!tpu.dma_semaphore, #tpu.memory_space<semaphore_mem>>)
    %mul3A_11 = arith.constant 640 : i32
    %mul3A_12 = arith.muli %arg1, %mul3A_11 : i32
    %add3A_13 = arith.constant 128 : i32
    %add3A_14 = arith.addi %mul3A_12, %add3A_13 : i32
    %dma_start3A_15 = arith.constant 0 : i32
    %dma_start3A_16 = tpu.memref_slice %arg7[%add3A_14, %dma_start3A_15] : memref<10240x128xf32, #tpu.memory_space<vmem_shared>> -> memref<128x128xf32, #tpu.memory_space<vmem_shared>>
    %dma_start3A_17 = arith.constant 0 : i32
    %dma_start3A_18 = tpu.memref_slice %arg7[%add3A_14, %dma_start3A_17] : memref<10240x128xf32, #tpu.memory_space<vmem_shared>> -> memref<128x128xf32, #tpu.memory_space<vmem_shared>>
    tpu.enqueue_dma source(%arg8 : memref<128x128xf32, #tpu.memory_space<vmem>>) target(%dma_start3A_18 : memref<128x128xf32, #tpu.memory_space<vmem_shared>>) target_semaphore(%arg15 : memref<!tpu.dma_semaphore, #tpu.memory_space<semaphore_mem>>)
    %mul3A_19 = arith.constant 640 : i32
    %mul3A_20 = arith.muli %arg1, %mul3A_19 : i32
    %add3A_21 = arith.constant 256 : i32
    %add3A_22 = arith.addi %mul3A_20, %add3A_21 : i32
    %dma_start3A_23 = arith.constant 0 : i32
    %dma_start3A_24 = tpu.memref_slice %arg7[%add3A_22, %dma_start3A_23] : memref<10240x128xf32, #tpu.memory_space<vmem_shared>> -> memref<128x128xf32, #tpu.memory_space<vmem_shared>>
    %dma_start3A_25 = arith.constant 0 : i32
    %dma_start3A_26 = tpu.memref_slice %arg7[%add3A_22, %dma_start3A_25] : memref<10240x128xf32, #tpu.memory_space<vmem_shared>> -> memref<128x128xf32, #tpu.memory_space<vmem_shared>>
    tpu.enqueue_dma source(%arg8 : memref<128x128xf32, #tpu.memory_space<vmem>>) target(%dma_start3A_26 : memref<128x128xf32, #tpu.memory_space<vmem_shared>>) target_semaphore(%arg15 : memref<!tpu.dma_semaphore, #tpu.memory_space<semaphore_mem>>)
    %mul3A_27 = arith.constant 640 : i32
    %mul3A_28 = arith.muli %arg1, %mul3A_27 : i32
    %add3A_29 = arith.constant 384 : i32
    %add3A_30 = arith.addi %mul3A_28, %add3A_29 : i32
    %dma_start3A_31 = arith.constant 0 : i32
    %dma_start3A_32 = tpu.memref_slice %arg7[%add3A_30, %dma_start3A_31] : memref<10240x128xf32, #tpu.memory_space<vmem_shared>> -> memref<128x128xf32, #tpu.memory_space<vmem_shared>>
    %dma_start3A_33 = arith.constant 0 : i32
    %dma_start3A_34 = tpu.memref_slice %arg7[%add3A_30, %dma_start3A_33] : memref<10240x128xf32, #tpu.memory_space<vmem_shared>> -> memref<128x128xf32, #tpu.memory_space<vmem_shared>>
    tpu.enqueue_dma source(%arg8 : memref<128x128xf32, #tpu.memory_space<vmem>>) target(%dma_start3A_34 : memref<128x128xf32, #tpu.memory_space<vmem_shared>>) target_semaphore(%arg15 : memref<!tpu.dma_semaphore, #tpu.memory_space<semaphore_mem>>)
    %mul3A_35 = arith.constant 640 : i32
    %mul3A_36 = arith.muli %arg1, %mul3A_35 : i32
    %add3A_37 = arith.constant 512 : i32
    %add3A_38 = arith.addi %mul3A_36, %add3A_37 : i32
    %dma_start3A_39 = arith.constant 0 : i32
    %dma_start3A_40 = tpu.memref_slice %arg7[%add3A_38, %dma_start3A_39] : memref<10240x128xf32, #tpu.memory_space<vmem_shared>> -> memref<128x128xf32, #tpu.memory_space<vmem_shared>>
    %dma_start3A_41 = arith.constant 0 : i32
    %dma_start3A_42 = tpu.memref_slice %arg7[%add3A_38, %dma_start3A_41] : memref<10240x128xf32, #tpu.memory_space<vmem_shared>> -> memref<128x128xf32, #tpu.memory_space<vmem_shared>>
    tpu.enqueue_dma source(%arg8 : memref<128x128xf32, #tpu.memory_space<vmem>>) target(%dma_start3A_42 : memref<128x128xf32, #tpu.memory_space<vmem_shared>>) target_semaphore(%arg15 : memref<!tpu.dma_semaphore, #tpu.memory_space<semaphore_mem>>)
    %mul3A_43 = arith.constant 640 : i32
    %mul3A_44 = arith.muli %arg1, %mul3A_43 : i32
    %add3A_45 = arith.constant 0 : i32
    %add3A_46 = arith.addi %mul3A_44, %add3A_45 : i32
    %dma_wait3A = arith.constant 0 : i32
    %dma_wait3A_47 = tpu.memref_slice %arg7[%add3A_46, %dma_wait3A] : memref<10240x128xf32, #tpu.memory_space<vmem_shared>> -> memref<128x128xf32, #tpu.memory_space<vmem_shared>>
    %dma_wait3A_48 = arith.constant 0 : i32
    %dma_wait3A_49 = tpu.memref_slice %arg7[%add3A_46, %dma_wait3A_48] : memref<10240x128xf32, #tpu.memory_space<vmem_shared>> -> memref<128x128xf32, #tpu.memory_space<vmem_shared>>
    tpu.wait_dma2 semaphore(%arg15 : memref<!tpu.dma_semaphore, #tpu.memory_space<semaphore_mem>>) src(%arg8 : memref<128x128xf32, #tpu.memory_space<vmem>>) dst(%dma_wait3A_49 : memref<128x128xf32, #tpu.memory_space<vmem_shared>>)
    %mul3A_50 = arith.constant 640 : i32
    %mul3A_51 = arith.muli %arg1, %mul3A_50 : i32
    %add3A_52 = arith.constant 128 : i32
    %add3A_53 = arith.addi %mul3A_51, %add3A_52 : i32
    %dma_wait3A_54 = arith.constant 0 : i32
    %dma_wait3A_55 = tpu.memref_slice %arg7[%add3A_53, %dma_wait3A_54] : memref<10240x128xf32, #tpu.memory_space<vmem_shared>> -> memref<128x128xf32, #tpu.memory_space<vmem_shared>>
    %dma_wait3A_56 = arith.constant 0 : i32
    %dma_wait3A_57 = tpu.memref_slice %arg7[%add3A_53, %dma_wait3A_56] : memref<10240x128xf32, #tpu.memory_space<vmem_shared>> -> memref<128x128xf32, #tpu.memory_space<vmem_shared>>
    tpu.wait_dma2 semaphore(%arg15 : memref<!tpu.dma_semaphore, #tpu.memory_space<semaphore_mem>>) src(%arg8 : memref<128x128xf32, #tpu.memory_space<vmem>>) dst(%dma_wait3A_57 : memref<128x128xf32, #tpu.memory_space<vmem_shared>>)
    %mul3A_58 = arith.constant 640 : i32
    %mul3A_59 = arith.muli %arg1, %mul3A_58 : i32
    %add3A_60 = arith.constant 256 : i32
    %add3A_61 = arith.addi %mul3A_59, %add3A_60 : i32
    %dma_wait3A_62 = arith.constant 0 : i32
    %dma_wait3A_63 = tpu.memref_slice %arg7[%add3A_61, %dma_wait3A_62] : memref<10240x128xf32, #tpu.memory_space<vmem_shared>> -> memref<128x128xf32, #tpu.memory_space<vmem_shared>>
    %dma_wait3A_64 = arith.constant 0 : i32
    %dma_wait3A_65 = tpu.memref_slice %arg7[%add3A_61, %dma_wait3A_64] : memref<10240x128xf32, #tpu.memory_space<vmem_shared>> -> memref<128x128xf32, #tpu.memory_space<vmem_shared>>
    tpu.wait_dma2 semaphore(%arg15 : memref<!tpu.dma_semaphore, #tpu.memory_space<semaphore_mem>>) src(%arg8 : memref<128x128xf32, #tpu.memory_space<vmem>>) dst(%dma_wait3A_65 : memref<128x128xf32, #tpu.memory_space<vmem_shared>>)
    %mul3A_66 = arith.constant 640 : i32
    %mul3A_67 = arith.muli %arg1, %mul3A_66 : i32
    %add3A_68 = arith.constant 384 : i32
    %add3A_69 = arith.addi %mul3A_67, %add3A_68 : i32
    %dma_wait3A_70 = arith.constant 0 : i32
    %dma_wait3A_71 = tpu.memref_slice %arg7[%add3A_69, %dma_wait3A_70] : memref<10240x128xf32, #tpu.memory_space<vmem_shared>> -> memref<128x128xf32, #tpu.memory_space<vmem_shared>>
    %dma_wait3A_72 = arith.constant 0 : i32
    %dma_wait3A_73 = tpu.memref_slice %arg7[%add3A_69, %dma_wait3A_72] : memref<10240x128xf32, #tpu.memory_space<vmem_shared>> -> memref<128x128xf32, #tpu.memory_space<vmem_shared>>
    tpu.wait_dma2 semaphore(%arg15 : memref<!tpu.dma_semaphore, #tpu.memory_space<semaphore_mem>>) src(%arg8 : memref<128x128xf32, #tpu.memory_space<vmem>>) dst(%dma_wait3A_73 : memref<128x128xf32, #tpu.memory_space<vmem_shared>>)
    %mul3A_74 = arith.constant 640 : i32
    %mul3A_75 = arith.muli %arg1, %mul3A_74 : i32
    %add3A_76 = arith.constant 512 : i32
    %add3A_77 = arith.addi %mul3A_75, %add3A_76 : i32
    %dma_wait3A_78 = arith.constant 0 : i32
    %dma_wait3A_79 = tpu.memref_slice %arg7[%add3A_77, %dma_wait3A_78] : memref<10240x128xf32, #tpu.memory_space<vmem_shared>> -> memref<128x128xf32, #tpu.memory_space<vmem_shared>>
    %dma_wait3A_80 = arith.constant 0 : i32
    %dma_wait3A_81 = tpu.memref_slice %arg7[%add3A_77, %dma_wait3A_80] : memref<10240x128xf32, #tpu.memory_space<vmem_shared>> -> memref<128x128xf32, #tpu.memory_space<vmem_shared>>
    tpu.wait_dma2 semaphore(%arg15 : memref<!tpu.dma_semaphore, #tpu.memory_space<semaphore_mem>>) src(%arg8 : memref<128x128xf32, #tpu.memory_space<vmem>>) dst(%dma_wait3A_81 : memref<128x128xf32, #tpu.memory_space<vmem_shared>>)
    %barrier3A = arith.constant 0 : index
    tpu.barrier barrier_id(%barrier3A)
    %scan3A_82 = arith.constant 0 : i32
    %scan3A_83 = arith.constant 0 : i32
    %scan3A_84 = arith.constant 4 : i32
    %scan3A_85 = arith.addi %scan3A_83, %scan3A_84 : i32
    %scan3A_86 = arith.constant 1 : i32
    %scan3A_87 = scf.for %scan3A_102 = %scan3A_83 to %scan3A_85 step %scan3A_86 iter_args(%scan3A_103 = %scan3A_82) -> (i32)  : i32 {
      %mul3A_104 = arith.constant 160 : i32
      %mul3A_105 = arith.muli %arg1, %mul3A_104 : i32
      %mul3A_106 = arith.constant 40 : i32
      %mul3A_107 = arith.muli %scan3A_102, %mul3A_106 : i32
      %add3A_108 = arith.addi %mul3A_105, %mul3A_107 : i32
      %multiple_of3A = tpu.assume_multiple %add3A_108, 8 : i32
      %dma_start3A_109 = arith.constant 0 : i32
      %dma_start3A_110 = tpu.memref_slice %arg3[%multiple_of3A, %dma_start3A_109] : memref<2560x128xi32, #tpu.memory_space<hbm>> -> memref<40x128xi32, #tpu.memory_space<hbm>>
      %dma_start3A_111 = arith.constant 0 : i32
      %dma_start3A_112 = tpu.memref_slice %arg3[%multiple_of3A, %dma_start3A_111] : memref<2560x128xi32, #tpu.memory_space<hbm>> -> memref<40x128xi32, #tpu.memory_space<hbm>>
      tpu.enqueue_dma source(%dma_start3A_112 : memref<40x128xi32, #tpu.memory_space<hbm>>) target(%arg10 : memref<40x128xi32, #tpu.memory_space<vmem>>) target_semaphore(%arg16 : memref<!tpu.dma_semaphore, #tpu.memory_space<semaphore_mem>>)
      %dma_start3A_113 = arith.constant 0 : i32
      %dma_start3A_114 = tpu.memref_slice %arg4[%multiple_of3A, %dma_start3A_113] : memref<2560x128xi32, #tpu.memory_space<hbm>> -> memref<40x128xi32, #tpu.memory_space<hbm>>
      %dma_start3A_115 = arith.constant 0 : i32
      %dma_start3A_116 = tpu.memref_slice %arg4[%multiple_of3A, %dma_start3A_115] : memref<2560x128xi32, #tpu.memory_space<hbm>> -> memref<40x128xi32, #tpu.memory_space<hbm>>
      tpu.enqueue_dma source(%dma_start3A_116 : memref<40x128xi32, #tpu.memory_space<hbm>>) target(%arg11 : memref<40x128xi32, #tpu.memory_space<vmem>>) target_semaphore(%arg16 : memref<!tpu.dma_semaphore, #tpu.memory_space<semaphore_mem>>)
      %dma_start3A_117 = arith.constant 0 : i32
      %dma_start3A_118 = tpu.memref_slice %arg5[%multiple_of3A, %dma_start3A_117] : memref<2560x128xf32, #tpu.memory_space<hbm>> -> memref<40x128xf32, #tpu.memory_space<hbm>>
      %dma_start3A_119 = arith.constant 0 : i32
      %dma_start3A_120 = tpu.memref_slice %arg5[%multiple_of3A, %dma_start3A_119] : memref<2560x128xf32, #tpu.memory_space<hbm>> -> memref<40x128xf32, #tpu.memory_space<hbm>>
      tpu.enqueue_dma source(%dma_start3A_120 : memref<40x128xf32, #tpu.memory_space<hbm>>) target(%arg12 : memref<40x128xf32, #tpu.memory_space<vmem>>) target_semaphore(%arg16 : memref<!tpu.dma_semaphore, #tpu.memory_space<semaphore_mem>>)
      %dma_wait3A_121 = arith.constant 0 : i32
      %dma_wait3A_122 = tpu.memref_slice %arg3[%multiple_of3A, %dma_wait3A_121] : memref<2560x128xi32, #tpu.memory_space<hbm>> -> memref<40x128xi32, #tpu.memory_space<hbm>>
      %dma_wait3A_123 = arith.constant 0 : i32
      %dma_wait3A_124 = tpu.memref_slice %arg3[%multiple_of3A, %dma_wait3A_123] : memref<2560x128xi32, #tpu.memory_space<hbm>> -> memref<40x128xi32, #tpu.memory_space<hbm>>
      tpu.wait_dma2 semaphore(%arg16 : memref<!tpu.dma_semaphore, #tpu.memory_space<semaphore_mem>>) src(%dma_wait3A_124 : memref<40x128xi32, #tpu.memory_space<hbm>>) dst(%arg10 : memref<40x128xi32, #tpu.memory_space<vmem>>)
      %dma_wait3A_125 = arith.constant 0 : i32
      %dma_wait3A_126 = tpu.memref_slice %arg4[%multiple_of3A, %dma_wait3A_125] : memref<2560x128xi32, #tpu.memory_space<hbm>> -> memref<40x128xi32, #tpu.memory_space<hbm>>
      %dma_wait3A_127 = arith.constant 0 : i32
      %dma_wait3A_128 = tpu.memref_slice %arg4[%multiple_of3A, %dma_wait3A_127] : memref<2560x128xi32, #tpu.memory_space<hbm>> -> memref<40x128xi32, #tpu.memory_space<hbm>>
      tpu.wait_dma2 semaphore(%arg16 : memref<!tpu.dma_semaphore, #tpu.memory_space<semaphore_mem>>) src(%dma_wait3A_128 : memref<40x128xi32, #tpu.memory_space<hbm>>) dst(%arg11 : memref<40x128xi32, #tpu.memory_space<vmem>>)
      %dma_wait3A_129 = arith.constant 0 : i32
      %dma_wait3A_130 = tpu.memref_slice %arg5[%multiple_of3A, %dma_wait3A_129] : memref<2560x128xf32, #tpu.memory_space<hbm>> -> memref<40x128xf32, #tpu.memory_space<hbm>>
      %dma_wait3A_131 = arith.constant 0 : i32
      %dma_wait3A_132 = tpu.memref_slice %arg5[%multiple_of3A, %dma_wait3A_131] : memref<2560x128xf32, #tpu.memory_space<hbm>> -> memref<40x128xf32, #tpu.memory_space<hbm>>
      tpu.wait_dma2 semaphore(%arg16 : memref<!tpu.dma_semaphore, #tpu.memory_space<semaphore_mem>>) src(%dma_wait3A_132 : memref<40x128xf32, #tpu.memory_space<hbm>>) dst(%arg12 : memref<40x128xf32, #tpu.memory_space<vmem>>)
      %dma_start3A_133 = arith.constant 0 : i32
      %dma_start3A_134 = arith.constant 0 : i32
      %dma_start3A_135 = tpu.memref_slice %arg10[%dma_start3A_133, %dma_start3A_134] : memref<40x128xi32, #tpu.memory_space<vmem>> -> memref<1x128xi32, #tpu.memory_space<vmem>>
      %dma_start3A_136 = tpu.memref_squeeze %dma_start3A_135 : memref<1x128xi32, #tpu.memory_space<vmem>> -> memref<128xi32, #tpu.memory_space<vmem>>
      %dma_start3A_137 = arith.constant 0 : i32
      %dma_start3A_138 = arith.constant 0 : i32
      %dma_start3A_139 = tpu.memref_slice %arg2[%dma_start3A_137, %dma_start3A_138] : memref<10000x128xf32, #tpu.memory_space<hbm>> -> memref<10000x128xf32, #tpu.memory_space<hbm>>
      tpu.enqueue_indirect_dma source(%dma_start3A_139 : memref<10000x128xf32, #tpu.memory_space<hbm>>) target(%arg8 : memref<128x128xf32, #tpu.memory_space<vmem>>) offsets(%dma_start3A_136 : memref<128xi32, #tpu.memory_space<vmem>>) semaphore(%arg13 : memref<!tpu.dma_semaphore, #tpu.memory_space<semaphore_mem>>)
      %dma_start3A_140 = arith.constant 1 : i32
      %dma_start3A_141 = arith.constant 0 : i32
      %dma_start3A_142 = tpu.memref_slice %arg10[%dma_start3A_140, %dma_start3A_141] : memref<40x128xi32, #tpu.memory_space<vmem>> -> memref<1x128xi32, #tpu.memory_space<vmem>>
      %dma_start3A_143 = tpu.memref_squeeze %dma_start3A_142 : memref<1x128xi32, #tpu.memory_space<vmem>> -> memref<128xi32, #tpu.memory_space<vmem>>
      %dma_start3A_144 = arith.constant 0 : i32
      %dma_start3A_145 = arith.constant 0 : i32
      %dma_start3A_146 = tpu.memref_slice %arg2[%dma_start3A_144, %dma_start3A_145] : memref<10000x128xf32, #tpu.memory_space<hbm>> -> memref<10000x128xf32, #tpu.memory_space<hbm>>
      tpu.enqueue_indirect_dma source(%dma_start3A_146 : memref<10000x128xf32, #tpu.memory_space<hbm>>) target(%arg9 : memref<128x128xf32, #tpu.memory_space<vmem>>) offsets(%dma_start3A_143 : memref<128xi32, #tpu.memory_space<vmem>>) semaphore(%arg14 : memref<!tpu.dma_semaphore, #tpu.memory_space<semaphore_mem>>)
      %scan3A_147 = arith.constant 0 : i32
      %scan3A_148 = arith.constant 0 : i32
      %scan3A_149 = arith.constant 20 : i32
      %scan3A_150 = arith.addi %scan3A_148, %scan3A_149 : i32
      %scan3A_151 = arith.constant 1 : i32
      %scan3A_152 = scf.for %scan3A_155 = %scan3A_148 to %scan3A_150 step %scan3A_151 iter_args(%scan3A_156 = %scan3A_147) -> (i32)  : i32 {
        %mul3A_157 = arith.constant 2 : i32
        %mul3A_158 = arith.muli %mul3A_157, %scan3A_155 : i32
        %add3A_159 = arith.constant 0 : i32
        %add3A_160 = arith.addi %mul3A_158, %add3A_159 : i32
        %dma_wait3A_161 = arith.constant 0 : i32
        %dma_wait3A_162 = tpu.memref_slice %arg10[%add3A_160, %dma_wait3A_161] : memref<40x128xi32, #tpu.memory_space<vmem>> -> memref<1x128xi32, #tpu.memory_space<vmem>>
        %dma_wait3A_163 = tpu.memref_squeeze %dma_wait3A_162 : memref<1x128xi32, #tpu.memory_space<vmem>> -> memref<128xi32, #tpu.memory_space<vmem>>
        %dma_wait3A_164 = arith.constant 0 : i32
        %dma_wait3A_165 = arith.constant 0 : i32
        %dma_wait3A_166 = tpu.memref_slice %arg2[%dma_wait3A_164, %dma_wait3A_165] : memref<10000x128xf32, #tpu.memory_space<hbm>> -> memref<10000x128xf32, #tpu.memory_space<hbm>>
        tpu.wait_indirect_dma semaphore(%arg13 : memref<!tpu.dma_semaphore, #tpu.memory_space<semaphore_mem>>) src(%dma_wait3A_166 : memref<10000x128xf32, #tpu.memory_space<hbm>>) dst(%arg8 : memref<128x128xf32, #tpu.memory_space<vmem>>)
        %parallel_loop3A = arith.constant 0 : i32
        %parallel_loop3A_167 = arith.constant 128 : i32
        %parallel_loop3A_168 = arith.constant 1 : i32
        scf.for %parallel_loop3A_194 = %parallel_loop3A to %parallel_loop3A_167 step %parallel_loop3A_168  : i32 {
          %parallel_loop3A_195 = vector.broadcast %add3A_160 : i32 to vector<16xi32>
          %parallel_loop3A_196 = vector.broadcast %parallel_loop3A_194 : i32 to vector<16xi32>
          %parallel_loop3A_197 = tpu.vector_load_idx %arg12[%parallel_loop3A_195, %parallel_loop3A_196] : memref<40x128xf32, #tpu.memory_space<vmem>>[vector<16xi32>, vector<16xi32>], vector<16xf32>,
          %parallel_loop3A_198 = arith.index_cast %parallel_loop3A_194 : i32 to index
          %parallel_loop3A_199 = arith.constant 0 : index
          %parallel_loop3A_200 = tpu.vector_load %arg8[%parallel_loop3A_198, %parallel_loop3A_199] {strides = array<i32>} : memref<128x128xf32, #tpu.memory_space<vmem>>, vector<16xf32>,
          %parallel_loop3A_201 = arith.mulf %parallel_loop3A_200, %parallel_loop3A_197 : vector<16xf32>
          %parallel_loop3A_202 = arith.index_cast %parallel_loop3A_194 : i32 to index
          %parallel_loop3A_203 = arith.constant 0 : index
          %parallel_loop3A_204 = tpu.vector_load %arg8[%parallel_loop3A_202, %parallel_loop3A_203] {strides = array<i32>} : memref<128x128xf32, #tpu.memory_space<vmem>>, vector<16xf32>,
          tpu.vector_store %arg8[%parallel_loop3A_202, %parallel_loop3A_203], %parallel_loop3A_201 {strides = array<i32>} : memref<128x128xf32, #tpu.memory_space<vmem>>, vector<16xf32>,
          %parallel_loop3A_205 = arith.index_cast %parallel_loop3A_194 : i32 to index
          %parallel_loop3A_206 = arith.constant 16 : index
          %parallel_loop3A_207 = tpu.vector_load %arg8[%parallel_loop3A_205, %parallel_loop3A_206] {strides = array<i32>} : memref<128x128xf32, #tpu.memory_space<vmem>>, vector<16xf32>,
          %parallel_loop3A_208 = arith.mulf %parallel_loop3A_207, %parallel_loop3A_197 : vector<16xf32>
          %parallel_loop3A_209 = arith.index_cast %parallel_loop3A_194 : i32 to index
          %parallel_loop3A_210 = arith.constant 16 : index
          %parallel_loop3A_211 = tpu.vector_load %arg8[%parallel_loop3A_209, %parallel_loop3A_210] {strides = array<i32>} : memref<128x128xf32, #tpu.memory_space<vmem>>, vector<16xf32>,
          tpu.vector_store %arg8[%parallel_loop3A_209, %parallel_loop3A_210], %parallel_loop3A_208 {strides = array<i32>} : memref<128x128xf32, #tpu.memory_space<vmem>>, vector<16xf32>,
          %parallel_loop3A_212 = arith.index_cast %parallel_loop3A_194 : i32 to index
          %parallel_loop3A_213 = arith.constant 32 : index
          %parallel_loop3A_214 = tpu.vector_load %arg8[%parallel_loop3A_212, %parallel_loop3A_213] {strides = array<i32>} : memref<128x128xf32, #tpu.memory_space<vmem>>, vector<16xf32>,
          %parallel_loop3A_215 = arith.mulf %parallel_loop3A_214, %parallel_loop3A_197 : vector<16xf32>
          %parallel_loop3A_216 = arith.index_cast %parallel_loop3A_194 : i32 to index
          %parallel_loop3A_217 = arith.constant 32 : index
          %parallel_loop3A_218 = tpu.vector_load %arg8[%parallel_loop3A_216, %parallel_loop3A_217] {strides = array<i32>} : memref<128x128xf32, #tpu.memory_space<vmem>>, vector<16xf32>,
          tpu.vector_store %arg8[%parallel_loop3A_216, %parallel_loop3A_217], %parallel_loop3A_215 {strides = array<i32>} : memref<128x128xf32, #tpu.memory_space<vmem>>, vector<16xf32>,
          %parallel_loop3A_219 = arith.index_cast %parallel_loop3A_194 : i32 to index
          %parallel_loop3A_220 = arith.constant 48 : index
          %parallel_loop3A_221 = tpu.vector_load %arg8[%parallel_loop3A_219, %parallel_loop3A_220] {strides = array<i32>} : memref<128x128xf32, #tpu.memory_space<vmem>>, vector<16xf32>,
          %parallel_loop3A_222 = arith.mulf %parallel_loop3A_221, %parallel_loop3A_197 : vector<16xf32>
          %parallel_loop3A_223 = arith.index_cast %parallel_loop3A_194 : i32 to index
          %parallel_loop3A_224 = arith.constant 48 : index
          %parallel_loop3A_225 = tpu.vector_load %arg8[%parallel_loop3A_223, %parallel_loop3A_224] {strides = array<i32>} : memref<128x128xf32, #tpu.memory_space<vmem>>, vector<16xf32>,
          tpu.vector_store %arg8[%parallel_loop3A_223, %parallel_loop3A_224], %parallel_loop3A_222 {strides = array<i32>} : memref<128x128xf32, #tpu.memory_space<vmem>>, vector<16xf32>,
          %parallel_loop3A_226 = arith.index_cast %parallel_loop3A_194 : i32 to index
          %parallel_loop3A_227 = arith.constant 64 : index
          %parallel_loop3A_228 = tpu.vector_load %arg8[%parallel_loop3A_226, %parallel_loop3A_227] {strides = array<i32>} : memref<128x128xf32, #tpu.memory_space<vmem>>, vector<16xf32>,
          %parallel_loop3A_229 = arith.mulf %parallel_loop3A_228, %parallel_loop3A_197 : vector<16xf32>
          %parallel_loop3A_230 = arith.index_cast %parallel_loop3A_194 : i32 to index
          %parallel_loop3A_231 = arith.constant 64 : index
          %parallel_loop3A_232 = tpu.vector_load %arg8[%parallel_loop3A_230, %parallel_loop3A_231] {strides = array<i32>} : memref<128x128xf32, #tpu.memory_space<vmem>>, vector<16xf32>,
          tpu.vector_store %arg8[%parallel_loop3A_230, %parallel_loop3A_231], %parallel_loop3A_229 {strides = array<i32>} : memref<128x128xf32, #tpu.memory_space<vmem>>, vector<16xf32>,
          %parallel_loop3A_233 = arith.index_cast %parallel_loop3A_194 : i32 to index
          %parallel_loop3A_234 = arith.constant 80 : index
          %parallel_loop3A_235 = tpu.vector_load %arg8[%parallel_loop3A_233, %parallel_loop3A_234] {strides = array<i32>} : memref<128x128xf32, #tpu.memory_space<vmem>>, vector<16xf32>,
          %parallel_loop3A_236 = arith.mulf %parallel_loop3A_235, %parallel_loop3A_197 : vector<16xf32>
          %parallel_loop3A_237 = arith.index_cast %parallel_loop3A_194 : i32 to index
          %parallel_loop3A_238 = arith.constant 80 : index
          %parallel_loop3A_239 = tpu.vector_load %arg8[%parallel_loop3A_237, %parallel_loop3A_238] {strides = array<i32>} : memref<128x128xf32, #tpu.memory_space<vmem>>, vector<16xf32>,
          tpu.vector_store %arg8[%parallel_loop3A_237, %parallel_loop3A_238], %parallel_loop3A_236 {strides = array<i32>} : memref<128x128xf32, #tpu.memory_space<vmem>>, vector<16xf32>,
          %parallel_loop3A_240 = arith.index_cast %parallel_loop3A_194 : i32 to index
          %parallel_loop3A_241 = arith.constant 96 : index
          %parallel_loop3A_242 = tpu.vector_load %arg8[%parallel_loop3A_240, %parallel_loop3A_241] {strides = array<i32>} : memref<128x128xf32, #tpu.memory_space<vmem>>, vector<16xf32>,
          %parallel_loop3A_243 = arith.mulf %parallel_loop3A_242, %parallel_loop3A_197 : vector<16xf32>
          %parallel_loop3A_244 = arith.index_cast %parallel_loop3A_194 : i32 to index
          %parallel_loop3A_245 = arith.constant 96 : index
          %parallel_loop3A_246 = tpu.vector_load %arg8[%parallel_loop3A_244, %parallel_loop3A_245] {strides = array<i32>} : memref<128x128xf32, #tpu.memory_space<vmem>>, vector<16xf32>,
          tpu.vector_store %arg8[%parallel_loop3A_244, %parallel_loop3A_245], %parallel_loop3A_243 {strides = array<i32>} : memref<128x128xf32, #tpu.memory_space<vmem>>, vector<16xf32>,
          %parallel_loop3A_247 = arith.index_cast %parallel_loop3A_194 : i32 to index
          %parallel_loop3A_248 = arith.constant 112 : index
          %parallel_loop3A_249 = tpu.vector_load %arg8[%parallel_loop3A_247, %parallel_loop3A_248] {strides = array<i32>} : memref<128x128xf32, #tpu.memory_space<vmem>>, vector<16xf32>,
          %parallel_loop3A_250 = arith.mulf %parallel_loop3A_249, %parallel_loop3A_197 : vector<16xf32>
          %parallel_loop3A_251 = arith.index_cast %parallel_loop3A_194 : i32 to index
          %parallel_loop3A_252 = arith.constant 112 : index
          %parallel_loop3A_253 = tpu.vector_load %arg8[%parallel_loop3A_251, %parallel_loop3A_252] {strides = array<i32>} : memref<128x128xf32, #tpu.memory_space<vmem>>, vector<16xf32>,
          tpu.vector_store %arg8[%parallel_loop3A_251, %parallel_loop3A_252], %parallel_loop3A_250 {strides = array<i32>} : memref<128x128xf32, #tpu.memory_space<vmem>>, vector<16xf32>,
        } {sc.loop_unroll_factor = 4 : i64, sc.parallel_access}
        "tpu.region"() ({
          %run_scoped3A = tpu.sem_alloc : memref<!tpu.dma_semaphore, #tpu.memory_space<semaphore_mem>>
          %dma_start3A_194 = arith.constant 0 : i32
          %dma_start3A_195 = tpu.memref_slice %arg11[%add3A_160, %dma_start3A_194] : memref<40x128xi32, #tpu.memory_space<vmem>> -> memref<1x128xi32, #tpu.memory_space<vmem>>
          %dma_start3A_196 = tpu.memref_squeeze %dma_start3A_195 : memref<1x128xi32, #tpu.memory_space<vmem>> -> memref<128xi32, #tpu.memory_space<vmem>>
          %dma_start3A_197 = arith.constant 0 : i32
          %dma_start3A_198 = arith.constant 0 : i32
          %dma_start3A_199 = tpu.memref_slice %arg7[%dma_start3A_197, %dma_start3A_198] : memref<10240x128xf32, #tpu.memory_space<vmem_shared>> -> memref<10240x128xf32, #tpu.memory_space<vmem_shared>>
          tpu.enqueue_indirect_dma source(%arg8 : memref<128x128xf32, #tpu.memory_space<vmem>>) target(%dma_start3A_199 : memref<10240x128xf32, #tpu.memory_space<vmem_shared>>) offsets(%dma_start3A_196 : memref<128xi32, #tpu.memory_space<vmem>>) semaphore(%run_scoped3A : memref<!tpu.dma_semaphore, #tpu.memory_space<semaphore_mem>>) {add = true}
          %dma_wait3A_200 = arith.constant 0 : i32
          %dma_wait3A_201 = tpu.memref_slice %arg11[%add3A_160, %dma_wait3A_200] : memref<40x128xi32, #tpu.memory_space<vmem>> -> memref<1x128xi32, #tpu.memory_space<vmem>>
          %dma_wait3A_202 = tpu.memref_squeeze %dma_wait3A_201 : memref<1x128xi32, #tpu.memory_space<vmem>> -> memref<128xi32, #tpu.memory_space<vmem>>
          %dma_wait3A_203 = arith.constant 0 : i32
          %dma_wait3A_204 = arith.constant 0 : i32
          %dma_wait3A_205 = tpu.memref_slice %arg7[%dma_wait3A_203, %dma_wait3A_204] : memref<10240x128xf32, #tpu.memory_space<vmem_shared>> -> memref<10240x128xf32, #tpu.memory_space<vmem_shared>>
          tpu.wait_indirect_dma semaphore(%run_scoped3A : memref<!tpu.dma_semaphore, #tpu.memory_space<semaphore_mem>>) src(%arg8 : memref<128x128xf32, #tpu.memory_space<vmem>>) dst(%dma_wait3A_205 : memref<10240x128xf32, #tpu.memory_space<vmem_shared>>)
          tpu.yield
        }) : () -> ()
        %add3A_169 = arith.constant 2 : i32
        %add3A_170 = arith.addi %add3A_160, %add3A_169 : i32
        %lt3A = arith.constant 40 : i32
        %lt3A_171 = arith.cmpi slt, %add3A_170, %lt3A : i32
        %convert_element_type3A = arith.extui %lt3A_171 : i1 to i32
        %cond3A = arith.constant 0 : i32
        %cond3A_172 = arith.cmpi ne, %convert_element_type3A, %cond3A : i32
        scf.if %cond3A_172 {
          %add3A_194 = arith.constant 2 : i32
          %add3A_195 = arith.addi %add3A_160, %add3A_194 : i32
          %dma_start3A_196 = arith.constant 0 : i32
          %dma_start3A_197 = tpu.memref_slice %arg10[%add3A_195, %dma_start3A_196] : memref<40x128xi32, #tpu.memory_space<vmem>> -> memref<1x128xi32, #tpu.memory_space<vmem>>
          %dma_start3A_198 = tpu.memref_squeeze %dma_start3A_197 : memref<1x128xi32, #tpu.memory_space<vmem>> -> memref<128xi32, #tpu.memory_space<vmem>>
          %dma_start3A_199 = arith.constant 0 : i32
          %dma_start3A_200 = arith.constant 0 : i32
          %dma_start3A_201 = tpu.memref_slice %arg2[%dma_start3A_199, %dma_start3A_200] : memref<10000x128xf32, #tpu.memory_space<hbm>> -> memref<10000x128xf32, #tpu.memory_space<hbm>>
          tpu.enqueue_indirect_dma source(%dma_start3A_201 : memref<10000x128xf32, #tpu.memory_space<hbm>>) target(%arg8 : memref<128x128xf32, #tpu.memory_space<vmem>>) offsets(%dma_start3A_198 : memref<128xi32, #tpu.memory_space<vmem>>) semaphore(%arg13 : memref<!tpu.dma_semaphore, #tpu.memory_space<semaphore_mem>>)
        } else {
        }
        %mul3A_173 = arith.constant 2 : i32
        %mul3A_174 = arith.muli %mul3A_173, %scan3A_155 : i32
        %add3A_175 = arith.constant 1 : i32
        %add3A_176 = arith.addi %mul3A_174, %add3A_175 : i32
        %dma_wait3A_177 = arith.constant 0 : i32
        %dma_wait3A_178 = tpu.memref_slice %arg10[%add3A_176, %dma_wait3A_177] : memref<40x128xi32, #tpu.memory_space<vmem>> -> memref<1x128xi32, #tpu.memory_space<vmem>>
        %dma_wait3A_179 = tpu.memref_squeeze %dma_wait3A_178 : memref<1x128xi32, #tpu.memory_space<vmem>> -> memref<128xi32, #tpu.memory_space<vmem>>
        %dma_wait3A_180 = arith.constant 0 : i32
        %dma_wait3A_181 = arith.constant 0 : i32
        %dma_wait3A_182 = tpu.memref_slice %arg2[%dma_wait3A_180, %dma_wait3A_181] : memref<10000x128xf32, #tpu.memory_space<hbm>> -> memref<10000x128xf32, #tpu.memory_space<hbm>>
        tpu.wait_indirect_dma semaphore(%arg14 : memref<!tpu.dma_semaphore, #tpu.memory_space<semaphore_mem>>) src(%dma_wait3A_182 : memref<10000x128xf32, #tpu.memory_space<hbm>>) dst(%arg9 : memref<128x128xf32, #tpu.memory_space<vmem>>)
        %parallel_loop3A_183 = arith.constant 0 : i32
        %parallel_loop3A_184 = arith.constant 128 : i32
        %parallel_loop3A_185 = arith.constant 1 : i32
        scf.for %parallel_loop3A_194 = %parallel_loop3A_183 to %parallel_loop3A_184 step %parallel_loop3A_185  : i32 {
          %parallel_loop3A_195 = vector.broadcast %add3A_176 : i32 to vector<16xi32>
          %parallel_loop3A_196 = vector.broadcast %parallel_loop3A_194 : i32 to vector<16xi32>
          %parallel_loop3A_197 = tpu.vector_load_idx %arg12[%parallel_loop3A_195, %parallel_loop3A_196] : memref<40x128xf32, #tpu.memory_space<vmem>>[vector<16xi32>, vector<16xi32>], vector<16xf32>,
          %parallel_loop3A_198 = arith.index_cast %parallel_loop3A_194 : i32 to index
          %parallel_loop3A_199 = arith.constant 0 : index
          %parallel_loop3A_200 = tpu.vector_load %arg9[%parallel_loop3A_198, %parallel_loop3A_199] {strides = array<i32>} : memref<128x128xf32, #tpu.memory_space<vmem>>, vector<16xf32>,
          %parallel_loop3A_201 = arith.mulf %parallel_loop3A_200, %parallel_loop3A_197 : vector<16xf32>
          %parallel_loop3A_202 = arith.index_cast %parallel_loop3A_194 : i32 to index
          %parallel_loop3A_203 = arith.constant 0 : index
          %parallel_loop3A_204 = tpu.vector_load %arg9[%parallel_loop3A_202, %parallel_loop3A_203] {strides = array<i32>} : memref<128x128xf32, #tpu.memory_space<vmem>>, vector<16xf32>,
          tpu.vector_store %arg9[%parallel_loop3A_202, %parallel_loop3A_203], %parallel_loop3A_201 {strides = array<i32>} : memref<128x128xf32, #tpu.memory_space<vmem>>, vector<16xf32>,
          %parallel_loop3A_205 = arith.index_cast %parallel_loop3A_194 : i32 to index
          %parallel_loop3A_206 = arith.constant 16 : index
          %parallel_loop3A_207 = tpu.vector_load %arg9[%parallel_loop3A_205, %parallel_loop3A_206] {strides = array<i32>} : memref<128x128xf32, #tpu.memory_space<vmem>>, vector<16xf32>,
          %parallel_loop3A_208 = arith.mulf %parallel_loop3A_207, %parallel_loop3A_197 : vector<16xf32>
          %parallel_loop3A_209 = arith.index_cast %parallel_loop3A_194 : i32 to index
          %parallel_loop3A_210 = arith.constant 16 : index
          %parallel_loop3A_211 = tpu.vector_load %arg9[%parallel_loop3A_209, %parallel_loop3A_210] {strides = array<i32>} : memref<128x128xf32, #tpu.memory_space<vmem>>, vector<16xf32>,
          tpu.vector_store %arg9[%parallel_loop3A_209, %parallel_loop3A_210], %parallel_loop3A_208 {strides = array<i32>} : memref<128x128xf32, #tpu.memory_space<vmem>>, vector<16xf32>,
          %parallel_loop3A_212 = arith.index_cast %parallel_loop3A_194 : i32 to index
          %parallel_loop3A_213 = arith.constant 32 : index
          %parallel_loop3A_214 = tpu.vector_load %arg9[%parallel_loop3A_212, %parallel_loop3A_213] {strides = array<i32>} : memref<128x128xf32, #tpu.memory_space<vmem>>, vector<16xf32>,
          %parallel_loop3A_215 = arith.mulf %parallel_loop3A_214, %parallel_loop3A_197 : vector<16xf32>
          %parallel_loop3A_216 = arith.index_cast %parallel_loop3A_194 : i32 to index
          %parallel_loop3A_217 = arith.constant 32 : index
          %parallel_loop3A_218 = tpu.vector_load %arg9[%parallel_loop3A_216, %parallel_loop3A_217] {strides = array<i32>} : memref<128x128xf32, #tpu.memory_space<vmem>>, vector<16xf32>,
          tpu.vector_store %arg9[%parallel_loop3A_216, %parallel_loop3A_217], %parallel_loop3A_215 {strides = array<i32>} : memref<128x128xf32, #tpu.memory_space<vmem>>, vector<16xf32>,
          %parallel_loop3A_219 = arith.index_cast %parallel_loop3A_194 : i32 to index
          %parallel_loop3A_220 = arith.constant 48 : index
          %parallel_loop3A_221 = tpu.vector_load %arg9[%parallel_loop3A_219, %parallel_loop3A_220] {strides = array<i32>} : memref<128x128xf32, #tpu.memory_space<vmem>>, vector<16xf32>,
          %parallel_loop3A_222 = arith.mulf %parallel_loop3A_221, %parallel_loop3A_197 : vector<16xf32>
          %parallel_loop3A_223 = arith.index_cast %parallel_loop3A_194 : i32 to index
          %parallel_loop3A_224 = arith.constant 48 : index
          %parallel_loop3A_225 = tpu.vector_load %arg9[%parallel_loop3A_223, %parallel_loop3A_224] {strides = array<i32>} : memref<128x128xf32, #tpu.memory_space<vmem>>, vector<16xf32>,
          tpu.vector_store %arg9[%parallel_loop3A_223, %parallel_loop3A_224], %parallel_loop3A_222 {strides = array<i32>} : memref<128x128xf32, #tpu.memory_space<vmem>>, vector<16xf32>,
          %parallel_loop3A_226 = arith.index_cast %parallel_loop3A_194 : i32 to index
          %parallel_loop3A_227 = arith.constant 64 : index
          %parallel_loop3A_228 = tpu.vector_load %arg9[%parallel_loop3A_226, %parallel_loop3A_227] {strides = array<i32>} : memref<128x128xf32, #tpu.memory_space<vmem>>, vector<16xf32>,
          %parallel_loop3A_229 = arith.mulf %parallel_loop3A_228, %parallel_loop3A_197 : vector<16xf32>
          %parallel_loop3A_230 = arith.index_cast %parallel_loop3A_194 : i32 to index
          %parallel_loop3A_231 = arith.constant 64 : index
          %parallel_loop3A_232 = tpu.vector_load %arg9[%parallel_loop3A_230, %parallel_loop3A_231] {strides = array<i32>} : memref<128x128xf32, #tpu.memory_space<vmem>>, vector<16xf32>,
          tpu.vector_store %arg9[%parallel_loop3A_230, %parallel_loop3A_231], %parallel_loop3A_229 {strides = array<i32>} : memref<128x128xf32, #tpu.memory_space<vmem>>, vector<16xf32>,
          %parallel_loop3A_233 = arith.index_cast %parallel_loop3A_194 : i32 to index
          %parallel_loop3A_234 = arith.constant 80 : index
          %parallel_loop3A_235 = tpu.vector_load %arg9[%parallel_loop3A_233, %parallel_loop3A_234] {strides = array<i32>} : memref<128x128xf32, #tpu.memory_space<vmem>>, vector<16xf32>,
          %parallel_loop3A_236 = arith.mulf %parallel_loop3A_235, %parallel_loop3A_197 : vector<16xf32>
          %parallel_loop3A_237 = arith.index_cast %parallel_loop3A_194 : i32 to index
          %parallel_loop3A_238 = arith.constant 80 : index
          %parallel_loop3A_239 = tpu.vector_load %arg9[%parallel_loop3A_237, %parallel_loop3A_238] {strides = array<i32>} : memref<128x128xf32, #tpu.memory_space<vmem>>, vector<16xf32>,
          tpu.vector_store %arg9[%parallel_loop3A_237, %parallel_loop3A_238], %parallel_loop3A_236 {strides = array<i32>} : memref<128x128xf32, #tpu.memory_space<vmem>>, vector<16xf32>,
          %parallel_loop3A_240 = arith.index_cast %parallel_loop3A_194 : i32 to index
          %parallel_loop3A_241 = arith.constant 96 : index
          %parallel_loop3A_242 = tpu.vector_load %arg9[%parallel_loop3A_240, %parallel_loop3A_241] {strides = array<i32>} : memref<128x128xf32, #tpu.memory_space<vmem>>, vector<16xf32>,
          %parallel_loop3A_243 = arith.mulf %parallel_loop3A_242, %parallel_loop3A_197 : vector<16xf32>
          %parallel_loop3A_244 = arith.index_cast %parallel_loop3A_194 : i32 to index
          %parallel_loop3A_245 = arith.constant 96 : index
          %parallel_loop3A_246 = tpu.vector_load %arg9[%parallel_loop3A_244, %parallel_loop3A_245] {strides = array<i32>} : memref<128x128xf32, #tpu.memory_space<vmem>>, vector<16xf32>,
          tpu.vector_store %arg9[%parallel_loop3A_244, %parallel_loop3A_245], %parallel_loop3A_243 {strides = array<i32>} : memref<128x128xf32, #tpu.memory_space<vmem>>, vector<16xf32>,
          %parallel_loop3A_247 = arith.index_cast %parallel_loop3A_194 : i32 to index
          %parallel_loop3A_248 = arith.constant 112 : index
          %parallel_loop3A_249 = tpu.vector_load %arg9[%parallel_loop3A_247, %parallel_loop3A_248] {strides = array<i32>} : memref<128x128xf32, #tpu.memory_space<vmem>>, vector<16xf32>,
          %parallel_loop3A_250 = arith.mulf %parallel_loop3A_249, %parallel_loop3A_197 : vector<16xf32>
          %parallel_loop3A_251 = arith.index_cast %parallel_loop3A_194 : i32 to index
          %parallel_loop3A_252 = arith.constant 112 : index
          %parallel_loop3A_253 = tpu.vector_load %arg9[%parallel_loop3A_251, %parallel_loop3A_252] {strides = array<i32>} : memref<128x128xf32, #tpu.memory_space<vmem>>, vector<16xf32>,
          tpu.vector_store %arg9[%parallel_loop3A_251, %parallel_loop3A_252], %parallel_loop3A_250 {strides = array<i32>} : memref<128x128xf32, #tpu.memory_space<vmem>>, vector<16xf32>,
        } {sc.loop_unroll_factor = 4 : i64, sc.parallel_access}
        "tpu.region"() ({
          %run_scoped3A = tpu.sem_alloc : memref<!tpu.dma_semaphore, #tpu.memory_space<semaphore_mem>>
          %dma_start3A_194 = arith.constant 0 : i32
          %dma_start3A_195 = tpu.memref_slice %arg11[%add3A_176, %dma_start3A_194] : memref<40x128xi32, #tpu.memory_space<vmem>> -> memref<1x128xi32, #tpu.memory_space<vmem>>
          %dma_start3A_196 = tpu.memref_squeeze %dma_start3A_195 : memref<1x128xi32, #tpu.memory_space<vmem>> -> memref<128xi32, #tpu.memory_space<vmem>>
          %dma_start3A_197 = arith.constant 0 : i32
          %dma_start3A_198 = arith.constant 0 : i32
          %dma_start3A_199 = tpu.memref_slice %arg7[%dma_start3A_197, %dma_start3A_198] : memref<10240x128xf32, #tpu.memory_space<vmem_shared>> -> memref<10240x128xf32, #tpu.memory_space<vmem_shared>>
          tpu.enqueue_indirect_dma source(%arg9 : memref<128x128xf32, #tpu.memory_space<vmem>>) target(%dma_start3A_199 : memref<10240x128xf32, #tpu.memory_space<vmem_shared>>) offsets(%dma_start3A_196 : memref<128xi32, #tpu.memory_space<vmem>>) semaphore(%run_scoped3A : memref<!tpu.dma_semaphore, #tpu.memory_space<semaphore_mem>>) {add = true}
          %dma_wait3A_200 = arith.constant 0 : i32
          %dma_wait3A_201 = tpu.memref_slice %arg11[%add3A_176, %dma_wait3A_200] : memref<40x128xi32, #tpu.memory_space<vmem>> -> memref<1x128xi32, #tpu.memory_space<vmem>>
          %dma_wait3A_202 = tpu.memref_squeeze %dma_wait3A_201 : memref<1x128xi32, #tpu.memory_space<vmem>> -> memref<128xi32, #tpu.memory_space<vmem>>
          %dma_wait3A_203 = arith.constant 0 : i32
          %dma_wait3A_204 = arith.constant 0 : i32
          %dma_wait3A_205 = tpu.memref_slice %arg7[%dma_wait3A_203, %dma_wait3A_204] : memref<10240x128xf32, #tpu.memory_space<vmem_shared>> -> memref<10240x128xf32, #tpu.memory_space<vmem_shared>>
          tpu.wait_indirect_dma semaphore(%run_scoped3A : memref<!tpu.dma_semaphore, #tpu.memory_space<semaphore_mem>>) src(%arg9 : memref<128x128xf32, #tpu.memory_space<vmem>>) dst(%dma_wait3A_205 : memref<10240x128xf32, #tpu.memory_space<vmem_shared>>)
          tpu.yield
        }) : () -> ()
        %add3A_186 = arith.constant 2 : i32
        %add3A_187 = arith.addi %add3A_176, %add3A_186 : i32
        %lt3A_188 = arith.constant 40 : i32
        %lt3A_189 = arith.cmpi slt, %add3A_187, %lt3A_188 : i32
        %convert_element_type3A_190 = arith.extui %lt3A_189 : i1 to i32
        %cond3A_191 = arith.constant 0 : i32
        %cond3A_192 = arith.cmpi ne, %convert_element_type3A_190, %cond3A_191 : i32
        scf.if %cond3A_192 {
          %add3A_194 = arith.constant 2 : i32
          %add3A_195 = arith.addi %add3A_176, %add3A_194 : i32
          %dma_start3A_196 = arith.constant 0 : i32
          %dma_start3A_197 = tpu.memref_slice %arg10[%add3A_195, %dma_start3A_196] : memref<40x128xi32, #tpu.memory_space<vmem>> -> memref<1x128xi32, #tpu.memory_space<vmem>>
          %dma_start3A_198 = tpu.memref_squeeze %dma_start3A_197 : memref<1x128xi32, #tpu.memory_space<vmem>> -> memref<128xi32, #tpu.memory_space<vmem>>
          %dma_start3A_199 = arith.constant 0 : i32
          %dma_start3A_200 = arith.constant 0 : i32
          %dma_start3A_201 = tpu.memref_slice %arg2[%dma_start3A_199, %dma_start3A_200] : memref<10000x128xf32, #tpu.memory_space<hbm>> -> memref<10000x128xf32, #tpu.memory_space<hbm>>
          tpu.enqueue_indirect_dma source(%dma_start3A_201 : memref<10000x128xf32, #tpu.memory_space<hbm>>) target(%arg9 : memref<128x128xf32, #tpu.memory_space<vmem>>) offsets(%dma_start3A_198 : memref<128xi32, #tpu.memory_space<vmem>>) semaphore(%arg14 : memref<!tpu.dma_semaphore, #tpu.memory_space<semaphore_mem>>)
        } else {
        }
        %scan3A_193 = arith.constant 0 : i32
        scf.yield %scan3A_193 : i32
      }
      %scan3A_153 = arith.constant 20 : i32
      %scan3A_154 = arith.constant 0 : i32
      scf.yield %scan3A_154 : i32
    }
    %scan3A_88 = arith.constant 4 : i32
    %barrier3A_89 = arith.constant 0 : index
    tpu.barrier barrier_id(%barrier3A_89)
    %mul3A_90 = arith.constant 640 : i32
    %mul3A_91 = arith.muli %arg1, %mul3A_90 : i32
    %dma_start3A_92 = arith.constant 0 : i32
    %dma_start3A_93 = tpu.memref_slice %arg6[%arg0, %mul3A_91, %dma_start3A_92] : memref<1x10240x128xf32, #tpu.memory_space<hbm>> -> memref<1x640x128xf32, #tpu.memory_space<hbm>>
    %dma_start3A_94 = tpu.memref_squeeze %dma_start3A_93 : memref<1x640x128xf32, #tpu.memory_space<hbm>> -> memref<640x128xf32, #tpu.memory_space<hbm>>
    %dma_start3A_95 = arith.constant 0 : i32
    %dma_start3A_96 = tpu.memref_slice %arg7[%mul3A_91, %dma_start3A_95] : memref<10240x128xf32, #tpu.memory_space<vmem_shared>> -> memref<640x128xf32, #tpu.memory_space<vmem_shared>>
    tpu.enqueue_dma source(%dma_start3A_96 : memref<640x128xf32, #tpu.memory_space<vmem_shared>>) target(%dma_start3A_94 : memref<640x128xf32, #tpu.memory_space<hbm>>) target_semaphore(%arg15 : memref<!tpu.dma_semaphore, #tpu.memory_space<semaphore_mem>>)
    %dma_wait3A_97 = arith.constant 0 : i32
    %dma_wait3A_98 = tpu.memref_slice %arg6[%arg0, %mul3A_91, %dma_wait3A_97] : memref<1x10240x128xf32, #tpu.memory_space<hbm>> -> memref<1x640x128xf32, #tpu.memory_space<hbm>>
    %dma_wait3A_99 = tpu.memref_squeeze %dma_wait3A_98 : memref<1x640x128xf32, #tpu.memory_space<hbm>> -> memref<640x128xf32, #tpu.memory_space<hbm>>
    %dma_wait3A_100 = arith.constant 0 : i32
    %dma_wait3A_101 = tpu.memref_slice %arg7[%mul3A_91, %dma_wait3A_100] : memref<10240x128xf32, #tpu.memory_space<vmem_shared>> -> memref<640x128xf32, #tpu.memory_space<vmem_shared>>
    tpu.wait_dma2 semaphore(%arg15 : memref<!tpu.dma_semaphore, #tpu.memory_space<semaphore_mem>>) src(%dma_wait3A_101 : memref<640x128xf32, #tpu.memory_space<vmem_shared>>) dst(%dma_wait3A_99 : memref<640x128xf32, #tpu.memory_space<hbm>>)
    return
  }
}

#map = affine_map<(d0, d1) -> (0, 0)>
#map1 = affine_map<(d0, d1) -> (0, 0, 0)>
module attributes {stable_mosaic.version = 14 : i64} {
  func.func @_hop_body(%arg0: i32, %arg1: i32, %arg2: memref<10000x128xf32, #tpu.memory_space<hbm>>, %arg3: memref<2560x128xi32, #tpu.memory_space<hbm>>, %arg4: memref<2560x128xi32, #tpu.memory_space<hbm>>, %arg5: memref<2560x128xf32, #tpu.memory_space<hbm>>, %arg6: memref<1x10240x128xf32, #tpu.memory_space<hbm>>, %arg7: memref<10240x128xf32, #tpu.memory_space<vmem_shared>>, %arg8: memref<128x128xf32, #tpu.memory_space<vmem>>, %arg9: memref<128x128xf32, #tpu.memory_space<vmem>>, %arg10: memref<40x128xi32, #tpu.memory_space<vmem>>, %arg11: memref<40x128xi32, #tpu.memory_space<vmem>>, %arg12: memref<40x128xf32, #tpu.memory_space<vmem>>, %arg13: memref<!tpu.dma_semaphore, #tpu.memory_space<semaphore_mem>>, %arg14: memref<!tpu.dma_semaphore, #tpu.memory_space<semaphore_mem>>, %arg15: memref<!tpu.dma_semaphore, #tpu.memory_space<semaphore_mem>>, %arg16: memref<!tpu.dma_semaphore, #tpu.memory_space<semaphore_mem>>) attributes {dimension_semantics = [#tpu.dimension_semantics<core_parallel>, #tpu.dimension_semantics<subcore_parallel>], iteration_bounds = array<i64: 1, 16>, scalar_prefetch = 0 : i64, scratch_operands = 10 : i64, tpu.core_type = #tpu.core_type<sc_vector_subcore>, window_params = [{transform_indices = #map}, {transform_indices = #map}, {transform_indices = #map}, {transform_indices = #map}, {transform_indices = #map1}]} {
    %scan3A = arith.constant 0 : i32
    %scan3A_0 = arith.constant 0 : i32
    %scan3A_1 = arith.constant 128 : i32
    %scan3A_2 = arith.addi %scan3A_0, %scan3A_1 : i32
    %scan3A_3 = arith.constant 1 : i32
    %scan3A_4 = scf.for %scan3A_102 = %scan3A_0 to %scan3A_2 step %scan3A_3 iter_args(%scan3A_103 = %scan3A) -> (i32)  : i32 {
      %broadcast_in_dim3A = arith.constant 0.000000e+00 : f32
      %broadcast_in_dim3A_104 = vector.broadcast %broadcast_in_dim3A : f32 to vector<16xf32>
      %swap3A = arith.index_cast %scan3A_102 : i32 to index
      %swap3A_105 = arith.constant 0 : index
      %swap3A_106 = tpu.vector_load %arg8[%swap3A, %swap3A_105] {strides = array<i32>} : memref<128x128xf32, #tpu.memory_space<vmem>>, vector<16xf32>,
      tpu.vector_store %arg8[%swap3A, %swap3A_105], %broadcast_in_dim3A_104 {strides = array<i32>} : memref<128x128xf32, #tpu.memory_space<vmem>>, vector<16xf32>,
      %broadcast_in_dim3A_107 = arith.constant 0.000000e+00 : f32
      %broadcast_in_dim3A_108 = vector.broadcast %broadcast_in_dim3A_107 : f32 to vector<16xf32>
      %swap3A_109 = arith.index_cast %scan3A_102 : i32 to index
      %swap3A_110 = arith.constant 16 : index
      %swap3A_111 = tpu.vector_load %arg8[%swap3A_109, %swap3A_110] {strides = array<i32>} : memref<128x128xf32, #tpu.memory_space<vmem>>, vector<16xf32>,
      tpu.vector_store %arg8[%swap3A_109, %swap3A_110], %broadcast_in_dim3A_108 {strides = array<i32>} : memref<128x128xf32, #tpu.memory_space<vmem>>, vector<16xf32>,
      %broadcast_in_dim3A_112 = arith.constant 0.000000e+00 : f32
      %broadcast_in_dim3A_113 = vector.broadcast %broadcast_in_dim3A_112 : f32 to vector<16xf32>
      %swap3A_114 = arith.index_cast %scan3A_102 : i32 to index
      %swap3A_115 = arith.constant 32 : index
      %swap3A_116 = tpu.vector_load %arg8[%swap3A_114, %swap3A_115] {strides = array<i32>} : memref<128x128xf32, #tpu.memory_space<vmem>>, vector<16xf32>,
      tpu.vector_store %arg8[%swap3A_114, %swap3A_115], %broadcast_in_dim3A_113 {strides = array<i32>} : memref<128x128xf32, #tpu.memory_space<vmem>>, vector<16xf32>,
      %broadcast_in_dim3A_117 = arith.constant 0.000000e+00 : f32
      %broadcast_in_dim3A_118 = vector.broadcast %broadcast_in_dim3A_117 : f32 to vector<16xf32>
      %swap3A_119 = arith.index_cast %scan3A_102 : i32 to index
      %swap3A_120 = arith.constant 48 : index
      %swap3A_121 = tpu.vector_load %arg8[%swap3A_119, %swap3A_120] {strides = array<i32>} : memref<128x128xf32, #tpu.memory_space<vmem>>, vector<16xf32>,
      tpu.vector_store %arg8[%swap3A_119, %swap3A_120], %broadcast_in_dim3A_118 {strides = array<i32>} : memref<128x128xf32, #tpu.memory_space<vmem>>, vector<16xf32>,
      %broadcast_in_dim3A_122 = arith.constant 0.000000e+00 : f32
      %broadcast_in_dim3A_123 = vector.broadcast %broadcast_in_dim3A_122 : f32 to vector<16xf32>
      %swap3A_124 = arith.index_cast %scan3A_102 : i32 to index
      %swap3A_125 = arith.constant 64 : index
      %swap3A_126 = tpu.vector_load %arg8[%swap3A_124, %swap3A_125] {strides = array<i32>} : memref<128x128xf32, #tpu.memory_space<vmem>>, vector<16xf32>,
      tpu.vector_store %arg8[%swap3A_124, %swap3A_125], %broadcast_in_dim3A_123 {strides = array<i32>} : memref<128x128xf32, #tpu.memory_space<vmem>>, vector<16xf32>,
      %broadcast_in_dim3A_127 = arith.constant 0.000000e+00 : f32
      %broadcast_in_dim3A_128 = vector.broadcast %broadcast_in_dim3A_127 : f32 to vector<16xf32>
      %swap3A_129 = arith.index_cast %scan3A_102 : i32 to index
      %swap3A_130 = arith.constant 80 : index
      %swap3A_131 = tpu.vector_load %arg8[%swap3A_129, %swap3A_130] {strides = array<i32>} : memref<128x128xf32, #tpu.memory_space<vmem>>, vector<16xf32>,
      tpu.vector_store %arg8[%swap3A_129, %swap3A_130], %broadcast_in_dim3A_128 {strides = array<i32>} : memref<128x128xf32, #tpu.memory_space<vmem>>, vector<16xf32>,
      %broadcast_in_dim3A_132 = arith.constant 0.000000e+00 : f32
      %broadcast_in_dim3A_133 = vector.broadcast %broadcast_in_dim3A_132 : f32 to vector<16xf32>
      %swap3A_134 = arith.index_cast %scan3A_102 : i32 to index
      %swap3A_135 = arith.constant 96 : index
      %swap3A_136 = tpu.vector_load %arg8[%swap3A_134, %swap3A_135] {strides = array<i32>} : memref<128x128xf32, #tpu.memory_space<vmem>>, vector<16xf32>,
      tpu.vector_store %arg8[%swap3A_134, %swap3A_135], %broadcast_in_dim3A_133 {strides = array<i32>} : memref<128x128xf32, #tpu.memory_space<vmem>>, vector<16xf32>,
      %broadcast_in_dim3A_137 = arith.constant 0.000000e+00 : f32
      %broadcast_in_dim3A_138 = vector.broadcast %broadcast_in_dim3A_137 : f32 to vector<16xf32>
      %swap3A_139 = arith.index_cast %scan3A_102 : i32 to index
      %swap3A_140 = arith.constant 112 : index
      %swap3A_141 = tpu.vector_load %arg8[%swap3A_139, %swap3A_140] {strides = array<i32>} : memref<128x128xf32, #tpu.memory_space<vmem>>, vector<16xf32>,
      tpu.vector_store %arg8[%swap3A_139, %swap3A_140], %broadcast_in_dim3A_138 {strides = array<i32>} : memref<128x128xf32, #tpu.memory_space<vmem>>, vector<16xf32>,
      %scan3A_142 = arith.constant 0 : i32
      scf.yield %scan3A_142 : i32
    }
    %scan3A_5 = arith.constant 128 : i32
    %mul3A = arith.constant 640 : i32
    %mul3A_6 = arith.muli %arg1, %mul3A : i32
    %add3A = arith.constant 0 : i32
    %add3A_7 = arith.addi %mul3A_6, %add3A : i32
    %dma_start3A = arith.constant 0 : i32
    %dma_start3A_8 = tpu.memref_slice %arg7[%add3A_7, %dma_start3A] : memref<10240x128xf32, #tpu.memory_space<vmem_shared>> -> memref<128x128xf32, #tpu.memory_space<vmem_shared>>
    %dma_start3A_9 = arith.constant 0 : i32
    %dma_start3A_10 = tpu.memref_slice %arg7[%add3A_7, %dma_start3A_9] : memref<10240x128xf32, #tpu.memory_space<vmem_shared>> -> memref<128x128xf32, #tpu.memory_space<vmem_shared>>
    tpu.enqueue_dma source(%arg8 : memref<128x128xf32, #tpu.memory_space<vmem>>) target(%dma_start3A_10 : memref<128x128xf32, #tpu.memory_space<vmem_shared>>) target_semaphore(%arg15 : memref<!tpu.dma_semaphore, #tpu.memory_space<semaphore_mem>>)
    %mul3A_11 = arith.constant 640 : i32
    %mul3A_12 = arith.muli %arg1, %mul3A_11 : i32
    %add3A_13 = arith.constant 128 : i32
    %add3A_14 = arith.addi %mul3A_12, %add3A_13 : i32
    %dma_start3A_15 = arith.constant 0 : i32
    %dma_start3A_16 = tpu.memref_slice %arg7[%add3A_14, %dma_start3A_15] : memref<10240x128xf32, #tpu.memory_space<vmem_shared>> -> memref<128x128xf32, #tpu.memory_space<vmem_shared>>
    %dma_start3A_17 = arith.constant 0 : i32
    %dma_start3A_18 = tpu.memref_slice %arg7[%add3A_14, %dma_start3A_17] : memref<10240x128xf32, #tpu.memory_space<vmem_shared>> -> memref<128x128xf32, #tpu.memory_space<vmem_shared>>
    tpu.enqueue_dma source(%arg8 : memref<128x128xf32, #tpu.memory_space<vmem>>) target(%dma_start3A_18 : memref<128x128xf32, #tpu.memory_space<vmem_shared>>) target_semaphore(%arg15 : memref<!tpu.dma_semaphore, #tpu.memory_space<semaphore_mem>>)
    %mul3A_19 = arith.constant 640 : i32
    %mul3A_20 = arith.muli %arg1, %mul3A_19 : i32
    %add3A_21 = arith.constant 256 : i32
    %add3A_22 = arith.addi %mul3A_20, %add3A_21 : i32
    %dma_start3A_23 = arith.constant 0 : i32
    %dma_start3A_24 = tpu.memref_slice %arg7[%add3A_22, %dma_start3A_23] : memref<10240x128xf32, #tpu.memory_space<vmem_shared>> -> memref<128x128xf32, #tpu.memory_space<vmem_shared>>
    %dma_start3A_25 = arith.constant 0 : i32
    %dma_start3A_26 = tpu.memref_slice %arg7[%add3A_22, %dma_start3A_25] : memref<10240x128xf32, #tpu.memory_space<vmem_shared>> -> memref<128x128xf32, #tpu.memory_space<vmem_shared>>
    tpu.enqueue_dma source(%arg8 : memref<128x128xf32, #tpu.memory_space<vmem>>) target(%dma_start3A_26 : memref<128x128xf32, #tpu.memory_space<vmem_shared>>) target_semaphore(%arg15 : memref<!tpu.dma_semaphore, #tpu.memory_space<semaphore_mem>>)
    %mul3A_27 = arith.constant 640 : i32
    %mul3A_28 = arith.muli %arg1, %mul3A_27 : i32
    %add3A_29 = arith.constant 384 : i32
    %add3A_30 = arith.addi %mul3A_28, %add3A_29 : i32
    %dma_start3A_31 = arith.constant 0 : i32
    %dma_start3A_32 = tpu.memref_slice %arg7[%add3A_30, %dma_start3A_31] : memref<10240x128xf32, #tpu.memory_space<vmem_shared>> -> memref<128x128xf32, #tpu.memory_space<vmem_shared>>
    %dma_start3A_33 = arith.constant 0 : i32
    %dma_start3A_34 = tpu.memref_slice %arg7[%add3A_30, %dma_start3A_33] : memref<10240x128xf32, #tpu.memory_space<vmem_shared>> -> memref<128x128xf32, #tpu.memory_space<vmem_shared>>
    tpu.enqueue_dma source(%arg8 : memref<128x128xf32, #tpu.memory_space<vmem>>) target(%dma_start3A_34 : memref<128x128xf32, #tpu.memory_space<vmem_shared>>) target_semaphore(%arg15 : memref<!tpu.dma_semaphore, #tpu.memory_space<semaphore_mem>>)
    %mul3A_35 = arith.constant 640 : i32
    %mul3A_36 = arith.muli %arg1, %mul3A_35 : i32
    %add3A_37 = arith.constant 512 : i32
    %add3A_38 = arith.addi %mul3A_36, %add3A_37 : i32
    %dma_start3A_39 = arith.constant 0 : i32
    %dma_start3A_40 = tpu.memref_slice %arg7[%add3A_38, %dma_start3A_39] : memref<10240x128xf32, #tpu.memory_space<vmem_shared>> -> memref<128x128xf32, #tpu.memory_space<vmem_shared>>
    %dma_start3A_41 = arith.constant 0 : i32
    %dma_start3A_42 = tpu.memref_slice %arg7[%add3A_38, %dma_start3A_41] : memref<10240x128xf32, #tpu.memory_space<vmem_shared>> -> memref<128x128xf32, #tpu.memory_space<vmem_shared>>
    tpu.enqueue_dma source(%arg8 : memref<128x128xf32, #tpu.memory_space<vmem>>) target(%dma_start3A_42 : memref<128x128xf32, #tpu.memory_space<vmem_shared>>) target_semaphore(%arg15 : memref<!tpu.dma_semaphore, #tpu.memory_space<semaphore_mem>>)
    %mul3A_43 = arith.constant 640 : i32
    %mul3A_44 = arith.muli %arg1, %mul3A_43 : i32
    %add3A_45 = arith.constant 0 : i32
    %add3A_46 = arith.addi %mul3A_44, %add3A_45 : i32
    %dma_wait3A = arith.constant 0 : i32
    %dma_wait3A_47 = tpu.memref_slice %arg7[%add3A_46, %dma_wait3A] : memref<10240x128xf32, #tpu.memory_space<vmem_shared>> -> memref<128x128xf32, #tpu.memory_space<vmem_shared>>
    %dma_wait3A_48 = arith.constant 0 : i32
    %dma_wait3A_49 = tpu.memref_slice %arg7[%add3A_46, %dma_wait3A_48] : memref<10240x128xf32, #tpu.memory_space<vmem_shared>> -> memref<128x128xf32, #tpu.memory_space<vmem_shared>>
    tpu.wait_dma2 semaphore(%arg15 : memref<!tpu.dma_semaphore, #tpu.memory_space<semaphore_mem>>) src(%arg8 : memref<128x128xf32, #tpu.memory_space<vmem>>) dst(%dma_wait3A_49 : memref<128x128xf32, #tpu.memory_space<vmem_shared>>)
    %mul3A_50 = arith.constant 640 : i32
    %mul3A_51 = arith.muli %arg1, %mul3A_50 : i32
    %add3A_52 = arith.constant 128 : i32
    %add3A_53 = arith.addi %mul3A_51, %add3A_52 : i32
    %dma_wait3A_54 = arith.constant 0 : i32
    %dma_wait3A_55 = tpu.memref_slice %arg7[%add3A_53, %dma_wait3A_54] : memref<10240x128xf32, #tpu.memory_space<vmem_shared>> -> memref<128x128xf32, #tpu.memory_space<vmem_shared>>
    %dma_wait3A_56 = arith.constant 0 : i32
    %dma_wait3A_57 = tpu.memref_slice %arg7[%add3A_53, %dma_wait3A_56] : memref<10240x128xf32, #tpu.memory_space<vmem_shared>> -> memref<128x128xf32, #tpu.memory_space<vmem_shared>>
    tpu.wait_dma2 semaphore(%arg15 : memref<!tpu.dma_semaphore, #tpu.memory_space<semaphore_mem>>) src(%arg8 : memref<128x128xf32, #tpu.memory_space<vmem>>) dst(%dma_wait3A_57 : memref<128x128xf32, #tpu.memory_space<vmem_shared>>)
    %mul3A_58 = arith.constant 640 : i32
    %mul3A_59 = arith.muli %arg1, %mul3A_58 : i32
    %add3A_60 = arith.constant 256 : i32
    %add3A_61 = arith.addi %mul3A_59, %add3A_60 : i32
    %dma_wait3A_62 = arith.constant 0 : i32
    %dma_wait3A_63 = tpu.memref_slice %arg7[%add3A_61, %dma_wait3A_62] : memref<10240x128xf32, #tpu.memory_space<vmem_shared>> -> memref<128x128xf32, #tpu.memory_space<vmem_shared>>
    %dma_wait3A_64 = arith.constant 0 : i32
    %dma_wait3A_65 = tpu.memref_slice %arg7[%add3A_61, %dma_wait3A_64] : memref<10240x128xf32, #tpu.memory_space<vmem_shared>> -> memref<128x128xf32, #tpu.memory_space<vmem_shared>>
    tpu.wait_dma2 semaphore(%arg15 : memref<!tpu.dma_semaphore, #tpu.memory_space<semaphore_mem>>) src(%arg8 : memref<128x128xf32, #tpu.memory_space<vmem>>) dst(%dma_wait3A_65 : memref<128x128xf32, #tpu.memory_space<vmem_shared>>)
    %mul3A_66 = arith.constant 640 : i32
    %mul3A_67 = arith.muli %arg1, %mul3A_66 : i32
    %add3A_68 = arith.constant 384 : i32
    %add3A_69 = arith.addi %mul3A_67, %add3A_68 : i32
    %dma_wait3A_70 = arith.constant 0 : i32
    %dma_wait3A_71 = tpu.memref_slice %arg7[%add3A_69, %dma_wait3A_70] : memref<10240x128xf32, #tpu.memory_space<vmem_shared>> -> memref<128x128xf32, #tpu.memory_space<vmem_shared>>
    %dma_wait3A_72 = arith.constant 0 : i32
    %dma_wait3A_73 = tpu.memref_slice %arg7[%add3A_69, %dma_wait3A_72] : memref<10240x128xf32, #tpu.memory_space<vmem_shared>> -> memref<128x128xf32, #tpu.memory_space<vmem_shared>>
    tpu.wait_dma2 semaphore(%arg15 : memref<!tpu.dma_semaphore, #tpu.memory_space<semaphore_mem>>) src(%arg8 : memref<128x128xf32, #tpu.memory_space<vmem>>) dst(%dma_wait3A_73 : memref<128x128xf32, #tpu.memory_space<vmem_shared>>)
    %mul3A_74 = arith.constant 640 : i32
    %mul3A_75 = arith.muli %arg1, %mul3A_74 : i32
    %add3A_76 = arith.constant 512 : i32
    %add3A_77 = arith.addi %mul3A_75, %add3A_76 : i32
    %dma_wait3A_78 = arith.constant 0 : i32
    %dma_wait3A_79 = tpu.memref_slice %arg7[%add3A_77, %dma_wait3A_78] : memref<10240x128xf32, #tpu.memory_space<vmem_shared>> -> memref<128x128xf32, #tpu.memory_space<vmem_shared>>
    %dma_wait3A_80 = arith.constant 0 : i32
    %dma_wait3A_81 = tpu.memref_slice %arg7[%add3A_77, %dma_wait3A_80] : memref<10240x128xf32, #tpu.memory_space<vmem_shared>> -> memref<128x128xf32, #tpu.memory_space<vmem_shared>>
    tpu.wait_dma2 semaphore(%arg15 : memref<!tpu.dma_semaphore, #tpu.memory_space<semaphore_mem>>) src(%arg8 : memref<128x128xf32, #tpu.memory_space<vmem>>) dst(%dma_wait3A_81 : memref<128x128xf32, #tpu.memory_space<vmem_shared>>)
    %barrier3A = arith.constant 0 : index
    tpu.barrier barrier_id(%barrier3A)
    %scan3A_82 = arith.constant 0 : i32
    %scan3A_83 = arith.constant 0 : i32
    %scan3A_84 = arith.constant 4 : i32
    %scan3A_85 = arith.addi %scan3A_83, %scan3A_84 : i32
    %scan3A_86 = arith.constant 1 : i32
    %scan3A_87 = scf.for %scan3A_102 = %scan3A_83 to %scan3A_85 step %scan3A_86 iter_args(%scan3A_103 = %scan3A_82) -> (i32)  : i32 {
      %mul3A_104 = arith.constant 160 : i32
      %mul3A_105 = arith.muli %arg1, %mul3A_104 : i32
      %mul3A_106 = arith.constant 40 : i32
      %mul3A_107 = arith.muli %scan3A_102, %mul3A_106 : i32
      %add3A_108 = arith.addi %mul3A_105, %mul3A_107 : i32
      %multiple_of3A = tpu.assume_multiple %add3A_108, 8 : i32
      %dma_start3A_109 = arith.constant 0 : i32
      %dma_start3A_110 = tpu.memref_slice %arg3[%multiple_of3A, %dma_start3A_109] : memref<2560x128xi32, #tpu.memory_space<hbm>> -> memref<40x128xi32, #tpu.memory_space<hbm>>
      %dma_start3A_111 = arith.constant 0 : i32
      %dma_start3A_112 = tpu.memref_slice %arg3[%multiple_of3A, %dma_start3A_111] : memref<2560x128xi32, #tpu.memory_space<hbm>> -> memref<40x128xi32, #tpu.memory_space<hbm>>
      tpu.enqueue_dma source(%dma_start3A_112 : memref<40x128xi32, #tpu.memory_space<hbm>>) target(%arg10 : memref<40x128xi32, #tpu.memory_space<vmem>>) target_semaphore(%arg16 : memref<!tpu.dma_semaphore, #tpu.memory_space<semaphore_mem>>)
      %dma_start3A_113 = arith.constant 0 : i32
      %dma_start3A_114 = tpu.memref_slice %arg4[%multiple_of3A, %dma_start3A_113] : memref<2560x128xi32, #tpu.memory_space<hbm>> -> memref<40x128xi32, #tpu.memory_space<hbm>>
      %dma_start3A_115 = arith.constant 0 : i32
      %dma_start3A_116 = tpu.memref_slice %arg4[%multiple_of3A, %dma_start3A_115] : memref<2560x128xi32, #tpu.memory_space<hbm>> -> memref<40x128xi32, #tpu.memory_space<hbm>>
      tpu.enqueue_dma source(%dma_start3A_116 : memref<40x128xi32, #tpu.memory_space<hbm>>) target(%arg11 : memref<40x128xi32, #tpu.memory_space<vmem>>) target_semaphore(%arg16 : memref<!tpu.dma_semaphore, #tpu.memory_space<semaphore_mem>>)
      %dma_start3A_117 = arith.constant 0 : i32
      %dma_start3A_118 = tpu.memref_slice %arg5[%multiple_of3A, %dma_start3A_117] : memref<2560x128xf32, #tpu.memory_space<hbm>> -> memref<40x128xf32, #tpu.memory_space<hbm>>
      %dma_start3A_119 = arith.constant 0 : i32
      %dma_start3A_120 = tpu.memref_slice %arg5[%multiple_of3A, %dma_start3A_119] : memref<2560x128xf32, #tpu.memory_space<hbm>> -> memref<40x128xf32, #tpu.memory_space<hbm>>
      tpu.enqueue_dma source(%dma_start3A_120 : memref<40x128xf32, #tpu.memory_space<hbm>>) target(%arg12 : memref<40x128xf32, #tpu.memory_space<vmem>>) target_semaphore(%arg16 : memref<!tpu.dma_semaphore, #tpu.memory_space<semaphore_mem>>)
      %dma_wait3A_121 = arith.constant 0 : i32
      %dma_wait3A_122 = tpu.memref_slice %arg3[%multiple_of3A, %dma_wait3A_121] : memref<2560x128xi32, #tpu.memory_space<hbm>> -> memref<40x128xi32, #tpu.memory_space<hbm>>
      %dma_wait3A_123 = arith.constant 0 : i32
      %dma_wait3A_124 = tpu.memref_slice %arg3[%multiple_of3A, %dma_wait3A_123] : memref<2560x128xi32, #tpu.memory_space<hbm>> -> memref<40x128xi32, #tpu.memory_space<hbm>>
      tpu.wait_dma2 semaphore(%arg16 : memref<!tpu.dma_semaphore, #tpu.memory_space<semaphore_mem>>) src(%dma_wait3A_124 : memref<40x128xi32, #tpu.memory_space<hbm>>) dst(%arg10 : memref<40x128xi32, #tpu.memory_space<vmem>>)
      %dma_wait3A_125 = arith.constant 0 : i32
      %dma_wait3A_126 = tpu.memref_slice %arg4[%multiple_of3A, %dma_wait3A_125] : memref<2560x128xi32, #tpu.memory_space<hbm>> -> memref<40x128xi32, #tpu.memory_space<hbm>>
      %dma_wait3A_127 = arith.constant 0 : i32
      %dma_wait3A_128 = tpu.memref_slice %arg4[%multiple_of3A, %dma_wait3A_127] : memref<2560x128xi32, #tpu.memory_space<hbm>> -> memref<40x128xi32, #tpu.memory_space<hbm>>
      tpu.wait_dma2 semaphore(%arg16 : memref<!tpu.dma_semaphore, #tpu.memory_space<semaphore_mem>>) src(%dma_wait3A_128 : memref<40x128xi32, #tpu.memory_space<hbm>>) dst(%arg11 : memref<40x128xi32, #tpu.memory_space<vmem>>)
      %dma_wait3A_129 = arith.constant 0 : i32
      %dma_wait3A_130 = tpu.memref_slice %arg5[%multiple_of3A, %dma_wait3A_129] : memref<2560x128xf32, #tpu.memory_space<hbm>> -> memref<40x128xf32, #tpu.memory_space<hbm>>
      %dma_wait3A_131 = arith.constant 0 : i32
      %dma_wait3A_132 = tpu.memref_slice %arg5[%multiple_of3A, %dma_wait3A_131] : memref<2560x128xf32, #tpu.memory_space<hbm>> -> memref<40x128xf32, #tpu.memory_space<hbm>>
      tpu.wait_dma2 semaphore(%arg16 : memref<!tpu.dma_semaphore, #tpu.memory_space<semaphore_mem>>) src(%dma_wait3A_132 : memref<40x128xf32, #tpu.memory_space<hbm>>) dst(%arg12 : memref<40x128xf32, #tpu.memory_space<vmem>>)
      %dma_start3A_133 = arith.constant 0 : i32
      %dma_start3A_134 = arith.constant 0 : i32
      %dma_start3A_135 = tpu.memref_slice %arg10[%dma_start3A_133, %dma_start3A_134] : memref<40x128xi32, #tpu.memory_space<vmem>> -> memref<1x128xi32, #tpu.memory_space<vmem>>
      %dma_start3A_136 = tpu.memref_squeeze %dma_start3A_135 : memref<1x128xi32, #tpu.memory_space<vmem>> -> memref<128xi32, #tpu.memory_space<vmem>>
      %dma_start3A_137 = arith.constant 0 : i32
      %dma_start3A_138 = arith.constant 0 : i32
      %dma_start3A_139 = tpu.memref_slice %arg2[%dma_start3A_137, %dma_start3A_138] : memref<10000x128xf32, #tpu.memory_space<hbm>> -> memref<10000x128xf32, #tpu.memory_space<hbm>>
      tpu.enqueue_indirect_dma source(%dma_start3A_139 : memref<10000x128xf32, #tpu.memory_space<hbm>>) target(%arg8 : memref<128x128xf32, #tpu.memory_space<vmem>>) offsets(%dma_start3A_136 : memref<128xi32, #tpu.memory_space<vmem>>) semaphore(%arg13 : memref<!tpu.dma_semaphore, #tpu.memory_space<semaphore_mem>>)
      %dma_start3A_140 = arith.constant 1 : i32
      %dma_start3A_141 = arith.constant 0 : i32
      %dma_start3A_142 = tpu.memref_slice %arg10[%dma_start3A_140, %dma_start3A_141] : memref<40x128xi32, #tpu.memory_space<vmem>> -> memref<1x128xi32, #tpu.memory_space<vmem>>
      %dma_start3A_143 = tpu.memref_squeeze %dma_start3A_142 : memref<1x128xi32, #tpu.memory_space<vmem>> -> memref<128xi32, #tpu.memory_space<vmem>>
      %dma_start3A_144 = arith.constant 0 : i32
      %dma_start3A_145 = arith.constant 0 : i32
      %dma_start3A_146 = tpu.memref_slice %arg2[%dma_start3A_144, %dma_start3A_145] : memref<10000x128xf32, #tpu.memory_space<hbm>> -> memref<10000x128xf32, #tpu.memory_space<hbm>>
      tpu.enqueue_indirect_dma source(%dma_start3A_146 : memref<10000x128xf32, #tpu.memory_space<hbm>>) target(%arg9 : memref<128x128xf32, #tpu.memory_space<vmem>>) offsets(%dma_start3A_143 : memref<128xi32, #tpu.memory_space<vmem>>) semaphore(%arg14 : memref<!tpu.dma_semaphore, #tpu.memory_space<semaphore_mem>>)
      %scan3A_147 = arith.constant 0 : i32
      %scan3A_148 = arith.constant 0 : i32
      %scan3A_149 = arith.constant 20 : i32
      %scan3A_150 = arith.addi %scan3A_148, %scan3A_149 : i32
      %scan3A_151 = arith.constant 1 : i32
      %scan3A_152 = scf.for %scan3A_155 = %scan3A_148 to %scan3A_150 step %scan3A_151 iter_args(%scan3A_156 = %scan3A_147) -> (i32)  : i32 {
        %mul3A_157 = arith.constant 2 : i32
        %mul3A_158 = arith.muli %mul3A_157, %scan3A_155 : i32
        %add3A_159 = arith.constant 0 : i32
        %add3A_160 = arith.addi %mul3A_158, %add3A_159 : i32
        %dma_wait3A_161 = arith.constant 0 : i32
        %dma_wait3A_162 = tpu.memref_slice %arg10[%add3A_160, %dma_wait3A_161] : memref<40x128xi32, #tpu.memory_space<vmem>> -> memref<1x128xi32, #tpu.memory_space<vmem>>
        %dma_wait3A_163 = tpu.memref_squeeze %dma_wait3A_162 : memref<1x128xi32, #tpu.memory_space<vmem>> -> memref<128xi32, #tpu.memory_space<vmem>>
        %dma_wait3A_164 = arith.constant 0 : i32
        %dma_wait3A_165 = arith.constant 0 : i32
        %dma_wait3A_166 = tpu.memref_slice %arg2[%dma_wait3A_164, %dma_wait3A_165] : memref<10000x128xf32, #tpu.memory_space<hbm>> -> memref<10000x128xf32, #tpu.memory_space<hbm>>
        tpu.wait_indirect_dma semaphore(%arg13 : memref<!tpu.dma_semaphore, #tpu.memory_space<semaphore_mem>>) src(%dma_wait3A_166 : memref<10000x128xf32, #tpu.memory_space<hbm>>) dst(%arg8 : memref<128x128xf32, #tpu.memory_space<vmem>>)
        %parallel_loop3A = arith.constant 0 : i32
        %parallel_loop3A_167 = arith.constant 128 : i32
        %parallel_loop3A_168 = arith.constant 1 : i32
        scf.for %parallel_loop3A_194 = %parallel_loop3A to %parallel_loop3A_167 step %parallel_loop3A_168  : i32 {
          %parallel_loop3A_195 = vector.broadcast %add3A_160 : i32 to vector<16xi32>
          %parallel_loop3A_196 = vector.broadcast %parallel_loop3A_194 : i32 to vector<16xi32>
          %parallel_loop3A_197 = tpu.vector_load_idx %arg12[%parallel_loop3A_195, %parallel_loop3A_196] : memref<40x128xf32, #tpu.memory_space<vmem>>[vector<16xi32>, vector<16xi32>], vector<16xf32>,
          %parallel_loop3A_198 = arith.index_cast %parallel_loop3A_194 : i32 to index
          %parallel_loop3A_199 = arith.constant 0 : index
          %parallel_loop3A_200 = tpu.vector_load %arg8[%parallel_loop3A_198, %parallel_loop3A_199] {strides = array<i32>} : memref<128x128xf32, #tpu.memory_space<vmem>>, vector<16xf32>,
          %parallel_loop3A_201 = arith.mulf %parallel_loop3A_200, %parallel_loop3A_197 : vector<16xf32>
          %parallel_loop3A_202 = arith.index_cast %parallel_loop3A_194 : i32 to index
          %parallel_loop3A_203 = arith.constant 0 : index
          %parallel_loop3A_204 = tpu.vector_load %arg8[%parallel_loop3A_202, %parallel_loop3A_203] {strides = array<i32>} : memref<128x128xf32, #tpu.memory_space<vmem>>, vector<16xf32>,
          tpu.vector_store %arg8[%parallel_loop3A_202, %parallel_loop3A_203], %parallel_loop3A_201 {strides = array<i32>} : memref<128x128xf32, #tpu.memory_space<vmem>>, vector<16xf32>,
          %parallel_loop3A_205 = arith.index_cast %parallel_loop3A_194 : i32 to index
          %parallel_loop3A_206 = arith.constant 16 : index
          %parallel_loop3A_207 = tpu.vector_load %arg8[%parallel_loop3A_205, %parallel_loop3A_206] {strides = array<i32>} : memref<128x128xf32, #tpu.memory_space<vmem>>, vector<16xf32>,
          %parallel_loop3A_208 = arith.mulf %parallel_loop3A_207, %parallel_loop3A_197 : vector<16xf32>
          %parallel_loop3A_209 = arith.index_cast %parallel_loop3A_194 : i32 to index
          %parallel_loop3A_210 = arith.constant 16 : index
          %parallel_loop3A_211 = tpu.vector_load %arg8[%parallel_loop3A_209, %parallel_loop3A_210] {strides = array<i32>} : memref<128x128xf32, #tpu.memory_space<vmem>>, vector<16xf32>,
          tpu.vector_store %arg8[%parallel_loop3A_209, %parallel_loop3A_210], %parallel_loop3A_208 {strides = array<i32>} : memref<128x128xf32, #tpu.memory_space<vmem>>, vector<16xf32>,
          %parallel_loop3A_212 = arith.index_cast %parallel_loop3A_194 : i32 to index
          %parallel_loop3A_213 = arith.constant 32 : index
          %parallel_loop3A_214 = tpu.vector_load %arg8[%parallel_loop3A_212, %parallel_loop3A_213] {strides = array<i32>} : memref<128x128xf32, #tpu.memory_space<vmem>>, vector<16xf32>,
          %parallel_loop3A_215 = arith.mulf %parallel_loop3A_214, %parallel_loop3A_197 : vector<16xf32>
          %parallel_loop3A_216 = arith.index_cast %parallel_loop3A_194 : i32 to index
          %parallel_loop3A_217 = arith.constant 32 : index
          %parallel_loop3A_218 = tpu.vector_load %arg8[%parallel_loop3A_216, %parallel_loop3A_217] {strides = array<i32>} : memref<128x128xf32, #tpu.memory_space<vmem>>, vector<16xf32>,
          tpu.vector_store %arg8[%parallel_loop3A_216, %parallel_loop3A_217], %parallel_loop3A_215 {strides = array<i32>} : memref<128x128xf32, #tpu.memory_space<vmem>>, vector<16xf32>,
          %parallel_loop3A_219 = arith.index_cast %parallel_loop3A_194 : i32 to index
          %parallel_loop3A_220 = arith.constant 48 : index
          %parallel_loop3A_221 = tpu.vector_load %arg8[%parallel_loop3A_219, %parallel_loop3A_220] {strides = array<i32>} : memref<128x128xf32, #tpu.memory_space<vmem>>, vector<16xf32>,
          %parallel_loop3A_222 = arith.mulf %parallel_loop3A_221, %parallel_loop3A_197 : vector<16xf32>
          %parallel_loop3A_223 = arith.index_cast %parallel_loop3A_194 : i32 to index
          %parallel_loop3A_224 = arith.constant 48 : index
          %parallel_loop3A_225 = tpu.vector_load %arg8[%parallel_loop3A_223, %parallel_loop3A_224] {strides = array<i32>} : memref<128x128xf32, #tpu.memory_space<vmem>>, vector<16xf32>,
          tpu.vector_store %arg8[%parallel_loop3A_223, %parallel_loop3A_224], %parallel_loop3A_222 {strides = array<i32>} : memref<128x128xf32, #tpu.memory_space<vmem>>, vector<16xf32>,
          %parallel_loop3A_226 = arith.index_cast %parallel_loop3A_194 : i32 to index
          %parallel_loop3A_227 = arith.constant 64 : index
          %parallel_loop3A_228 = tpu.vector_load %arg8[%parallel_loop3A_226, %parallel_loop3A_227] {strides = array<i32>} : memref<128x128xf32, #tpu.memory_space<vmem>>, vector<16xf32>,
          %parallel_loop3A_229 = arith.mulf %parallel_loop3A_228, %parallel_loop3A_197 : vector<16xf32>
          %parallel_loop3A_230 = arith.index_cast %parallel_loop3A_194 : i32 to index
          %parallel_loop3A_231 = arith.constant 64 : index
          %parallel_loop3A_232 = tpu.vector_load %arg8[%parallel_loop3A_230, %parallel_loop3A_231] {strides = array<i32>} : memref<128x128xf32, #tpu.memory_space<vmem>>, vector<16xf32>,
          tpu.vector_store %arg8[%parallel_loop3A_230, %parallel_loop3A_231], %parallel_loop3A_229 {strides = array<i32>} : memref<128x128xf32, #tpu.memory_space<vmem>>, vector<16xf32>,
          %parallel_loop3A_233 = arith.index_cast %parallel_loop3A_194 : i32 to index
          %parallel_loop3A_234 = arith.constant 80 : index
          %parallel_loop3A_235 = tpu.vector_load %arg8[%parallel_loop3A_233, %parallel_loop3A_234] {strides = array<i32>} : memref<128x128xf32, #tpu.memory_space<vmem>>, vector<16xf32>,
          %parallel_loop3A_236 = arith.mulf %parallel_loop3A_235, %parallel_loop3A_197 : vector<16xf32>
          %parallel_loop3A_237 = arith.index_cast %parallel_loop3A_194 : i32 to index
          %parallel_loop3A_238 = arith.constant 80 : index
          %parallel_loop3A_239 = tpu.vector_load %arg8[%parallel_loop3A_237, %parallel_loop3A_238] {strides = array<i32>} : memref<128x128xf32, #tpu.memory_space<vmem>>, vector<16xf32>,
          tpu.vector_store %arg8[%parallel_loop3A_237, %parallel_loop3A_238], %parallel_loop3A_236 {strides = array<i32>} : memref<128x128xf32, #tpu.memory_space<vmem>>, vector<16xf32>,
          %parallel_loop3A_240 = arith.index_cast %parallel_loop3A_194 : i32 to index
          %parallel_loop3A_241 = arith.constant 96 : index
          %parallel_loop3A_242 = tpu.vector_load %arg8[%parallel_loop3A_240, %parallel_loop3A_241] {strides = array<i32>} : memref<128x128xf32, #tpu.memory_space<vmem>>, vector<16xf32>,
          %parallel_loop3A_243 = arith.mulf %parallel_loop3A_242, %parallel_loop3A_197 : vector<16xf32>
          %parallel_loop3A_244 = arith.index_cast %parallel_loop3A_194 : i32 to index
          %parallel_loop3A_245 = arith.constant 96 : index
          %parallel_loop3A_246 = tpu.vector_load %arg8[%parallel_loop3A_244, %parallel_loop3A_245] {strides = array<i32>} : memref<128x128xf32, #tpu.memory_space<vmem>>, vector<16xf32>,
          tpu.vector_store %arg8[%parallel_loop3A_244, %parallel_loop3A_245], %parallel_loop3A_243 {strides = array<i32>} : memref<128x128xf32, #tpu.memory_space<vmem>>, vector<16xf32>,
          %parallel_loop3A_247 = arith.index_cast %parallel_loop3A_194 : i32 to index
          %parallel_loop3A_248 = arith.constant 112 : index
          %parallel_loop3A_249 = tpu.vector_load %arg8[%parallel_loop3A_247, %parallel_loop3A_248] {strides = array<i32>} : memref<128x128xf32, #tpu.memory_space<vmem>>, vector<16xf32>,
          %parallel_loop3A_250 = arith.mulf %parallel_loop3A_249, %parallel_loop3A_197 : vector<16xf32>
          %parallel_loop3A_251 = arith.index_cast %parallel_loop3A_194 : i32 to index
          %parallel_loop3A_252 = arith.constant 112 : index
          %parallel_loop3A_253 = tpu.vector_load %arg8[%parallel_loop3A_251, %parallel_loop3A_252] {strides = array<i32>} : memref<128x128xf32, #tpu.memory_space<vmem>>, vector<16xf32>,
          tpu.vector_store %arg8[%parallel_loop3A_251, %parallel_loop3A_252], %parallel_loop3A_250 {strides = array<i32>} : memref<128x128xf32, #tpu.memory_space<vmem>>, vector<16xf32>,
        } {sc.loop_unroll_factor = 4 : i64, sc.parallel_access}
        "tpu.region"() ({
          %run_scoped3A = tpu.sem_alloc : memref<!tpu.dma_semaphore, #tpu.memory_space<semaphore_mem>>
          %dma_start3A_194 = arith.constant 0 : i32
          %dma_start3A_195 = tpu.memref_slice %arg11[%add3A_160, %dma_start3A_194] : memref<40x128xi32, #tpu.memory_space<vmem>> -> memref<1x128xi32, #tpu.memory_space<vmem>>
          %dma_start3A_196 = tpu.memref_squeeze %dma_start3A_195 : memref<1x128xi32, #tpu.memory_space<vmem>> -> memref<128xi32, #tpu.memory_space<vmem>>
          %dma_start3A_197 = arith.constant 0 : i32
          %dma_start3A_198 = arith.constant 0 : i32
          %dma_start3A_199 = tpu.memref_slice %arg7[%dma_start3A_197, %dma_start3A_198] : memref<10240x128xf32, #tpu.memory_space<vmem_shared>> -> memref<10240x128xf32, #tpu.memory_space<vmem_shared>>
          tpu.enqueue_indirect_dma source(%arg8 : memref<128x128xf32, #tpu.memory_space<vmem>>) target(%dma_start3A_199 : memref<10240x128xf32, #tpu.memory_space<vmem_shared>>) offsets(%dma_start3A_196 : memref<128xi32, #tpu.memory_space<vmem>>) semaphore(%run_scoped3A : memref<!tpu.dma_semaphore, #tpu.memory_space<semaphore_mem>>) {add = true}
          %dma_wait3A_200 = arith.constant 0 : i32
          %dma_wait3A_201 = tpu.memref_slice %arg11[%add3A_160, %dma_wait3A_200] : memref<40x128xi32, #tpu.memory_space<vmem>> -> memref<1x128xi32, #tpu.memory_space<vmem>>
          %dma_wait3A_202 = tpu.memref_squeeze %dma_wait3A_201 : memref<1x128xi32, #tpu.memory_space<vmem>> -> memref<128xi32, #tpu.memory_space<vmem>>
          %dma_wait3A_203 = arith.constant 0 : i32
          %dma_wait3A_204 = arith.constant 0 : i32
          %dma_wait3A_205 = tpu.memref_slice %arg7[%dma_wait3A_203, %dma_wait3A_204] : memref<10240x128xf32, #tpu.memory_space<vmem_shared>> -> memref<10240x128xf32, #tpu.memory_space<vmem_shared>>
          tpu.wait_indirect_dma semaphore(%run_scoped3A : memref<!tpu.dma_semaphore, #tpu.memory_space<semaphore_mem>>) src(%arg8 : memref<128x128xf32, #tpu.memory_space<vmem>>) dst(%dma_wait3A_205 : memref<10240x128xf32, #tpu.memory_space<vmem_shared>>)
          tpu.yield
        }) : () -> ()
        %add3A_169 = arith.constant 2 : i32
        %add3A_170 = arith.addi %add3A_160, %add3A_169 : i32
        %lt3A = arith.constant 40 : i32
        %lt3A_171 = arith.cmpi slt, %add3A_170, %lt3A : i32
        %convert_element_type3A = arith.extui %lt3A_171 : i1 to i32
        %cond3A = arith.constant 0 : i32
        %cond3A_172 = arith.cmpi ne, %convert_element_type3A, %cond3A : i32
        scf.if %cond3A_172 {
          %add3A_194 = arith.constant 2 : i32
          %add3A_195 = arith.addi %add3A_160, %add3A_194 : i32
          %dma_start3A_196 = arith.constant 0 : i32
          %dma_start3A_197 = tpu.memref_slice %arg10[%add3A_195, %dma_start3A_196] : memref<40x128xi32, #tpu.memory_space<vmem>> -> memref<1x128xi32, #tpu.memory_space<vmem>>
          %dma_start3A_198 = tpu.memref_squeeze %dma_start3A_197 : memref<1x128xi32, #tpu.memory_space<vmem>> -> memref<128xi32, #tpu.memory_space<vmem>>
          %dma_start3A_199 = arith.constant 0 : i32
          %dma_start3A_200 = arith.constant 0 : i32
          %dma_start3A_201 = tpu.memref_slice %arg2[%dma_start3A_199, %dma_start3A_200] : memref<10000x128xf32, #tpu.memory_space<hbm>> -> memref<10000x128xf32, #tpu.memory_space<hbm>>
          tpu.enqueue_indirect_dma source(%dma_start3A_201 : memref<10000x128xf32, #tpu.memory_space<hbm>>) target(%arg8 : memref<128x128xf32, #tpu.memory_space<vmem>>) offsets(%dma_start3A_198 : memref<128xi32, #tpu.memory_space<vmem>>) semaphore(%arg13 : memref<!tpu.dma_semaphore, #tpu.memory_space<semaphore_mem>>)
        } else {
        }
        %mul3A_173 = arith.constant 2 : i32
        %mul3A_174 = arith.muli %mul3A_173, %scan3A_155 : i32
        %add3A_175 = arith.constant 1 : i32
        %add3A_176 = arith.addi %mul3A_174, %add3A_175 : i32
        %dma_wait3A_177 = arith.constant 0 : i32
        %dma_wait3A_178 = tpu.memref_slice %arg10[%add3A_176, %dma_wait3A_177] : memref<40x128xi32, #tpu.memory_space<vmem>> -> memref<1x128xi32, #tpu.memory_space<vmem>>
        %dma_wait3A_179 = tpu.memref_squeeze %dma_wait3A_178 : memref<1x128xi32, #tpu.memory_space<vmem>> -> memref<128xi32, #tpu.memory_space<vmem>>
        %dma_wait3A_180 = arith.constant 0 : i32
        %dma_wait3A_181 = arith.constant 0 : i32
        %dma_wait3A_182 = tpu.memref_slice %arg2[%dma_wait3A_180, %dma_wait3A_181] : memref<10000x128xf32, #tpu.memory_space<hbm>> -> memref<10000x128xf32, #tpu.memory_space<hbm>>
        tpu.wait_indirect_dma semaphore(%arg14 : memref<!tpu.dma_semaphore, #tpu.memory_space<semaphore_mem>>) src(%dma_wait3A_182 : memref<10000x128xf32, #tpu.memory_space<hbm>>) dst(%arg9 : memref<128x128xf32, #tpu.memory_space<vmem>>)
        %parallel_loop3A_183 = arith.constant 0 : i32
        %parallel_loop3A_184 = arith.constant 128 : i32
        %parallel_loop3A_185 = arith.constant 1 : i32
        scf.for %parallel_loop3A_194 = %parallel_loop3A_183 to %parallel_loop3A_184 step %parallel_loop3A_185  : i32 {
          %parallel_loop3A_195 = vector.broadcast %add3A_176 : i32 to vector<16xi32>
          %parallel_loop3A_196 = vector.broadcast %parallel_loop3A_194 : i32 to vector<16xi32>
          %parallel_loop3A_197 = tpu.vector_load_idx %arg12[%parallel_loop3A_195, %parallel_loop3A_196] : memref<40x128xf32, #tpu.memory_space<vmem>>[vector<16xi32>, vector<16xi32>], vector<16xf32>,
          %parallel_loop3A_198 = arith.index_cast %parallel_loop3A_194 : i32 to index
          %parallel_loop3A_199 = arith.constant 0 : index
          %parallel_loop3A_200 = tpu.vector_load %arg9[%parallel_loop3A_198, %parallel_loop3A_199] {strides = array<i32>} : memref<128x128xf32, #tpu.memory_space<vmem>>, vector<16xf32>,
          %parallel_loop3A_201 = arith.mulf %parallel_loop3A_200, %parallel_loop3A_197 : vector<16xf32>
          %parallel_loop3A_202 = arith.index_cast %parallel_loop3A_194 : i32 to index
          %parallel_loop3A_203 = arith.constant 0 : index
          %parallel_loop3A_204 = tpu.vector_load %arg9[%parallel_loop3A_202, %parallel_loop3A_203] {strides = array<i32>} : memref<128x128xf32, #tpu.memory_space<vmem>>, vector<16xf32>,
          tpu.vector_store %arg9[%parallel_loop3A_202, %parallel_loop3A_203], %parallel_loop3A_201 {strides = array<i32>} : memref<128x128xf32, #tpu.memory_space<vmem>>, vector<16xf32>,
          %parallel_loop3A_205 = arith.index_cast %parallel_loop3A_194 : i32 to index
          %parallel_loop3A_206 = arith.constant 16 : index
          %parallel_loop3A_207 = tpu.vector_load %arg9[%parallel_loop3A_205, %parallel_loop3A_206] {strides = array<i32>} : memref<128x128xf32, #tpu.memory_space<vmem>>, vector<16xf32>,
          %parallel_loop3A_208 = arith.mulf %parallel_loop3A_207, %parallel_loop3A_197 : vector<16xf32>
          %parallel_loop3A_209 = arith.index_cast %parallel_loop3A_194 : i32 to index
          %parallel_loop3A_210 = arith.constant 16 : index
          %parallel_loop3A_211 = tpu.vector_load %arg9[%parallel_loop3A_209, %parallel_loop3A_210] {strides = array<i32>} : memref<128x128xf32, #tpu.memory_space<vmem>>, vector<16xf32>,
          tpu.vector_store %arg9[%parallel_loop3A_209, %parallel_loop3A_210], %parallel_loop3A_208 {strides = array<i32>} : memref<128x128xf32, #tpu.memory_space<vmem>>, vector<16xf32>,
          %parallel_loop3A_212 = arith.index_cast %parallel_loop3A_194 : i32 to index
          %parallel_loop3A_213 = arith.constant 32 : index
          %parallel_loop3A_214 = tpu.vector_load %arg9[%parallel_loop3A_212, %parallel_loop3A_213] {strides = array<i32>} : memref<128x128xf32, #tpu.memory_space<vmem>>, vector<16xf32>,
          %parallel_loop3A_215 = arith.mulf %parallel_loop3A_214, %parallel_loop3A_197 : vector<16xf32>
          %parallel_loop3A_216 = arith.index_cast %parallel_loop3A_194 : i32 to index
          %parallel_loop3A_217 = arith.constant 32 : index
          %parallel_loop3A_218 = tpu.vector_load %arg9[%parallel_loop3A_216, %parallel_loop3A_217] {strides = array<i32>} : memref<128x128xf32, #tpu.memory_space<vmem>>, vector<16xf32>,
          tpu.vector_store %arg9[%parallel_loop3A_216, %parallel_loop3A_217], %parallel_loop3A_215 {strides = array<i32>} : memref<128x128xf32, #tpu.memory_space<vmem>>, vector<16xf32>,
          %parallel_loop3A_219 = arith.index_cast %parallel_loop3A_194 : i32 to index
          %parallel_loop3A_220 = arith.constant 48 : index
          %parallel_loop3A_221 = tpu.vector_load %arg9[%parallel_loop3A_219, %parallel_loop3A_220] {strides = array<i32>} : memref<128x128xf32, #tpu.memory_space<vmem>>, vector<16xf32>,
          %parallel_loop3A_222 = arith.mulf %parallel_loop3A_221, %parallel_loop3A_197 : vector<16xf32>
          %parallel_loop3A_223 = arith.index_cast %parallel_loop3A_194 : i32 to index
          %parallel_loop3A_224 = arith.constant 48 : index
          %parallel_loop3A_225 = tpu.vector_load %arg9[%parallel_loop3A_223, %parallel_loop3A_224] {strides = array<i32>} : memref<128x128xf32, #tpu.memory_space<vmem>>, vector<16xf32>,
          tpu.vector_store %arg9[%parallel_loop3A_223, %parallel_loop3A_224], %parallel_loop3A_222 {strides = array<i32>} : memref<128x128xf32, #tpu.memory_space<vmem>>, vector<16xf32>,
          %parallel_loop3A_226 = arith.index_cast %parallel_loop3A_194 : i32 to index
          %parallel_loop3A_227 = arith.constant 64 : index
          %parallel_loop3A_228 = tpu.vector_load %arg9[%parallel_loop3A_226, %parallel_loop3A_227] {strides = array<i32>} : memref<128x128xf32, #tpu.memory_space<vmem>>, vector<16xf32>,
          %parallel_loop3A_229 = arith.mulf %parallel_loop3A_228, %parallel_loop3A_197 : vector<16xf32>
          %parallel_loop3A_230 = arith.index_cast %parallel_loop3A_194 : i32 to index
          %parallel_loop3A_231 = arith.constant 64 : index
          %parallel_loop3A_232 = tpu.vector_load %arg9[%parallel_loop3A_230, %parallel_loop3A_231] {strides = array<i32>} : memref<128x128xf32, #tpu.memory_space<vmem>>, vector<16xf32>,
          tpu.vector_store %arg9[%parallel_loop3A_230, %parallel_loop3A_231], %parallel_loop3A_229 {strides = array<i32>} : memref<128x128xf32, #tpu.memory_space<vmem>>, vector<16xf32>,
          %parallel_loop3A_233 = arith.index_cast %parallel_loop3A_194 : i32 to index
          %parallel_loop3A_234 = arith.constant 80 : index
          %parallel_loop3A_235 = tpu.vector_load %arg9[%parallel_loop3A_233, %parallel_loop3A_234] {strides = array<i32>} : memref<128x128xf32, #tpu.memory_space<vmem>>, vector<16xf32>,
          %parallel_loop3A_236 = arith.mulf %parallel_loop3A_235, %parallel_loop3A_197 : vector<16xf32>
          %parallel_loop3A_237 = arith.index_cast %parallel_loop3A_194 : i32 to index
          %parallel_loop3A_238 = arith.constant 80 : index
          %parallel_loop3A_239 = tpu.vector_load %arg9[%parallel_loop3A_237, %parallel_loop3A_238] {strides = array<i32>} : memref<128x128xf32, #tpu.memory_space<vmem>>, vector<16xf32>,
          tpu.vector_store %arg9[%parallel_loop3A_237, %parallel_loop3A_238], %parallel_loop3A_236 {strides = array<i32>} : memref<128x128xf32, #tpu.memory_space<vmem>>, vector<16xf32>,
          %parallel_loop3A_240 = arith.index_cast %parallel_loop3A_194 : i32 to index
          %parallel_loop3A_241 = arith.constant 96 : index
          %parallel_loop3A_242 = tpu.vector_load %arg9[%parallel_loop3A_240, %parallel_loop3A_241] {strides = array<i32>} : memref<128x128xf32, #tpu.memory_space<vmem>>, vector<16xf32>,
          %parallel_loop3A_243 = arith.mulf %parallel_loop3A_242, %parallel_loop3A_197 : vector<16xf32>
          %parallel_loop3A_244 = arith.index_cast %parallel_loop3A_194 : i32 to index
          %parallel_loop3A_245 = arith.constant 96 : index
          %parallel_loop3A_246 = tpu.vector_load %arg9[%parallel_loop3A_244, %parallel_loop3A_245] {strides = array<i32>} : memref<128x128xf32, #tpu.memory_space<vmem>>, vector<16xf32>,
          tpu.vector_store %arg9[%parallel_loop3A_244, %parallel_loop3A_245], %parallel_loop3A_243 {strides = array<i32>} : memref<128x128xf32, #tpu.memory_space<vmem>>, vector<16xf32>,
          %parallel_loop3A_247 = arith.index_cast %parallel_loop3A_194 : i32 to index
          %parallel_loop3A_248 = arith.constant 112 : index
          %parallel_loop3A_249 = tpu.vector_load %arg9[%parallel_loop3A_247, %parallel_loop3A_248] {strides = array<i32>} : memref<128x128xf32, #tpu.memory_space<vmem>>, vector<16xf32>,
          %parallel_loop3A_250 = arith.mulf %parallel_loop3A_249, %parallel_loop3A_197 : vector<16xf32>
          %parallel_loop3A_251 = arith.index_cast %parallel_loop3A_194 : i32 to index
          %parallel_loop3A_252 = arith.constant 112 : index
          %parallel_loop3A_253 = tpu.vector_load %arg9[%parallel_loop3A_251, %parallel_loop3A_252] {strides = array<i32>} : memref<128x128xf32, #tpu.memory_space<vmem>>, vector<16xf32>,
          tpu.vector_store %arg9[%parallel_loop3A_251, %parallel_loop3A_252], %parallel_loop3A_250 {strides = array<i32>} : memref<128x128xf32, #tpu.memory_space<vmem>>, vector<16xf32>,
        } {sc.loop_unroll_factor = 4 : i64, sc.parallel_access}
        "tpu.region"() ({
          %run_scoped3A = tpu.sem_alloc : memref<!tpu.dma_semaphore, #tpu.memory_space<semaphore_mem>>
          %dma_start3A_194 = arith.constant 0 : i32
          %dma_start3A_195 = tpu.memref_slice %arg11[%add3A_176, %dma_start3A_194] : memref<40x128xi32, #tpu.memory_space<vmem>> -> memref<1x128xi32, #tpu.memory_space<vmem>>
          %dma_start3A_196 = tpu.memref_squeeze %dma_start3A_195 : memref<1x128xi32, #tpu.memory_space<vmem>> -> memref<128xi32, #tpu.memory_space<vmem>>
          %dma_start3A_197 = arith.constant 0 : i32
          %dma_start3A_198 = arith.constant 0 : i32
          %dma_start3A_199 = tpu.memref_slice %arg7[%dma_start3A_197, %dma_start3A_198] : memref<10240x128xf32, #tpu.memory_space<vmem_shared>> -> memref<10240x128xf32, #tpu.memory_space<vmem_shared>>
          tpu.enqueue_indirect_dma source(%arg9 : memref<128x128xf32, #tpu.memory_space<vmem>>) target(%dma_start3A_199 : memref<10240x128xf32, #tpu.memory_space<vmem_shared>>) offsets(%dma_start3A_196 : memref<128xi32, #tpu.memory_space<vmem>>) semaphore(%run_scoped3A : memref<!tpu.dma_semaphore, #tpu.memory_space<semaphore_mem>>) {add = true}
          %dma_wait3A_200 = arith.constant 0 : i32
          %dma_wait3A_201 = tpu.memref_slice %arg11[%add3A_176, %dma_wait3A_200] : memref<40x128xi32, #tpu.memory_space<vmem>> -> memref<1x128xi32, #tpu.memory_space<vmem>>
          %dma_wait3A_202 = tpu.memref_squeeze %dma_wait3A_201 : memref<1x128xi32, #tpu.memory_space<vmem>> -> memref<128xi32, #tpu.memory_space<vmem>>
          %dma_wait3A_203 = arith.constant 0 : i32
          %dma_wait3A_204 = arith.constant 0 : i32
          %dma_wait3A_205 = tpu.memref_slice %arg7[%dma_wait3A_203, %dma_wait3A_204] : memref<10240x128xf32, #tpu.memory_space<vmem_shared>> -> memref<10240x128xf32, #tpu.memory_space<vmem_shared>>
          tpu.wait_indirect_dma semaphore(%run_scoped3A : memref<!tpu.dma_semaphore, #tpu.memory_space<semaphore_mem>>) src(%arg9 : memref<128x128xf32, #tpu.memory_space<vmem>>) dst(%dma_wait3A_205 : memref<10240x128xf32, #tpu.memory_space<vmem_shared>>)
          tpu.yield
        }) : () -> ()
        %add3A_186 = arith.constant 2 : i32
        %add3A_187 = arith.addi %add3A_176, %add3A_186 : i32
        %lt3A_188 = arith.constant 40 : i32
        %lt3A_189 = arith.cmpi slt, %add3A_187, %lt3A_188 : i32
        %convert_element_type3A_190 = arith.extui %lt3A_189 : i1 to i32
        %cond3A_191 = arith.constant 0 : i32
        %cond3A_192 = arith.cmpi ne, %convert_element_type3A_190, %cond3A_191 : i32
        scf.if %cond3A_192 {
          %add3A_194 = arith.constant 2 : i32
          %add3A_195 = arith.addi %add3A_176, %add3A_194 : i32
          %dma_start3A_196 = arith.constant 0 : i32
          %dma_start3A_197 = tpu.memref_slice %arg10[%add3A_195, %dma_start3A_196] : memref<40x128xi32, #tpu.memory_space<vmem>> -> memref<1x128xi32, #tpu.memory_space<vmem>>
          %dma_start3A_198 = tpu.memref_squeeze %dma_start3A_197 : memref<1x128xi32, #tpu.memory_space<vmem>> -> memref<128xi32, #tpu.memory_space<vmem>>
          %dma_start3A_199 = arith.constant 0 : i32
          %dma_start3A_200 = arith.constant 0 : i32
          %dma_start3A_201 = tpu.memref_slice %arg2[%dma_start3A_199, %dma_start3A_200] : memref<10000x128xf32, #tpu.memory_space<hbm>> -> memref<10000x128xf32, #tpu.memory_space<hbm>>
          tpu.enqueue_indirect_dma source(%dma_start3A_201 : memref<10000x128xf32, #tpu.memory_space<hbm>>) target(%arg9 : memref<128x128xf32, #tpu.memory_space<vmem>>) offsets(%dma_start3A_198 : memref<128xi32, #tpu.memory_space<vmem>>) semaphore(%arg14 : memref<!tpu.dma_semaphore, #tpu.memory_space<semaphore_mem>>)
        } else {
        }
        %scan3A_193 = arith.constant 0 : i32
        scf.yield %scan3A_193 : i32
      }
      %scan3A_153 = arith.constant 20 : i32
      %scan3A_154 = arith.constant 0 : i32
      scf.yield %scan3A_154 : i32
    }
    %scan3A_88 = arith.constant 4 : i32
    %barrier3A_89 = arith.constant 0 : index
    tpu.barrier barrier_id(%barrier3A_89)
    %mul3A_90 = arith.constant 640 : i32
    %mul3A_91 = arith.muli %arg1, %mul3A_90 : i32
    %dma_start3A_92 = arith.constant 0 : i32
    %dma_start3A_93 = tpu.memref_slice %arg6[%arg0, %mul3A_91, %dma_start3A_92] : memref<1x10240x128xf32, #tpu.memory_space<hbm>> -> memref<1x640x128xf32, #tpu.memory_space<hbm>>
    %dma_start3A_94 = tpu.memref_squeeze %dma_start3A_93 : memref<1x640x128xf32, #tpu.memory_space<hbm>> -> memref<640x128xf32, #tpu.memory_space<hbm>>
    %dma_start3A_95 = arith.constant 0 : i32
    %dma_start3A_96 = tpu.memref_slice %arg7[%mul3A_91, %dma_start3A_95] : memref<10240x128xf32, #tpu.memory_space<vmem_shared>> -> memref<640x128xf32, #tpu.memory_space<vmem_shared>>
    tpu.enqueue_dma source(%dma_start3A_96 : memref<640x128xf32, #tpu.memory_space<vmem_shared>>) target(%dma_start3A_94 : memref<640x128xf32, #tpu.memory_space<hbm>>) target_semaphore(%arg15 : memref<!tpu.dma_semaphore, #tpu.memory_space<semaphore_mem>>)
    %dma_wait3A_97 = arith.constant 0 : i32
    %dma_wait3A_98 = tpu.memref_slice %arg6[%arg0, %mul3A_91, %dma_wait3A_97] : memref<1x10240x128xf32, #tpu.memory_space<hbm>> -> memref<1x640x128xf32, #tpu.memory_space<hbm>>
    %dma_wait3A_99 = tpu.memref_squeeze %dma_wait3A_98 : memref<1x640x128xf32, #tpu.memory_space<hbm>> -> memref<640x128xf32, #tpu.memory_space<hbm>>
    %dma_wait3A_100 = arith.constant 0 : i32
    %dma_wait3A_101 = tpu.memref_slice %arg7[%mul3A_91, %dma_wait3A_100] : memref<10240x128xf32, #tpu.memory_space<vmem_shared>> -> memref<640x128xf32, #tpu.memory_space<vmem_shared>>
    tpu.wait_dma2 semaphore(%arg15 : memref<!tpu.dma_semaphore, #tpu.memory_space<semaphore_mem>>) src(%dma_wait3A_101 : memref<640x128xf32, #tpu.memory_space<vmem_shared>>) dst(%dma_wait3A_99 : memref<640x128xf32, #tpu.memory_space<hbm>>)
    return
  }
}

</mosaic_0001>

<sc_bundles>
// kernel: kernel.11.cloned.1.call-start
scs
__scs_entry_jumppad:
0x0: {  	(pc) =	sbr.rel $0x88, $3  }
0x1: {  	(tag) =	ssettag $0x0;
	lr =	simm.s32 $0x1  }
0x2: {  	[smem:$0x3F9E] =	sst lr;
	_ =	strace $0xD0000000  }
0x3: {  	_ = 	snop  }
0x4: {  	_ = 	snop  }
0x5: {  	_ = 	snop  }
0x6: {  	_ = 	snop  }
0x7: {  	_ = 	snop  }
__scs_overlays_trampoline_lowered:
0x8: {  	[smem:$0x3FAD] =	sst s0  }
0x9: {  	[smem:$0x3FAE] =	sst s1  }
0xa: {  	[smem:$0x3FAF] =	sst s2  }
0xb: {  	[smem:$0x3FB0] =	sst s3  }
0xc: {  	[smem:$0x3FB1] =	sst s4  }
0xd: {  	[smem:$0x3FB2] =	sst s5  }
0xe: {  	[smem:$0x3FB3] =	sst s6  }
0xf: {  	[smem:$0x3FB4] =	sst s7  }
0x10: {  	[smem:$0x3FB5] =	sst s8  }
0x11: {  	[smem:$0x3FB6] =	sst s9;
	s0 =	simm.s32 @!p0 $0x0  }
0x12: {  	s1 =	sld [smem:$0x3F9C];
	s0 =	simm.s32 @p0 $0x1  }
0x13: {  	[smem:$0x3FB7] =	sst s0;
	s0 =	simm.s32 @!p1 $0x0  }
0x14: {  	s2 =	sld [smem:$0x3F9B];
	s0 =	simm.s32 @p1 $0x1  }
0x15: {  	[smem:$0x3FB8] =	sst s0;
	s0 =	simm.s32 @!p2 $0x0  }
0x16: {  	s3 =	sld [smem:$0x3FDB];
	s0 =	simm.s32 @p2 $0x1  }
0x17: {  	s4 =	simm.s32 $0x1BF5;
	[smem:$0x3FBA] =	sst s0  }
0x18: {  	s0 =	sld [smem:$0x3F9D];
	_ =	swait.ge [sflag:s4], $0x0  }
0x19: {  	s7 =	sld [smem:$0x3F9E]  }
0x1a: {  	s8 =	sadd.s32 $0xFFFFE003, lr  }
0x1b: {  	s9 =	sadd.s32 $0xFFFFFEF7, lr;
	s5 =	simm.s32 $0xFFFFFFFF;
	p2 =	slt.u32 s8, $0xFFFFF086  }
0x1c: {  	p1 =	slt.u32 s9, $0xF7A;
	s5 =	simm.s32 @!p2 $0x0  }
0x1d: {  	s5 =	simm.s32 @p1 $0x1;
	p0 =	seq.s32 s7, s2  }
0x1e: {  	s7 =	smul.u32 @!p0 $0xF7A, s2;
	p2 =	seq.s32 @!p0 s5, $0x0  }
0x1f: {  	s9 =	smul.u32 $0xF7A, s1;
	s8 =	simm.s32 @!p0 $0x1BF5;
	p2 =	por !p2, p0  }
0x20: {  	[sflag:s8] =	ssyncset.s32 @!p0 $0xFFFFF086;
	s6 =	sadd.s32 @!p0 s3, s7;
	s7 =	simm.s32 @!p0 $0x108  }
0x21: {  	s3 =	sadd.s32 s3, s9;
	s6 =	sadd.s32 @!p0 $0x88, s6;
	s7 =	simm.s32 @p2 $0x1082  }
0x22: {  	[simem:s7], [sflag:s8] =	dma.local @!p0 [hbm:s6], $0xF7A  }
0x23: {  	s9 =	sor.u32 $0xD0000000, s2;
	s6 =	simm.s32 $0x108;
	_ =	swait.ge @!p0 [sflag:s8], $0x0  }
0x24: {  	s3 =	sadd.s32 $0x88, s3;
	s6 =	simm.s32 @!p1 $0x1082;
	[sflag:s4] =	ssyncset.s32 $0xFFFFF086  }
0x25: {  	[simem:s6], [sflag:s4] =	dma.local [hbm:s3], $0xF7A  }
0x26: {  	[smem:$0x3F9E] =	sst s1;
	(tag) =	ssettag s2;
	_ =	strace s9  }
0x27: {  	s1 =	sld [smem:$0x3FAE]  }
0x28: {  	s2 =	sld [smem:$0x3FAF]  }
0x29: {  	s4 =	sld [smem:$0x3FB1]  }
0x2a: {  	p0 =	seq.s32 s5, $0x0;
	s5 =	sld [smem:$0x3FB2]  }
0x2b: {  	s6 =	sld [smem:$0x3FB3]  }
0x2c: {  	s7 =	sld [smem:$0x3FB4]  }
0x2d: {  	s3 =	simm.s32 $0x108;
	s8 =	sld [smem:$0x3FB5]  }
0x2e: {  	s3 =	simm.s32 @!p0 $0x1082;
	s9 =	sld [smem:$0x3FB6]  }
0x2f: {  	lr =	sadd.s32 s0, s3;
	s0 =	sld [smem:$0x3FAD]  }
0x30: {  	s3 =	sld [smem:$0x3FB0]  }
0x31: {  	[smem:$0x3FB9] =	sst s10  }
0x32: {  	s10 =	sld [smem:$0x3FB7];
	_ =	sdelay $0x3  }
0x33: {  	p0 =	seq.s32 s10, $0x1;
	s10 =	sld [smem:$0x3FB9];
	_ =	sdelay $0x3  }
0x34: {  	[smem:$0x3FB9] =	sst s10  }
0x35: {  	s10 =	sld [smem:$0x3FB8];
	_ =	sdelay $0x3  }
0x36: {  	p1 =	seq.s32 s10, $0x1;
	s10 =	sld [smem:$0x3FB9];
	_ =	sdelay $0x3  }
0x37: {  	[smem:$0x3FB9] =	sst s10  }
0x38: {  	s10 =	sld [smem:$0x3FBA]  }
0x39: {  	_ = 	snop;
	(pc) =	sbr.ind lr, $3  }
0x3a: {  	_ = 	snop  }
0x3b: {  	_ = 	snop  }
0x3c: {  	p2 =	seq.s32 s10, $0x1;
	s10 =	sld [smem:$0x3FB9]  }
0x3d: {  	_ =	shalt  }
0x3e: {  	_ =	shalt  }
0x3f: {  	_ =	shalt  }
0x40: {  	_ =	shalt  }
0x41: {  	_ =	shalt  }
0x42: {  	_ =	shalt  }
0x43: {  	_ =	shalt  }
0x44: {  	_ =	shalt  }
0x45: {  	_ =	shalt  }
0x46: {  	_ =	shalt  }
0x47: {  	_ =	shalt  }
0x48: {  	_ =	shalt  }
0x49: {  	_ =	shalt  }
0x4a: {  	_ =	shalt  }
0x4b: {  	_ =	shalt  }
0x4c: {  	_ =	shalt  }
0x4d: {  	_ =	shalt  }
0x4e: {  	_ =	shalt  }
0x4f: {  	_ =	shalt  }
0x50: {  	_ =	shalt  }
0x51: {  	_ =	shalt  }
0x52: {  	_ =	shalt  }
0x53: {  	_ =	shalt  }
0x54: {  	_ =	shalt  }
0x55: {  	_ =	shalt  }
0x56: {  	_ =	shalt  }
0x57: {  	_ =	shalt  }
0x58: {  	_ =	shalt  }
0x59: {  	_ =	shalt  }
0x5a: {  	_ =	shalt  }
0x5b: {  	_ =	shalt  }
0x5c: {  	_ =	shalt  }
0x5d: {  	_ =	shalt  }
0x5e: {  	_ =	shalt  }
0x5f: {  	_ =	shalt  }
0x60: {  	_ =	shalt  }
0x61: {  	_ =	shalt  }
0x62: {  	_ =	shalt  }
0x63: {  	_ =	shalt  }
0x64: {  	_ =	shalt  }
0x65: {  	_ =	shalt  }
0x66: {  	_ =	shalt  }
0x67: {  	_ =	shalt  }
0x68: {  	_ =	shalt  }
0x69: {  	_ =	shalt  }
0x6a: {  	_ =	shalt  }
0x6b: {  	_ =	shalt  }
0x6c: {  	_ =	shalt  }
0x6d: {  	_ =	shalt  }
0x6e: {  	_ =	shalt  }
0x6f: {  	_ =	shalt  }
0x70: {  	_ =	shalt  }
0x71: {  	_ =	shalt  }
0x72: {  	_ =	shalt  }
0x73: {  	_ =	shalt  }
0x74: {  	_ =	shalt  }
0x75: {  	_ =	shalt  }
0x76: {  	_ =	shalt  }
0x77: {  	_ =	shalt  }
0x78: {  	_ =	shalt  }
0x79: {  	_ =	shalt  }
0x7a: {  	_ =	shalt  }
0x7b: {  	_ =	shalt  }
0x7c: {  	_ =	shalt  }
0x7d: {  	_ =	shalt  }
0x7e: {  	_ =	shalt  }
0x7f: {  	_ =	shalt  }
0x80: {  	_ =	shalt  }
0x81: {  	_ =	shalt  }
0x82: {  	_ =	shalt  }
0x83: {  	_ =	shalt  }
0x84: {  	_ =	shalt  }
0x85: {  	_ =	shalt  }
0x86: {  	_ =	shalt  }
0x87: {  	_ =	shalt  }
.Lfunc_end0:
.L_simem_size_0:
called_computation.2_lowered:
.L_overlay_start_0:
0x88: {  	s0 =	sld [smem:$0x3FD9]  }
0x89: {  	s1 =	sld [smem:$0x3FFE];
	_ =	sdelay $0x3  }
0x8a: {  	s0 =	sadd.s32 s1, s0  }
0x8b: {  	[smem:$0x3FC5] =	sst s0  }
0x8c: {  	_ = 	snop  }
0x8d: {  	s0 =	sld [smem:$0x3FD0];
	_ =	sdelay $0x2  }
0x8e: {  	s13 =	simm.s32 $0xA;
	s2 =	simm.s32 $0x10  }
0x8f: {  	[smem:s2], [sflag:s13] =	dma.local [hbm:s0], $0x1  }
0x90: {  	_ =	swait.eq [sflag:s13], $0x1  }
0x91: {  	[sflag:s13] =	ssyncset.done $0x0  }
0x92: {  	[sflag:s13] =	ssyncadd.s32 $0xFFFFFFFF  }
0x93: {  	s14 =	sld [smem:$0x11];
	(tm) =	ssettm $0x1  }
0x94: {  	s15 =	sld [smem:$0x3FFB];
	_ =	sdelay $0x3  }
0x95: {  	_ =	strace s15  }
0x96: {  	s1 =	sld [smem:$0x3FFC];
	_ =	sdelay $0x3  }
0x97: {  	_ =	strace s1  }
0x98: {  	s1 =	sld [smem:$0x3FFD];
	_ =	sdelay $0x3  }
0x99: {  	_ =	strace s1  }
0x9a: {  	_ =	strace $0x8FFFFFFF  }
0x9b: {  	s16 =	sld [smem:$0x3FDB];
	_ =	sdelay $0x1  }
0x9c: {  	s17 =	simm.s32 $_scs_section_size  }
0x9d: {  	s3 =	simm.s32 $_size__tile_overlayer_lowered;
	s4 =	simm.s32 $_tile_overlayer_lowered  }
0x9e: {  	s20 =	simm.s32 $0x1BFF;
	s19 =	sshll.u32 s4, $0x1;
	s1 =	sadd.s32 s17, s16  }
0x9f: {  	s5 =	simm.s32 $0x0;
	s18 =	sshll.u32 s3, $0x1;
	s3 =	sadd.s32 s19, s1  }
0xa0: {  	[timem:s5], [sflag:s20] =	dma.local [hbm:s3], s18  }
0xa1: {  	_ =	swait.ge [sflag:s20], s18  }
0xa2: {  	s2 =	ssub.s32 $0x0, s18;
	[sflag:s20] =	ssyncset.done $0x0  }
0xa3: {  	[sflag:s20] =	ssyncadd.s32 s2;
	_ =	sdelay $0x1  }
0xa4: {  	s21 =	simm.s32 $0x1B8B  }
0xa5: {  	_ =	swait.ge [sflag:s21], $0x1  }
0xa6: {  	[sflag:s21] =	ssyncset.done $0x0  }
0xa7: {  	s23 =	simm.s32 $0x1B8E;
	s22 =	sld [smem:$0x3FFE];
	[sflag:s21] =	ssyncadd.s32 $0xFFFFFFFF  }
0xa8: {  	s24 =	simm.s32 $execute0_lowered;
	[smem:$0x3FD2] =	sst s23  }
0xa9: {  	s3 =	sshll.u32 s24, $0x1;
	_ =	strace $0x8000004C;
	[dreg:$0x1] =	wrdreg $0xFFFFFFFF  }
0xaa: {  	s25 =	simm.s32 $_size_execute0_lowered;
	s1 =	sadd.s32 s1, s3;
	[dreg:$0x0] =	wrdreg $0x0  }
0xab: {  	s3 =	sshll.u32 s25, $0x1;
	[dreg:$0x2] =	wrdreg s1  }
0xac: {  	[dreg:$0x3] =	wrdreg s3  }
0xad: {  	[dreg:$0x4] =	wrdreg $0xC0  }
0xae: {  	_ =	task [dreg:s5], $0x5FFFF  }
0xaf: {  	[dreg:$0x1] =	wrdreg $0xFFFFFFFF  }
0xb0: {  	[dreg:$0x0] =	wrdreg $0x60  }
0xb1: {  	[dreg:$0x2] =	wrdreg s22  }
0xb2: {  	[dreg:$0x3] =	wrdreg s14  }
0xb3: {  	[dreg:$0x4] =	wrdreg $0x0  }
0xb4: {  	[dreg:$0x5] =	wrdreg $0x9  }
0xb5: {  	_ =	task.clear_ibuf [dreg:s5], $0x6FFFF;
	_ =	strace $0x9000004C  }
0xb6: {  	s26 =	simm.s32 $0x9;
	_ =	strace $0x8000004E  }
0xb7: {  	_ =	swait.ge [sflag:s26], $0x1  }
0xb8: {  	[sflag:s26] =	ssyncadd.s32 $0xFFFFFFFF  }
0xb9: {  	_ =	strace $0x9000004E  }
0xba: {  	_ =	sfence  }
0xbb: {  	s28 =	sld [smem:$0x0];
	_ =	sdelay $0x1  }
0xbc: {  	s29 =	srdreg.scid  }
0xbd: {  	s30 =	sshll.u32 s29, $0xD;
	s31 =	sshrl.u32 s29, $0x2  }
0xbe: {  	s2 =	sand.u32 $0x4000, s30;
	s1 =	sand.u32 $0x1, s29;
	s0 =	sadd.s32 s31, s28  }
0xbf: {  	s1 =	sor.u32 s2, s1;
	s0 =	sshll.u32 s0, $0x11  }
0xc0: {  	s0 =	sor.u32 s0, s1  }
0xc1: {  	s0 =	sadd.s32 $0x8F2B, s0  }
0xc2: {  	[sflag:s0] =	ssyncadd.remote.s32 $0x1  }
0xc3: {  	_ =	sfence.sel $0xFFFF  }
0xc4: {  	[dreg:$0x0] =	wrdreg $0xFFFFFFFF;
	(pc) =	sbr.abs _section_cstart, $3  }
0xc5: {  	[dreg:$0x1] =	wrdreg $0xFFFFFFFF  }
0xc6: {  	_ =	task.clear_ibuf [dreg:s5], $0x2FFFF;
	_ =	strace $0x9FFFFFFF  }
0xc7: {  	(tm) =	ssettm $0x7FFFFFFF  }
tec
execute0_lowered:
.L_overlay_start_1:
0x0: {  	(tag) =	ssettag $0x1  }
0x1: {  	s1 =	rddreg [dreg:$0x0]  }
0x2: {  	s2 =	rddreg [dreg:$0x1]  }
0x3: {  	s3 =	rddreg [dreg:$0x2]  }
0x4: {  	s0 =	rddreg [dreg:$0x3];
	s4 =	simm.s32 $0x0  }
0x5: {  	s8 =	simm.s32 $0x0;
	s9 =	simm.s32 $0x200;
	[smem:$0x7FF] =	sst s4  }
0x6: {  	s4 =	sadd.s32 $0x1F800, s1;
	s5 =	sadd.s32 $0x15800, s1;
	s6 =	sadd.s32 $0xB800, s1  }
0x7: {  	v0 =	vimm.f32 $0.0e+00;
	s7 =	sadd.s32 $0x1800, s1;
	s1 =	stileid.u32;
	_ =	strace $0x8000004D  }
.LBB2_1:
0x8: {  	p0 =	sne.s32 s9, $0xFE00;
	[tilespmem:s8+$0x14070] =	vst v0  }
0x9: {  	[tilespmem:s8+$0x14000] =	vst v0  }
0xa: {  	[tilespmem:s8+$0x14010] =	vst v0  }
.Ltmp0:
0xb: {  	[tilespmem:s8+$0x14020] =	vst v0;
	(pc) =	sbr.rel @p0 .LBB2_1-.Ltmp0, $4  }
0xc: {  	[tilespmem:s8+$0x14030] =	vst v0  }
0xd: {  	[tilespmem:s8+$0x14040] =	vst v0  }
0xe: {  	[tilespmem:s8+$0x14050] =	vst v0  }
0xf: {  	[tilespmem:s8+$0x14060] =	vst v0;
	s8 =	sshra.s32 s9, $0x2;
	s9 =	sadd.s32 $0x200, s9  }
0x10: {  	[tilespmem:s8+$0x14070] =	vst v0  }
0x11: {  	[tilespmem:s8+$0x14000] =	vst v0  }
0x12: {  	[tilespmem:s8+$0x14010] =	vst v0  }
0x13: {  	[tilespmem:s8+$0x14020] =	vst v0  }
0x14: {  	[tilespmem:s8+$0x14030] =	vst v0;
	s9 =	smul.u32 $0x50000, s1  }
0x15: {  	[tilespmem:s8+$0x14040] =	vst v0  }
0x16: {  	[tilespmem:s8+$0x14050] =	vst v0;
	s9 =	sshrl.u32 s9, $0x2  }
0x17: {  	[tilespmem:s8+$0x14060] =	vst v0;
	s8 =	sadd.s32 s9, s3;
	s9 =	simm.s32 $0x14000  }
0x18: {  	[spmem:s8] =	stream.linear.scatter [tilespmem:s9], [sflag:$0x3], $0x4000, $0x38;
	[tilespmem:$0x1FC00] =	vst v63  }
0x19: {  	s10 =	sadd.s32 $0x4000, s8  }
0x1a: {  	[spmem:s10] =	stream.linear.scatter [tilespmem:s9], [sflag:$0x3], $0x4000, $0x38;
	[tilespmem:$0x1FC00] =	vst v63  }
0x1b: {  	s28 =	sadd.s32 $0x8000, s8  }
0x1c: {  	[spmem:s28] =	stream.linear.scatter [tilespmem:s9], [sflag:$0x3], $0x4000, $0x38;
	[tilespmem:$0x1FC00] =	vst v63  }
0x1d: {  	s29 =	sadd.s32 $0xC000, s8  }
0x1e: {  	[spmem:s29] =	stream.linear.scatter [tilespmem:s9], [sflag:$0x3], $0x4000, $0x38;
	[tilespmem:$0x1FC00] =	vst v63  }
0x1f: {  	s31 =	simm.s32 $0x3;
	s30 =	sadd.s32 $0x10000, s8  }
0x20: {  	[spmem:s30] =	stream.linear.scatter [tilespmem:s9], [sflag:$0x3], $0x4000, $0x38;
	[tilespmem:$0x1FC00] =	vst v63  }
0x21: {  	_ =	swait.ge [sflag:s31], $0x4000  }
0x22: {  	[sflag:s31] =	ssyncset.done $0x0  }
0x23: {  	[sflag:s31] =	ssyncadd.s32 $0xFFFFC000  }
0x24: {  	_ =	swait.ge [sflag:s31], $0x4000  }
0x25: {  	[sflag:s31] =	ssyncset.done $0x0  }
0x26: {  	[sflag:s31] =	ssyncadd.s32 $0xFFFFC000  }
0x27: {  	_ =	swait.ge [sflag:s31], $0x4000  }
0x28: {  	[sflag:s31] =	ssyncset.done $0x0  }
0x29: {  	[sflag:s31] =	ssyncadd.s32 $0xFFFFC000  }
0x2a: {  	_ =	swait.ge [sflag:s31], $0x4000  }
0x2b: {  	s11 =	simm.s32 $0x0;
	[sflag:s31] =	ssyncset.done $0x0  }
0x2c: {  	s12 =	simm.s32 $0x1C000;
	s13 =	simm.s32 $0x1D400;
	[sflag:s31] =	ssyncadd.s32 $0xFFFFC000  }
.Ltmp1:
0x2d: {  	s14 =	simm.s32 $0x1E800;
	_ =	swait.ge [sflag:s31], $0x4000;
	(pc) =	sbr.rel .LBB2_3-.Ltmp1, $4  }
0x2e: {  	s15 =	simm.s32 $0x4;
	s16 =	simm.s32 $0x80;
	[sflag:s31] =	ssyncset.done $0x0  }
0x2f: {  	s17 =	simm.s32 $0x1C080;
	s18 =	simm.s32 $0x18000;
	[sflag:s31] =	ssyncadd.s32 $0xFFFFC000  }
0x30: {  	s19 =	simm.s32 $0x1;
	s20 =	simm.s32 $0x5;
	[bflag:$0x0] =	sbarrier.arrive $0xFFFF  }
0x31: {  	s21 =	simm.s32 $0x2;
	s22 =	simm.s32 $0x0;
	s10 =	smul.u32 $0xA0, s1  }
.LBB2_10:
0x32: {  	s22 =	sadd.s32 $0x1, s22  }
0x33: {  	p0 =	sne.s32 s22, $0x4  }
.Ltmp2:
0x34: {  	_ = 	snop;
	(pc) =	sbr.rel @!p0 .LBB2_11-.Ltmp2, $1  }
0x35: {  	_ =	sdelay $0x3  }
.LBB2_3:
0x36: {  	s23 =	smul.u32 $0x28, s22;
	_ =	sdelay $0x1  }
0x37: {  	s23 =	sadd.s32 s10, s23  }
0x38: {  	s23 =	sshll.u32 s23, $0x4  }
0x39: {  	s24 =	sadd.s32 s5, s23  }
0x3a: {  	[tilespmem:s12], [sflag:$0x4] =	stream.linear.gather [hbm4b:s24+s11], $0x1400, $0x38;
	[tilespmem:$0x1FC00] =	vst v63  }
0x3b: {  	s31 =	sadd.s32 s6, s23  }
0x3c: {  	[tilespmem:s13], [sflag:$0x4] =	stream.linear.gather [hbm4b:s31+s11], $0x1400, $0x38;
	[tilespmem:$0x1FC00] =	vst v63  }
0x3d: {  	s23 =	sadd.s32 s7, s23  }
0x3e: {  	[tilespmem:s14], [sflag:$0x4] =	stream.linear.gather [hbm4b:s23+s11], $0x1400, $0x38;
	[tilespmem:$0x1FC00] =	vst v63  }
0x3f: {  	_ =	swait.ge [sflag:s15], $0x1400  }
0x40: {  	[sflag:s15] =	ssyncset.done $0x0  }
0x41: {  	[sflag:s15] =	ssyncadd.s32 $0xFFFFEC00  }
0x42: {  	_ =	swait.ge [sflag:s15], $0x1400  }
0x43: {  	[sflag:s15] =	ssyncset.done $0x0  }
0x44: {  	[sflag:s15] =	ssyncadd.s32 $0xFFFFEC00  }
0x45: {  	_ =	swait.ge [sflag:s15], $0x1400  }
0x46: {  	[sflag:s15] =	ssyncset.done $0x0  }
0x47: {  	[sflag:s15] =	ssyncadd.s32 $0xFFFFEC00  }
0x48: {  	[tilespmem:s9], [sflag:$0x1] =	stream.indirect.gather [hbm4b:s4+s16], $0x80, s12, s16, $0xb8;
	[tilespmem:$0x1FC00] =	vst v63  }
0x49: {  	s23 =	simm.s32 $0x0  }
0x4a: {  	[tilespmem:s18], [sflag:$0x2] =	stream.indirect.gather [hbm4b:s4+s16], $0x80, s17, s16, $0xb8;
	[tilespmem:$0x1FC00] =	vst v63  }
.LBB2_4:
0x4b: {  	s24 =	simm.s32 $0x0  }
0x4c: {  	s25 =	sshll.u32 s23, $0x8;
	s26 =	simm.s32 $0x3;
	v0 =	vmov s24  }
0x4d: {  	v1 =	vmov s25;
	v2 =	vmov s26;
	v0 =	vand.u32 $0x7C, v0  }
0x4e: {  	v2 =	vand.u32 $0x7F, v2;
	v0 =	vor.u32 v1, v0  }
0x4f: {  	v2 =	vor.u32 v1, v2;
	v0 =	vbroadcast v0, $0x0  }
0x50: {  	_ =	swait.ge [sflag:s19], $0x4000;
	v2 =	vbroadcast v2, $0x0  }
0x51: {  	[sflag:s19] =	ssyncset.done $0x0  }
0x52: {  	s24 =	simm.s32 $0x14100;
	[sflag:s19] =	ssyncadd.s32 $0xFFFFC000  }
0x53: {  	v5 =	vld [tilespmem:s24+$0xFFFFFF00]  }
0x54: {  	s30 =	simm.s32 $0x1;
	v6 =	vld [tilespmem:s24+$0xFFFFFF10]  }
0x55: {  	v4 =	vmov s30;
	v3 =	vld.idx.msk [tilespmem:v0+s14+$0x0], $0xffff  }
0x56: {  	v0 =	vld.idx.msk [tilespmem:v2+s14+$0x0], $0xffff;
	v2 =	vand.u32 $0x7D, v4  }
0x57: {  	v7 =	vld [tilespmem:s24+$0xFFFFFF20];
	v2 =	vor.u32 v1, v2  }
0x58: {  	v4 =	vld [tilespmem:s24+$0xF0];
	v2 =	vbroadcast v2, $0x0  }
0x59: {  	v8 =	vld [tilespmem:s24+$0xFFFFFF30]  }
0x5a: {  	v9 =	vld [tilespmem:s24+$0xFFFFFF40]  }
0x5b: {  	v10 =	vld [tilespmem:s24+$0xFFFFFF50];
	v5 =	vmul.f32 v5, v3  }
0x5c: {  	v11 =	vld [tilespmem:s24+$0xFFFFFF60]  }
0x5d: {  	s31 =	simm.s32 $0x2;
	v4 =	vmul.f32 v4, v0;
	[tilespmem:s24+$0xFFFFFF00] =	vst v5;
	v5 =	vld [tilespmem:s24+$0xFFFFFF70]  }
0x5e: {  	v12 =	vmov s31;
	v6 =	vmul.f32 v6, v3;
	v13 =	vld.idx.msk [tilespmem:v2+s14+$0x0], $0xffff  }
0x5f: {  	[tilespmem:s24+$0xF0] =	vst v4;
	v4 =	vmul.f32 v7, v3;
	v2 =	vand.u32 $0x7E, v12;
	v12 =	vld [tilespmem:s24+$0xFFFFFF80]  }
0x60: {  	v7 =	vld [tilespmem:s24+$0xFFFFFF90];
	[tilespmem:s24+$0xFFFFFF10] =	vst v6;
	v6 =	vmul.f32 v8, v3;
	v2 =	vor.u32 v1, v2  }
0x61: {  	v8 =	vld [tilespmem:s24+$0xFFFFFFA0];
	[tilespmem:s24+$0xFFFFFF20] =	vst v4;
	v4 =	vmul.f32 v9, v3;
	v2 =	vbroadcast v2, $0x0  }
0x62: {  	v9 =	vld [tilespmem:s24+$0xFFFFFFB0];
	[tilespmem:s24+$0xFFFFFF30] =	vst v6;
	v6 =	vmul.f32 v10, v3  }
0x63: {  	v11 =	vmul.f32 v11, v3;
	v10 =	vld [tilespmem:s24+$0xFFFFFFC0];
	[tilespmem:s24+$0xFFFFFF40] =	vst v4;
	v3 =	vmul.f32 v5, v3  }
0x64: {  	[tilespmem:s24+$0xFFFFFF50] =	vst v6;
	v6 =	vld [tilespmem:s24+$0xFFFFFFE0];
	v4 =	vmul.f32 v12, v13  }
0x65: {  	v12 =	vld [tilespmem:s24+$0xFFFFFFD0];
	[tilespmem:s24+$0xFFFFFF70] =	vst v3  }
0x66: {  	v3 =	vmul.f32 v8, v13;
	[tilespmem:s24+$0xFFFFFF80] =	vst v4;
	v4 =	vmul.f32 v7, v13;
	v7 =	vld [tilespmem:s24+$0x0]  }
0x67: {  	[tilespmem:s24+$0xFFFFFF60] =	vst v11;
	v2 =	vld.idx.msk [tilespmem:v2+s14+$0x0], $0xffff  }
0x68: {  	v5 =	vld [tilespmem:s24+$0xFFFFFFF0];
	[tilespmem:s24+$0xFFFFFFA0] =	vst v3;
	v3 =	vmul.f32 v10, v13  }
0x69: {  	v8 =	vld [tilespmem:s24+$0x10];
	[tilespmem:s24+$0xFFFFFF90] =	vst v4;
	v4 =	vmul.f32 v9, v13  }
0x6a: {  	s26 =	simm.s32 $0x4;
	v6 =	vmul.f32 v6, v13;
	v9 =	vld [tilespmem:s24+$0x20];
	[tilespmem:s24+$0xFFFFFFC0] =	vst v3  }
0x6b: {  	v11 =	vmov s26;
	v10 =	vld [tilespmem:s24+$0x30];
	[tilespmem:s24+$0xFFFFFFB0] =	vst v4;
	v4 =	vmul.f32 v12, v13  }
0x6c: {  	v11 =	vand.u32 $0x7C, v11;
	v3 =	vld [tilespmem:s24+$0x40];
	[tilespmem:s24+$0xFFFFFFE0] =	vst v6;
	v7 =	vmul.f32 v7, v2  }
0x6d: {  	s30 =	simm.s32 $0x5;
	s31 =	simm.s32 $0x6;
	v6 =	vor.u32 v1, v11;
	v12 =	vmul.f32 v5, v13;
	[tilespmem:s24+$0xFFFFFFD0] =	vst v4;
	v4 =	vld [tilespmem:s24+$0x50]  }
0x6e: {  	v13 =	vmov s30;
	v5 =	vld [tilespmem:s24+$0x60];
	v8 =	vmul.f32 v8, v2;
	[tilespmem:s24+$0x0] =	vst v7;
	v7 =	vmov s31  }
0x6f: {  	s29 =	simm.s32 $0x7;
	[tilespmem:s24+$0xFFFFFFF0] =	vst v12;
	v12 =	vand.u32 $0x7D, v13;
	v9 =	vmul.f32 v9, v2;
	v11 =	vand.u32 $0x7E, v7;
	v7 =	vld [tilespmem:s24+$0x70]  }
0x70: {  	s28 =	simm.s32 $0x8;
	s25 =	sshll.u32 s23, $0x1;
	s26 =	simm.s32 $0x14100;
	v6 =	vbroadcast v6, $0x0;
	v10 =	vmul.f32 v10, v2;
	v12 =	vor.u32 v1, v12;
	[tilespmem:s24+$0x10] =	vst v8;
	v8 =	vld [tilespmem:s24+$0x80]  }
.LBB2_5:
0x71: {  	p0 =	slt.u32 s28, $0x7C;
	v11 =	vor.u32 v1, v11;
	v13 =	vmov s29;
	[tilespmem:s24+$0x20] =	vst v9;
	v3 =	vmul.f32 v3, v2;
	v9 =	vld [tilespmem:s24+$0x90]  }
0x72: {  	v12 =	vbroadcast v12, $0x0;
	v13 =	vand.u32 $0x7F, v13;
	[tilespmem:s24+$0x30] =	vst v10;
	v4 =	vmul.f32 v4, v2;
	v10 =	vld [tilespmem:s24+$0xA0]  }
0x73: {  	v11 =	vbroadcast v11, $0x0;
	v13 =	vor.u32 v1, v13;
	[tilespmem:s24+$0x40] =	vst v3;
	v3 =	vmul.f32 v5, v2;
	v5 =	vld [tilespmem:s24+$0xB0]  }
0x74: {  	v13 =	vbroadcast v13, $0x0;
	[tilespmem:s24+$0x50] =	vst v4;
	v2 =	vmul.f32 v7, v2;
	v4 =	vld [tilespmem:s24+$0xC0]  }
0x75: {  	[tilespmem:s24+$0x60] =	vst v3;
	v3 =	vmul.f32 v8, v0;
	v7 =	vld [tilespmem:s24+$0xD0]  }
0x76: {  	[tilespmem:s24+$0x70] =	vst v2;
	v2 =	vmul.f32 v9, v0;
	v8 =	vld [tilespmem:s24+$0xE0]  }
0x77: {  	v6 =	vld.idx.msk [tilespmem:v6+s14+$0x0], $0xffff;
	[tilespmem:s24+$0x80] =	vst v3;
	v3 =	vmul.f32 v10, v0  }
0x78: {  	v9 =	vld.idx.msk [tilespmem:v12+s14+$0x0], $0xffff;
	[tilespmem:s24+$0x90] =	vst v2;
	v5 =	vmul.f32 v5, v0  }
0x79: {  	v2 =	vld.idx.msk [tilespmem:v11+s14+$0x0], $0xffff;
	[tilespmem:s24+$0xA0] =	vst v3;
	v3 =	vmul.f32 v4, v0  }
0x7a: {  	s24 =	sadd.s32 $0x200, s24;
	v4 =	vld.idx.msk [tilespmem:v13+s14+$0x0], $0xffff;
	[tilespmem:s26+$0xB0] =	vst v5;
	v5 =	vmul.f32 v7, v0  }
0x7b: {  	v7 =	vld [tilespmem:s24+$0xF0];
	[tilespmem:s26+$0xC0] =	vst v3;
	v0 =	vmul.f32 v8, v0  }
0x7c: {  	v3 =	vld [tilespmem:s24+$0xFFFFFF00];
	[tilespmem:s26+$0xD0] =	vst v5  }
0x7d: {  	v5 =	vld [tilespmem:s24+$0xFFFFFF10];
	[tilespmem:s26+$0xE0] =	vst v0;
	s26 =	smov.u32 s24  }
0x7e: {  	v8 =	vld [tilespmem:s24+$0xFFFFFF20]  }
0x7f: {  	v10 =	vld [tilespmem:s24+$0xFFFFFF30]  }
0x80: {  	v0 =	vmov v4;
	v11 =	vld [tilespmem:s24+$0xFFFFFF40];
	v7 =	vmul.f32 v7, v4  }
0x81: {  	v3 =	vmul.f32 v3, v6;
	v4 =	vld [tilespmem:s24+$0xFFFFFF50]  }
0x82: {  	v5 =	vmul.f32 v5, v6;
	v12 =	vld [tilespmem:s24+$0xFFFFFF60];
	[tilespmem:s24+$0xF0] =	vst v7  }
0x83: {  	[tilespmem:s24+$0xFFFFFF00] =	vst v3;
	v3 =	vmul.f32 v8, v6;
	v7 =	vld [tilespmem:s24+$0xFFFFFF70]  }
0x84: {  	[tilespmem:s24+$0xFFFFFF10] =	vst v5;
	v5 =	vmul.f32 v10, v6;
	v8 =	vld [tilespmem:s24+$0xFFFFFF80]  }
0x85: {  	[tilespmem:s24+$0xFFFFFF20] =	vst v3;
	v3 =	vmul.f32 v11, v6;
	v10 =	vld [tilespmem:s24+$0xFFFFFF90]  }
0x86: {  	[tilespmem:s24+$0xFFFFFF30] =	vst v5;
	v4 =	vmul.f32 v4, v6;
	v5 =	vld [tilespmem:s24+$0xFFFFFFA0]  }
0x87: {  	[tilespmem:s24+$0xFFFFFF40] =	vst v3;
	v3 =	vmul.f32 v12, v6;
	v11 =	vld [tilespmem:s24+$0xFFFFFFB0]  }
0x88: {  	[tilespmem:s24+$0xFFFFFF50] =	vst v4;
	v4 =	vmul.f32 v7, v6;
	v6 =	vld [tilespmem:s24+$0xFFFFFFC0]  }
0x89: {  	[tilespmem:s24+$0xFFFFFF60] =	vst v3;
	v3 =	vmul.f32 v8, v9;
	v7 =	vld [tilespmem:s24+$0xFFFFFFD0]  }
0x8a: {  	[tilespmem:s24+$0xFFFFFF70] =	vst v4;
	v4 =	vmul.f32 v10, v9;
	v8 =	vld [tilespmem:s24+$0xFFFFFFE0]  }
0x8b: {  	[tilespmem:s24+$0xFFFFFF80] =	vst v3;
	v3 =	vmul.f32 v5, v9;
	v5 =	vld [tilespmem:s24+$0xFFFFFFF0]  }
0x8c: {  	[tilespmem:s24+$0xFFFFFF90] =	vst v4;
	v4 =	vmul.f32 v11, v9;
	v10 =	vld [tilespmem:s24+$0x0]  }
0x8d: {  	[tilespmem:s24+$0xFFFFFFA0] =	vst v3;
	v3 =	vmul.f32 v6, v9;
	v6 =	vld [tilespmem:s24+$0x10]  }
0x8e: {  	[tilespmem:s24+$0xFFFFFFB0] =	vst v4;
	v4 =	vmul.f32 v7, v9;
	v7 =	vld [tilespmem:s24+$0x20]  }
0x8f: {  	[tilespmem:s24+$0xFFFFFFC0] =	vst v3;
	v8 =	vmul.f32 v8, v9;
	v13 =	vld [tilespmem:s24+$0x30]  }
.Ltmp3:
0x90: {  	s29 =	sadd.s32 $0x1, s28;
	v11 =	vmov s28;
	[tilespmem:s24+$0xFFFFFFD0] =	vst v4;
	v5 =	vmul.f32 v5, v9;
	v3 =	vld [tilespmem:s24+$0x40];
	(pc) =	sbr.rel @p0 .LBB2_5-.Ltmp3, $4  }
0x91: {  	v9 =	vand.u32 $0x7C, v11;
	v11 =	vmov s29;
	s29 =	sadd.s32 $0x2, s28;
	[tilespmem:s24+$0xFFFFFFE0] =	vst v8;
	v8 =	vmul.f32 v10, v2;
	v4 =	vld [tilespmem:s24+$0x50]  }
0x92: {  	v10 =	vor.u32 v1, v9;
	v9 =	vmov s29;
	[tilespmem:s24+$0xFFFFFFF0] =	vst v5;
	v14 =	vmul.f32 v6, v2;
	v5 =	vld [tilespmem:s24+$0x60]  }
0x93: {  	v12 =	vand.u32 $0x7D, v11;
	v11 =	vand.u32 $0x7E, v9;
	[tilespmem:s24+$0x0] =	vst v8;
	v9 =	vmul.f32 v7, v2;
	v7 =	vld [tilespmem:s24+$0x70]  }
0x94: {  	s29 =	sadd.s32 $0x3, s28;
	s28 =	sadd.s32 $0x4, s28;
	v6 =	vbroadcast v10, $0x0;
	v12 =	vor.u32 v1, v12;
	[tilespmem:s24+$0x10] =	vst v14;
	v10 =	vmul.f32 v13, v2;
	v8 =	vld [tilespmem:s24+$0x80]  }
0x95: {  	v14 =	vld [tilespmem:s24+$0x90]  }
0x96: {  	v15 =	vld [tilespmem:s24+$0xA0]  }
0x97: {  	v13 =	vmov s29;
	v11 =	vor.u32 v1, v11;
	v16 =	vld [tilespmem:s24+$0xC0]  }
0x98: {  	v12 =	vbroadcast v12, $0x0;
	[tilespmem:s24+$0x20] =	vst v9;
	v3 =	vmul.f32 v3, v2;
	v9 =	vld [tilespmem:s24+$0xD0];
	v13 =	vand.u32 $0x7F, v13  }
0x99: {  	v11 =	vbroadcast v11, $0x0;
	[tilespmem:s24+$0x30] =	vst v10;
	v4 =	vmul.f32 v4, v2;
	v10 =	vld [tilespmem:s24+$0xE0];
	v1 =	vor.u32 v1, v13  }
0x9a: {  	v13 =	vld [tilespmem:s24+$0xB0];
	[tilespmem:s24+$0x40] =	vst v3;
	v3 =	vmul.f32 v5, v2;
	v1 =	vbroadcast v1, $0x0  }
0x9b: {  	s28 =	sadd.s32 $0x200, s24;
	v5 =	vld.idx.msk [tilespmem:v6+s14+$0x0], $0xffff;
	[tilespmem:s24+$0x50] =	vst v4;
	v2 =	vmul.f32 v7, v2  }
0x9c: {  	v7 =	vld [tilespmem:s28+$0xF0];
	[tilespmem:s24+$0x60] =	vst v3;
	v3 =	vmul.f32 v8, v0  }
0x9d: {  	v8 =	vld [tilespmem:s28+$0xFFFFFF00];
	[tilespmem:s24+$0x70] =	vst v2;
	v2 =	vmul.f32 v14, v0  }
0x9e: {  	v4 =	vld.idx.msk [tilespmem:v12+s14+$0x0], $0xffff;
	[tilespmem:s24+$0x80] =	vst v3;
	v3 =	vmul.f32 v15, v0  }
0x9f: {  	v6 =	vld.idx.msk [tilespmem:v11+s14+$0x0], $0xffff;
	[tilespmem:s24+$0x90] =	vst v2;
	v2 =	vmul.f32 v13, v0  }
0xa0: {  	[tilespmem:s24+$0xA0] =	vst v3;
	v3 =	vmul.f32 v16, v0;
	v1 =	vld.idx.msk [tilespmem:v1+s14+$0x0], $0xffff  }
0xa1: {  	v11 =	vld [tilespmem:s28+$0xFFFFFF10];
	[tilespmem:s26+$0xB0] =	vst v2;
	v2 =	vmul.f32 v9, v0  }
0xa2: {  	v9 =	vld [tilespmem:s28+$0xFFFFFF20];
	v0 =	vmul.f32 v10, v0;
	[tilespmem:s26+$0xC0] =	vst v3  }
0xa3: {  	v3 =	vld [tilespmem:s28+$0xFFFFFF30];
	[tilespmem:s26+$0xD0] =	vst v2  }
0xa4: {  	v2 =	vld [tilespmem:s28+$0xFFFFFF40];
	[tilespmem:s26+$0xE0] =	vst v0;
	v0 =	vmul.f32 v8, v5  }
0xa5: {  	v8 =	vld [tilespmem:s28+$0xFFFFFF50];
	v7 =	vmul.f32 v7, v1  }
0xa6: {  	v10 =	vmul.f32 v11, v5;
	v11 =	vld [tilespmem:s28+$0xFFFFFF60];
	[tilespmem:s28+$0xFFFFFF00] =	vst v0  }
0xa7: {  	v0 =	vmul.f32 v9, v5;
	[tilespmem:s28+$0xF0] =	vst v7;
	v7 =	vld [tilespmem:s28+$0xFFFFFF70]  }
0xa8: {  	[tilespmem:s28+$0xFFFFFF10] =	vst v10;
	v9 =	vld [tilespmem:s28+$0xFFFFFF80];
	v3 =	vmul.f32 v3, v5  }
0xa9: {  	[tilespmem:s28+$0xFFFFFF20] =	vst v0;
	v0 =	vmul.f32 v2, v5;
	v2 =	vld [tilespmem:s28+$0xFFFFFF90]  }
0xaa: {  	[tilespmem:s28+$0xFFFFFF30] =	vst v3;
	v3 =	vmul.f32 v8, v5;
	v8 =	vld [tilespmem:s28+$0xFFFFFFA0]  }
0xab: {  	v10 =	vld [tilespmem:s28+$0xFFFFFFB0];
	[tilespmem:s28+$0xFFFFFF40] =	vst v0;
	v0 =	vmul.f32 v11, v5  }
0xac: {  	[tilespmem:s28+$0xFFFFFF50] =	vst v3;
	v3 =	vmul.f32 v7, v5;
	v5 =	vld [tilespmem:s28+$0xFFFFFFC0]  }
0xad: {  	[tilespmem:s28+$0xFFFFFF60] =	vst v0;
	v0 =	vmul.f32 v9, v4;
	v7 =	vld [tilespmem:s28+$0xFFFFFFD0]  }
0xae: {  	v2 =	vmul.f32 v2, v4;
	[tilespmem:s28+$0xFFFFFF70] =	vst v3;
	v3 =	vld [tilespmem:s28+$0xFFFFFFE0]  }
0xaf: {  	[tilespmem:s28+$0xFFFFFF80] =	vst v0;
	v0 =	vmul.f32 v8, v4;
	v8 =	vld [tilespmem:s28+$0xFFFFFFF0]  }
0xb0: {  	v9 =	vld [tilespmem:s28+$0x0];
	[tilespmem:s28+$0xFFFFFF90] =	vst v2;
	v2 =	vmul.f32 v10, v4  }
0xb1: {  	[tilespmem:s28+$0xFFFFFFA0] =	vst v0;
	v0 =	vmul.f32 v5, v4;
	v5 =	vld [tilespmem:s28+$0x10]  }
0xb2: {  	[tilespmem:s28+$0xFFFFFFB0] =	vst v2;
	v2 =	vmul.f32 v7, v4;
	v7 =	vld [tilespmem:s28+$0x20]  }
0xb3: {  	[tilespmem:s28+$0xFFFFFFC0] =	vst v0;
	v0 =	vmul.f32 v3, v4;
	v3 =	vld [tilespmem:s28+$0x30]  }
0xb4: {  	[tilespmem:s28+$0xFFFFFFD0] =	vst v2;
	v2 =	vmul.f32 v8, v4;
	v4 =	vld [tilespmem:s28+$0x40]  }
0xb5: {  	v8 =	vld [tilespmem:s28+$0x50];
	[tilespmem:s28+$0xFFFFFFE0] =	vst v0;
	v0 =	vmul.f32 v9, v6  }
0xb6: {  	[tilespmem:s28+$0xFFFFFFF0] =	vst v2;
	v2 =	vmul.f32 v5, v6;
	v5 =	vld [tilespmem:s28+$0x60]  }
0xb7: {  	[tilespmem:s28+$0x0] =	vst v0;
	v0 =	vmul.f32 v7, v6;
	v7 =	vld [tilespmem:s28+$0x70]  }
0xb8: {  	[tilespmem:s28+$0x10] =	vst v2;
	v2 =	vmul.f32 v3, v6;
	v3 =	vld [tilespmem:s28+$0x80]  }
0xb9: {  	[tilespmem:s28+$0x20] =	vst v0;
	v0 =	vmul.f32 v4, v6;
	v4 =	vld [tilespmem:s28+$0x90]  }
0xba: {  	[tilespmem:s28+$0x30] =	vst v2;
	v2 =	vmul.f32 v8, v6;
	v8 =	vld [tilespmem:s28+$0xA0]  }
0xbb: {  	[tilespmem:s28+$0x40] =	vst v0;
	v0 =	vmul.f32 v5, v6;
	v5 =	vld [tilespmem:s28+$0xB0]  }
0xbc: {  	[tilespmem:s28+$0x50] =	vst v2;
	v2 =	vmul.f32 v7, v6;
	v6 =	vld [tilespmem:s28+$0xC0]  }
0xbd: {  	[tilespmem:s28+$0x60] =	vst v0;
	v0 =	vmul.f32 v3, v1;
	v3 =	vld [tilespmem:s28+$0xD0]  }
0xbe: {  	[tilespmem:s28+$0x70] =	vst v2;
	v2 =	vmul.f32 v4, v1;
	v4 =	vld [tilespmem:s28+$0xE0]  }
0xbf: {  	[tilespmem:s28+$0x80] =	vst v0;
	v0 =	vmul.f32 v8, v1  }
0xc0: {  	[tilespmem:s28+$0x90] =	vst v2;
	v2 =	vmul.f32 v5, v1  }
0xc1: {  	[tilespmem:s28+$0xA0] =	vst v0;
	v0 =	vmul.f32 v6, v1  }
0xc2: {  	[tilespmem:s28+$0xB0] =	vst v2;
	v2 =	vmul.f32 v3, v1  }
0xc3: {  	s26 =	sshll.u32 s23, $0xA;
	[tilespmem:s28+$0xC0] =	vst v0;
	v0 =	vmul.f32 v4, v1  }
0xc4: {  	s25 =	sor.u32 $0x1, s25;
	s24 =	sshrl.u32 s26, $0x2;
	[tilespmem:s28+$0xD0] =	vst v2  }
0xc5: {  	p0 =	seq.s32 s23, $0x13;
	s25 =	sshll.u32 s25, $0x7;
	[tilespmem:s28+$0xE0] =	vst v0;
	s28 =	sadd.s32 $0x1D400, s24  }
0xc6: {  	[spmem:s3] =	stream.indirect.scatter.add.f32 [tilespmem:s9], [sflag:$0x5], $0x80, s28, s16, $0xb8;
	[tilespmem:$0x1FC00] =	vst v63  }
0xc7: {  	s29 =	simm.s32 @!p0 $0x14000;
	s28 =	simm.s32 $0x0;
	_ =	swait.ge [sflag:s20], $0x4000  }
0xc8: {  	s26 =	sshrl.u32 @!p0 s26, $0x2;
	v1 =	vmov s28;
	s28 =	simm.s32 $0x3;
	[sflag:s20] =	ssyncset.done $0x0  }
0xc9: {  	s26 =	sadd.s32 @!p0 $0x1C100, s26;
	v0 =	vmov s25;
	v1 =	vand.u32 $0x7C, v1;
	v2 =	vmov s28;
	s28 =	simm.s32 @!p0 $0x80;
	[sflag:s20] =	ssyncadd.s32 $0xFFFFC000  }
0xca: {  	v1 =	vor.u32 v0, v1;
	v2 =	vand.u32 $0x7F, v2;
	[tilespmem:s29], [sflag:$0x1] =	stream.indirect.gather @!p0 [hbm4b:s4+s28], $0x80, s26, s28, $0xb8;
	[tilespmem:$0x1FC00] =	vst v63  }
0xcb: {  	v1 =	vbroadcast v1, $0x0;
	v2 =	vor.u32 v0, v2;
	_ =	swait.ge [sflag:s21], $0x4000  }
0xcc: {  	v2 =	vbroadcast v2, $0x0;
	[sflag:s21] =	ssyncset.done $0x0  }
0xcd: {  	s26 =	simm.s32 $0x18100;
	[sflag:s21] =	ssyncadd.s32 $0xFFFFC000  }
0xce: {  	v5 =	vld [tilespmem:s26+$0xFFFFFF00]  }
0xcf: {  	v6 =	vld [tilespmem:s26+$0xFFFFFF10]  }
0xd0: {  	s28 =	simm.s32 $0x1;
	v7 =	vld [tilespmem:s26+$0xFFFFFF20]  }
0xd1: {  	v4 =	vmov s28;
	v3 =	vld.idx.msk [tilespmem:v1+s14+$0x0], $0xffff  }
0xd2: {  	v1 =	vld.idx.msk [tilespmem:v2+s14+$0x0], $0xffff;
	v2 =	vand.u32 $0x7D, v4  }
0xd3: {  	v8 =	vld [tilespmem:s26+$0xFFFFFF30];
	v2 =	vor.u32 v0, v2  }
0xd4: {  	v11 =	vld [tilespmem:s26+$0xFFFFFF60];
	v2 =	vbroadcast v2, $0x0  }
0xd5: {  	v4 =	vld [tilespmem:s26+$0xF0]  }
0xd6: {  	v9 =	vld [tilespmem:s26+$0xFFFFFF40];
	v5 =	vmul.f32 v5, v3  }
0xd7: {  	v10 =	vld [tilespmem:s26+$0xFFFFFF50];
	v6 =	vmul.f32 v6, v3  }
0xd8: {  	[tilespmem:s26+$0xFFFFFF00] =	vst v5;
	v5 =	vld [tilespmem:s26+$0xFFFFFF70]  }
0xd9: {  	s28 =	simm.s32 $0x2;
	v11 =	vmul.f32 v11, v3;
	[tilespmem:s26+$0xFFFFFF10] =	vst v6;
	v6 =	vmul.f32 v8, v3;
	v8 =	vld [tilespmem:s26+$0xFFFFFFA0]  }
0xda: {  	v12 =	vmov s28;
	v4 =	vmul.f32 v4, v1;
	v13 =	vld.idx.msk [tilespmem:v2+s14+$0x0], $0xffff  }
0xdb: {  	[tilespmem:s26+$0xFFFFFF60] =	vst v11;
	v2 =	vand.u32 $0x7E, v12;
	v12 =	vld [tilespmem:s26+$0xFFFFFF80]  }
0xdc: {  	[tilespmem:s26+$0xF0] =	vst v4;
	v4 =	vmul.f32 v7, v3;
	v7 =	vld [tilespmem:s26+$0xFFFFFF90];
	v2 =	vor.u32 v0, v2  }
0xdd: {  	[tilespmem:s26+$0xFFFFFF30] =	vst v6;
	v6 =	vmul.f32 v10, v3;
	v10 =	vld [tilespmem:s26+$0xFFFFFFC0];
	v2 =	vbroadcast v2, $0x0  }
0xde: {  	[tilespmem:s26+$0xFFFFFF20] =	vst v4;
	v4 =	vmul.f32 v9, v3;
	v9 =	vld [tilespmem:s26+$0xFFFFFFB0]  }
0xdf: {  	[tilespmem:s26+$0xFFFFFF50] =	vst v6;
	v6 =	vld [tilespmem:s26+$0xFFFFFFE0];
	v3 =	vmul.f32 v5, v3  }
0xe0: {  	[tilespmem:s26+$0xFFFFFF40] =	vst v4;
	v5 =	vld [tilespmem:s26+$0xFFFFFFF0];
	v4 =	vmul.f32 v12, v13  }
0xe1: {  	v12 =	vld [tilespmem:s26+$0xFFFFFFD0];
	[tilespmem:s26+$0xFFFFFF70] =	vst v3;
	v3 =	vmul.f32 v8, v13  }
0xe2: {  	[tilespmem:s26+$0xFFFFFF80] =	vst v4;
	v4 =	vmul.f32 v7, v13;
	v7 =	vld [tilespmem:s26+$0x0]  }
0xe3: {  	[tilespmem:s26+$0xFFFFFFA0] =	vst v3;
	v3 =	vmul.f32 v10, v13;
	v2 =	vld.idx.msk [tilespmem:v2+s14+$0x0], $0xffff  }
0xe4: {  	v8 =	vld [tilespmem:s26+$0x10];
	[tilespmem:s26+$0xFFFFFF90] =	vst v4;
	v4 =	vmul.f32 v9, v13  }
0xe5: {  	s28 =	simm.s32 $0x4;
	v6 =	vmul.f32 v6, v13;
	v9 =	vld [tilespmem:s26+$0x20];
	[tilespmem:s26+$0xFFFFFFC0] =	vst v3  }
0xe6: {  	v11 =	vmov s28;
	v10 =	vld [tilespmem:s26+$0x30];
	[tilespmem:s26+$0xFFFFFFB0] =	vst v4;
	v4 =	vmul.f32 v12, v13  }
0xe7: {  	v11 =	vand.u32 $0x7C, v11;
	v3 =	vld [tilespmem:s26+$0x40];
	[tilespmem:s26+$0xFFFFFFE0] =	vst v6;
	v12 =	vmul.f32 v5, v13  }
0xe8: {  	s28 =	simm.s32 $0x5;
	v6 =	vor.u32 v0, v11;
	[tilespmem:s26+$0xFFFFFFD0] =	vst v4;
	v7 =	vmul.f32 v7, v2;
	v4 =	vld [tilespmem:s26+$0x50]  }
0xe9: {  	v6 =	vbroadcast v6, $0x0;
	v13 =	vmov s28;
	s28 =	simm.s32 $0x6;
	v5 =	vld [tilespmem:s26+$0x60];
	v8 =	vmul.f32 v8, v2;
	[tilespmem:s26+$0xFFFFFFF0] =	vst v12  }
0xea: {  	v11 =	vmov s28;
	v12 =	vand.u32 $0x7D, v13;
	v9 =	vmul.f32 v9, v2;
	[tilespmem:s26+$0x0] =	vst v7;
	v7 =	vld [tilespmem:s26+$0x70]  }
0xeb: {  	s30 =	simm.s32 $0x7;
	s29 =	simm.s32 $0x8;
	s28 =	simm.s32 $0x18100;
	v11 =	vand.u32 $0x7E, v11;
	v10 =	vmul.f32 v10, v2;
	v12 =	vor.u32 v0, v12;
	[tilespmem:s26+$0x10] =	vst v8;
	v8 =	vld [tilespmem:s26+$0x80]  }
.LBB2_7:
0xec: {  	p1 =	slt.u32 s29, $0x7C;
	v11 =	vor.u32 v0, v11;
	v13 =	vmov s30;
	[tilespmem:s26+$0x20] =	vst v9;
	v3 =	vmul.f32 v3, v2;
	v9 =	vld [tilespmem:s26+$0x90]  }
0xed: {  	v12 =	vbroadcast v12, $0x0;
	v13 =	vand.u32 $0x7F, v13;
	[tilespmem:s26+$0x30] =	vst v10;
	v4 =	vmul.f32 v4, v2;
	v10 =	vld [tilespmem:s26+$0xA0]  }
0xee: {  	v11 =	vbroadcast v11, $0x0;
	v13 =	vor.u32 v0, v13;
	[tilespmem:s26+$0x40] =	vst v3;
	v3 =	vmul.f32 v5, v2;
	v5 =	vld [tilespmem:s26+$0xB0]  }
0xef: {  	v13 =	vbroadcast v13, $0x0;
	[tilespmem:s26+$0x50] =	vst v4;
	v2 =	vmul.f32 v7, v2;
	v4 =	vld [tilespmem:s26+$0xC0]  }
0xf0: {  	[tilespmem:s26+$0x60] =	vst v3;
	v3 =	vmul.f32 v8, v1;
	v7 =	vld [tilespmem:s26+$0xD0]  }
0xf1: {  	[tilespmem:s26+$0x70] =	vst v2;
	v2 =	vmul.f32 v9, v1;
	v8 =	vld [tilespmem:s26+$0xE0]  }
0xf2: {  	v6 =	vld.idx.msk [tilespmem:v6+s14+$0x0], $0xffff;
	[tilespmem:s26+$0x80] =	vst v3;
	v3 =	vmul.f32 v10, v1  }
0xf3: {  	v9 =	vld.idx.msk [tilespmem:v12+s14+$0x0], $0xffff;
	[tilespmem:s26+$0x90] =	vst v2;
	v5 =	vmul.f32 v5, v1  }
0xf4: {  	v2 =	vld.idx.msk [tilespmem:v11+s14+$0x0], $0xffff;
	[tilespmem:s26+$0xA0] =	vst v3;
	v3 =	vmul.f32 v4, v1  }
0xf5: {  	s26 =	sadd.s32 $0x200, s26;
	v4 =	vld.idx.msk [tilespmem:v13+s14+$0x0], $0xffff;
	[tilespmem:s28+$0xB0] =	vst v5;
	v5 =	vmul.f32 v7, v1  }
0xf6: {  	v7 =	vld [tilespmem:s26+$0xF0];
	[tilespmem:s28+$0xC0] =	vst v3;
	v1 =	vmul.f32 v8, v1  }
0xf7: {  	v3 =	vld [tilespmem:s26+$0xFFFFFF00];
	[tilespmem:s28+$0xD0] =	vst v5  }
0xf8: {  	v5 =	vld [tilespmem:s26+$0xFFFFFF10];
	[tilespmem:s28+$0xE0] =	vst v1;
	s28 =	smov.u32 s26  }
0xf9: {  	v8 =	vld [tilespmem:s26+$0xFFFFFF20]  }
0xfa: {  	v10 =	vld [tilespmem:s26+$0xFFFFFF30]  }
0xfb: {  	v1 =	vmov v4;
	v11 =	vld [tilespmem:s26+$0xFFFFFF40];
	v7 =	vmul.f32 v7, v4  }
0xfc: {  	v3 =	vmul.f32 v3, v6;
	v4 =	vld [tilespmem:s26+$0xFFFFFF50]  }
0xfd: {  	v5 =	vmul.f32 v5, v6;
	v12 =	vld [tilespmem:s26+$0xFFFFFF60];
	[tilespmem:s26+$0xF0] =	vst v7  }
0xfe: {  	[tilespmem:s26+$0xFFFFFF00] =	vst v3;
	v3 =	vmul.f32 v8, v6;
	v7 =	vld [tilespmem:s26+$0xFFFFFF70]  }
0xff: {  	[tilespmem:s26+$0xFFFFFF10] =	vst v5;
	v5 =	vmul.f32 v10, v6;
	v8 =	vld [tilespmem:s26+$0xFFFFFF80]  }
0x100: {  	[tilespmem:s26+$0xFFFFFF20] =	vst v3;
	v3 =	vmul.f32 v11, v6;
	v10 =	vld [tilespmem:s26+$0xFFFFFF90]  }
0x101: {  	[tilespmem:s26+$0xFFFFFF30] =	vst v5;
	v4 =	vmul.f32 v4, v6;
	v5 =	vld [tilespmem:s26+$0xFFFFFFA0]  }
0x102: {  	[tilespmem:s26+$0xFFFFFF40] =	vst v3;
	v3 =	vmul.f32 v12, v6;
	v11 =	vld [tilespmem:s26+$0xFFFFFFB0]  }
0x103: {  	[tilespmem:s26+$0xFFFFFF50] =	vst v4;
	v4 =	vmul.f32 v7, v6;
	v6 =	vld [tilespmem:s26+$0xFFFFFFC0]  }
0x104: {  	[tilespmem:s26+$0xFFFFFF60] =	vst v3;
	v3 =	vmul.f32 v8, v9;
	v7 =	vld [tilespmem:s26+$0xFFFFFFD0]  }
0x105: {  	[tilespmem:s26+$0xFFFFFF70] =	vst v4;
	v4 =	vmul.f32 v10, v9;
	v8 =	vld [tilespmem:s26+$0xFFFFFFE0]  }
0x106: {  	[tilespmem:s26+$0xFFFFFF80] =	vst v3;
	v3 =	vmul.f32 v5, v9;
	v5 =	vld [tilespmem:s26+$0xFFFFFFF0]  }
0x107: {  	[tilespmem:s26+$0xFFFFFF90] =	vst v4;
	v4 =	vmul.f32 v11, v9;
	v10 =	vld [tilespmem:s26+$0x0]  }
0x108: {  	[tilespmem:s26+$0xFFFFFFA0] =	vst v3;
	v3 =	vmul.f32 v6, v9;
	v6 =	vld [tilespmem:s26+$0x10]  }
0x109: {  	[tilespmem:s26+$0xFFFFFFB0] =	vst v4;
	v4 =	vmul.f32 v7, v9;
	v7 =	vld [tilespmem:s26+$0x20]  }
0x10a: {  	[tilespmem:s26+$0xFFFFFFC0] =	vst v3;
	v8 =	vmul.f32 v8, v9;
	v13 =	vld [tilespmem:s26+$0x30]  }
.Ltmp4:
0x10b: {  	s30 =	sadd.s32 $0x1, s29;
	v11 =	vmov s29;
	[tilespmem:s26+$0xFFFFFFD0] =	vst v4;
	v5 =	vmul.f32 v5, v9;
	v3 =	vld [tilespmem:s26+$0x40];
	(pc) =	sbr.rel @p1 .LBB2_7-.Ltmp4, $4  }
0x10c: {  	v9 =	vand.u32 $0x7C, v11;
	v11 =	vmov s30;
	s30 =	sadd.s32 $0x2, s29;
	[tilespmem:s26+$0xFFFFFFE0] =	vst v8;
	v8 =	vmul.f32 v10, v2;
	v4 =	vld [tilespmem:s26+$0x50]  }
0x10d: {  	v10 =	vor.u32 v0, v9;
	v9 =	vmov s30;
	[tilespmem:s26+$0xFFFFFFF0] =	vst v5;
	v14 =	vmul.f32 v6, v2;
	v5 =	vld [tilespmem:s26+$0x60]  }
0x10e: {  	v12 =	vand.u32 $0x7D, v11;
	v11 =	vand.u32 $0x7E, v9;
	[tilespmem:s26+$0x0] =	vst v8;
	v9 =	vmul.f32 v7, v2;
	v7 =	vld [tilespmem:s26+$0x70]  }
0x10f: {  	s30 =	sadd.s32 $0x3, s29;
	s29 =	sadd.s32 $0x4, s29;
	v6 =	vbroadcast v10, $0x0;
	v12 =	vor.u32 v0, v12;
	[tilespmem:s26+$0x10] =	vst v14;
	v10 =	vmul.f32 v13, v2;
	v8 =	vld [tilespmem:s26+$0x80]  }
0x110: {  	v14 =	vld [tilespmem:s26+$0x90]  }
0x111: {  	v15 =	vld [tilespmem:s26+$0xA0]  }
0x112: {  	v42 =	vld [tilespmem:s26+$0xB0]  }
0x113: {  	v16 =	vld [tilespmem:s26+$0xC0]  }
0x114: {  	[tilespmem:s26+$0x20] =	vst v9;
	v3 =	vmul.f32 v3, v2;
	v43 =	vld [tilespmem:s26+$0xD0]  }
0x115: {  	v44 =	vld [tilespmem:s26+$0xE0];
	[tilespmem:s26+$0x30] =	vst v10;
	v4 =	vmul.f32 v4, v2  }
0x116: {  	s29 =	sadd.s32 $0x200, s26;
	v46 =	vld.idx.msk [tilespmem:v6+s14+$0x0], $0xffff;
	[tilespmem:s26+$0x40] =	vst v3;
	v45 =	vmul.f32 v5, v2  }
0x117: {  	v52 =	vld [tilespmem:s29+$0xF0];
	[tilespmem:s26+$0x50] =	vst v4;
	v47 =	vmul.f32 v7, v2  }
0x118: {  	v54 =	vld [tilespmem:s29+$0xFFFFFF00];
	[tilespmem:s26+$0x60] =	vst v45;
	v49 =	vmul.f32 v8, v1  }
0x119: {  	v56 =	vld [tilespmem:s29+$0xFFFFFF10];
	[tilespmem:s26+$0x70] =	vst v47;
	v50 =	vmul.f32 v14, v1  }
0x11a: {  	v12 =	vbroadcast v12, $0x0;
	v58 =	vld [tilespmem:s29+$0xFFFFFF20];
	v51 =	vmul.f32 v15, v1;
	[tilespmem:s26+$0x80] =	vst v49  }
0x11b: {  	v60 =	vld [tilespmem:s29+$0xFFFFFF30];
	v53 =	vmul.f32 v42, v1;
	[tilespmem:s26+$0x90] =	vst v50  }
0x11c: {  	v61 =	vld [tilespmem:s29+$0xFFFFFF40];
	v55 =	vmul.f32 v16, v1;
	[tilespmem:s26+$0xA0] =	vst v51  }
0x11d: {  	v13 =	vmov s30;
	v63 =	vld [tilespmem:s29+$0xFFFFFF50];
	v57 =	vmul.f32 v43, v1;
	[tilespmem:s28+$0xB0] =	vst v53  }
0x11e: {  	v13 =	vand.u32 $0x7F, v13;
	v18 =	vld [tilespmem:s29+$0xFFFFFF90];
	v59 =	vmul.f32 v44, v1;
	[tilespmem:s28+$0xC0] =	vst v55  }
0x11f: {  	v41 =	vor.u32 v0, v13;
	v13 =	vld [tilespmem:s29+$0xFFFFFF60];
	v62 =	vmul.f32 v54, v46;
	[tilespmem:s28+$0xD0] =	vst v57  }
0x120: {  	v48 =	vld.idx.msk [tilespmem:v12+s14+$0x0], $0xffff;
	v12 =	vmul.f32 v56, v46;
	[tilespmem:s28+$0xE0] =	vst v59  }
0x121: {  	v15 =	vld [tilespmem:s29+$0xFFFFFF70];
	v14 =	vmul.f32 v58, v46;
	[tilespmem:s29+$0xFFFFFF00] =	vst v62  }
0x122: {  	v16 =	vld [tilespmem:s29+$0xFFFFFF80];
	v3 =	vmul.f32 v60, v46;
	[tilespmem:s29+$0xFFFFFF10] =	vst v12  }
0x123: {  	v11 =	vor.u32 v0, v11;
	v20 =	vld [tilespmem:s29+$0xFFFFFFA0];
	v17 =	vmul.f32 v61, v46;
	[tilespmem:s29+$0xFFFFFF20] =	vst v14  }
0x124: {  	v11 =	vbroadcast v11, $0x0;
	v22 =	vld [tilespmem:s29+$0xFFFFFFB0];
	v19 =	vmul.f32 v63, v46;
	[tilespmem:s29+$0xFFFFFF30] =	vst v3  }
0x125: {  	v24 =	vld [tilespmem:s29+$0xFFFFFFC0];
	v21 =	vmul.f32 v13, v46;
	[tilespmem:s29+$0xFFFFFF40] =	vst v17  }
0x126: {  	v26 =	vld [tilespmem:s29+$0xFFFFFFD0];
	[tilespmem:s29+$0xFFFFFF50] =	vst v19;
	v23 =	vmul.f32 v15, v46  }
0x127: {  	v27 =	vld [tilespmem:s29+$0xFFFFFFE0];
	[tilespmem:s29+$0xFFFFFF60] =	vst v21;
	v25 =	vmul.f32 v16, v48  }
0x128: {  	v29 =	vld [tilespmem:s29+$0xFFFFFFF0];
	v2 =	vmul.f32 v18, v48;
	[tilespmem:s29+$0xFFFFFF70] =	vst v23  }
0x129: {  	v31 =	vld [tilespmem:s29+$0x0];
	v28 =	vmul.f32 v20, v48;
	[tilespmem:s29+$0xFFFFFF80] =	vst v25  }
0x12a: {  	v6 =	vld.idx.msk [tilespmem:v11+s14+$0x0], $0xffff;
	v30 =	vmul.f32 v22, v48;
	[tilespmem:s29+$0xFFFFFF90] =	vst v2  }
0x12b: {  	v33 =	vld [tilespmem:s29+$0x10];
	v0 =	vbroadcast v41, $0x0;
	v32 =	vmul.f32 v24, v48;
	[tilespmem:s29+$0xFFFFFFA0] =	vst v28  }
0x12c: {  	v35 =	vld [tilespmem:s29+$0x20];
	v34 =	vmul.f32 v26, v48;
	[tilespmem:s29+$0xFFFFFFB0] =	vst v30  }
0x12d: {  	v37 =	vld [tilespmem:s29+$0x30];
	v36 =	vmul.f32 v27, v48;
	[tilespmem:s29+$0xFFFFFFC0] =	vst v32  }
0x12e: {  	v39 =	vld [tilespmem:s29+$0x40];
	v38 =	vmul.f32 v29, v48;
	[tilespmem:s29+$0xFFFFFFD0] =	vst v34  }
0x12f: {  	v41 =	vld [tilespmem:s29+$0x50];
	v40 =	vmul.f32 v31, v6;
	[tilespmem:s29+$0xFFFFFFE0] =	vst v36  }
0x130: {  	v45 =	vld [tilespmem:s29+$0x70];
	v42 =	vmul.f32 v33, v6;
	[tilespmem:s29+$0xFFFFFFF0] =	vst v38  }
0x131: {  	v0 =	vld.idx.msk [tilespmem:v0+s14+$0x0], $0xffff;
	v44 =	vmul.f32 v35, v6;
	[tilespmem:s29+$0x0] =	vst v40  }
0x132: {  	v43 =	vld [tilespmem:s29+$0x60];
	v46 =	vmul.f32 v37, v6;
	[tilespmem:s29+$0x10] =	vst v42  }
0x133: {  	v47 =	vld [tilespmem:s29+$0x80];
	v48 =	vmul.f32 v39, v6;
	[tilespmem:s29+$0x20] =	vst v44  }
0x134: {  	v49 =	vld [tilespmem:s29+$0x90];
	v50 =	vmul.f32 v41, v6;
	[tilespmem:s29+$0x30] =	vst v46  }
0x135: {  	v51 =	vld [tilespmem:s29+$0xA0];
	v54 =	vmul.f32 v45, v6;
	[tilespmem:s29+$0x40] =	vst v48  }
0x136: {  	v53 =	vld [tilespmem:s29+$0xB0];
	v7 =	vmul.f32 v52, v0;
	[tilespmem:s29+$0x50] =	vst v50  }
0x137: {  	v55 =	vld [tilespmem:s29+$0xC0];
	v52 =	vmul.f32 v43, v6;
	[tilespmem:s29+$0x70] =	vst v54  }
0x138: {  	v57 =	vld [tilespmem:s29+$0xD0];
	v56 =	vmul.f32 v47, v0;
	[tilespmem:s29+$0xF0] =	vst v7  }
0x139: {  	v59 =	vld [tilespmem:s29+$0xE0];
	v58 =	vmul.f32 v49, v0;
	[tilespmem:s29+$0x60] =	vst v52  }
0x13a: {  	v60 =	vmul.f32 v51, v0;
	[tilespmem:s29+$0x80] =	vst v56  }
0x13b: {  	v61 =	vmul.f32 v53, v0;
	[tilespmem:s29+$0x90] =	vst v58  }
0x13c: {  	v62 =	vmul.f32 v55, v0;
	[tilespmem:s29+$0xA0] =	vst v60  }
0x13d: {  	v63 =	vmul.f32 v57, v0;
	[tilespmem:s29+$0xB0] =	vst v61  }
0x13e: {  	v0 =	vmul.f32 v59, v0;
	[tilespmem:s29+$0xC0] =	vst v62  }
0x13f: {  	s25 =	sand.u32 $0x3FFFFF80, s25;
	[tilespmem:s29+$0xD0] =	vst v63  }
.Ltmp5:
0x140: {  	s25 =	sadd.s32 $0x1D400, s25;
	[tilespmem:s29+$0xE0] =	vst v0;
	(pc) =	sbr.rel @p0 .LBB2_10-.Ltmp5, $4  }
0x141: {  	[spmem:s3] =	stream.indirect.scatter.add.f32 [tilespmem:s18], [sflag:$0x5], $0x80, s25, s16, $0xb8;
	[tilespmem:$0x1FC00] =	vst v63  }
0x142: {  	_ =	swait.ge [sflag:s20], $0x4000  }
0x143: {  	[sflag:s20] =	ssyncset.done $0x0  }
0x144: {  	[sflag:s20] =	ssyncadd.s32 $0xFFFFC000  }
.Ltmp6:
0x145: {  	(pc) =	sbr.rel .LBB2_4-.Ltmp6, $3  }
0x146: {  	_ =	sdelay $0x1  }
0x147: {  	s24 =	sadd.s32 $0x1C180, s24;
	s23 =	sadd.s32 $0x1, s23  }
0x148: {  	[tilespmem:s18], [sflag:$0x2] =	stream.indirect.gather [hbm4b:s4+s16], $0x80, s24, s16, $0xb8;
	[tilespmem:$0x1FC00] =	vst v63  }
.LBB2_11:
0x149: {  	s3 =	smul.u32 $0x2800, s1  }
0x14a: {  	s30 =	sshll.u32 s1, $0x6;
	[bflag:$0x0] =	sbarrier.arrive $0xFFFF;
	s4 =	sshrl.u32 s8, $0x3  }
0x14b: {  	s31 =	simm.s32 $0x3;
	s2 =	sadd.s32 s2, s3;
	s3 =	sor.u32 $0x1C03, s30  }
0x14c: {  	[hbm:s2], [sflag:s3] =	dma.local [spmem:s4], $0x2800  }
0x14d: {  	_ =	swait.ge [sflag:s31], $0x2800  }
0x14e: {  	[sflag:s31] =	ssyncset.done $0x0  }
0x14f: {  	[sflag:s31] =	ssyncadd.s32 $0xFFFFD800  }
0x150: {  	_ =	sfence.sel $0x180000  }
0x151: {  	[bflag:$0x0] =	sbarrier.arrive $0xFFFF  }
0x152: {  	p0 =	sne.s32 s1, $0x0;
	_ =	strace $0x9000004D  }
0x153: {  	s0 =	sadd.s32 @!p0 $0x100000, s0;
	[bflag:$0x2] =	sbarrier.arrive $0xFFFF  }
0x154: {  	[sflag:s0] =	ssyncadd.tile.s32 @!p0 $0x1;
	_ =	shalt  }
.Lfunc_end2:
_tile_overlayer_lowered:
.L_overlay_start_2:
0x155: {  	(tag) =	ssettag $0x2  }
0x156: {  	s0 =	rddreg [dreg:$0x0];
	s2 =	stileid.u32  }
0x157: {  	s1 =	rddreg [dreg:$0x1];
	p0 =	sne.s32 s2, $0x0  }
0x158: {  	s3 =	rddreg [dreg:$0x2];
	[bflag:$0x3] =	sbarrier.arrive $0xFFFF;
	s2 =	simm.s32 @!p0 $0x1C05  }
0x159: {  	[timem:s3], [sflag:s2] =	dma.local @!p0 [hbm:s0], s1  }
0x15a: {  	s0 =	simm.s32 @!p0 $0x5  }
0x15b: {  	_ =	swait.ge @!p0 [sflag:s0], s1  }
0x15c: {  	s1 =	ssub.s32 @!p0 $0x0, s1;
	[sflag:s0] =	ssyncset.done @!p0 $0x0  }
0x15d: {  	[sflag:s0] =	ssyncadd.s32 @!p0 s1  }
0x15e: {  	[bflag:$0x3] =	sbarrier.arrive $0xFFFF  }
0x15f: {  	_ =	shalt  }

// kernel: kernel.5.cloned.1.call-start
scs
__scs_entry_jumppad:
0x0: {  	(pc) =	sbr.rel $0x88, $3  }
0x1: {  	(tag) =	ssettag $0x0;
	lr =	simm.s32 $0x1  }
0x2: {  	[smem:$0x3F9E] =	sst lr;
	_ =	strace $0xD0000000  }
0x3: {  	_ = 	snop  }
0x4: {  	_ = 	snop  }
0x5: {  	_ = 	snop  }
0x6: {  	_ = 	snop  }
0x7: {  	_ = 	snop  }
__scs_overlays_trampoline_lowered:
0x8: {  	[smem:$0x3FAD] =	sst s0  }
0x9: {  	[smem:$0x3FAE] =	sst s1  }
0xa: {  	[smem:$0x3FAF] =	sst s2  }
0xb: {  	[smem:$0x3FB0] =	sst s3  }
0xc: {  	[smem:$0x3FB1] =	sst s4  }
0xd: {  	[smem:$0x3FB2] =	sst s5  }
0xe: {  	[smem:$0x3FB3] =	sst s6  }
0xf: {  	[smem:$0x3FB4] =	sst s7  }
0x10: {  	[smem:$0x3FB5] =	sst s8  }
0x11: {  	[smem:$0x3FB6] =	sst s9;
	s0 =	simm.s32 @!p0 $0x0  }
0x12: {  	s1 =	sld [smem:$0x3F9C];
	s0 =	simm.s32 @p0 $0x1  }
0x13: {  	[smem:$0x3FB7] =	sst s0;
	s0 =	simm.s32 @!p1 $0x0  }
0x14: {  	s2 =	sld [smem:$0x3F9B];
	s0 =	simm.s32 @p1 $0x1  }
0x15: {  	[smem:$0x3FB8] =	sst s0;
	s0 =	simm.s32 @!p2 $0x0  }
0x16: {  	s3 =	sld [smem:$0x3FDB];
	s0 =	simm.s32 @p2 $0x1  }
0x17: {  	s4 =	simm.s32 $0x1BF5;
	[smem:$0x3FBA] =	sst s0  }
0x18: {  	s0 =	sld [smem:$0x3F9D];
	_ =	swait.ge [sflag:s4], $0x0  }
0x19: {  	s7 =	sld [smem:$0x3F9E]  }
0x1a: {  	s8 =	sadd.s32 $0xFFFFE003, lr  }
0x1b: {  	s9 =	sadd.s32 $0xFFFFFEF7, lr;
	s5 =	simm.s32 $0xFFFFFFFF;
	p2 =	slt.u32 s8, $0xFFFFF086  }
0x1c: {  	p1 =	slt.u32 s9, $0xF7A;
	s5 =	simm.s32 @!p2 $0x0  }
0x1d: {  	s5 =	simm.s32 @p1 $0x1;
	p0 =	seq.s32 s7, s2  }
0x1e: {  	s7 =	smul.u32 @!p0 $0xF7A, s2;
	p2 =	seq.s32 @!p0 s5, $0x0  }
0x1f: {  	s9 =	smul.u32 $0xF7A, s1;
	s8 =	simm.s32 @!p0 $0x1BF5;
	p2 =	por !p2, p0  }
0x20: {  	[sflag:s8] =	ssyncset.s32 @!p0 $0xFFFFF086;
	s6 =	sadd.s32 @!p0 s3, s7;
	s7 =	simm.s32 @!p0 $0x108  }
0x21: {  	s3 =	sadd.s32 s3, s9;
	s6 =	sadd.s32 @!p0 $0x88, s6;
	s7 =	simm.s32 @p2 $0x1082  }
0x22: {  	[simem:s7], [sflag:s8] =	dma.local @!p0 [hbm:s6], $0xF7A  }
0x23: {  	s9 =	sor.u32 $0xD0000000, s2;
	s6 =	simm.s32 $0x108;
	_ =	swait.ge @!p0 [sflag:s8], $0x0  }
0x24: {  	s3 =	sadd.s32 $0x88, s3;
	s6 =	simm.s32 @!p1 $0x1082;
	[sflag:s4] =	ssyncset.s32 $0xFFFFF086  }
0x25: {  	[simem:s6], [sflag:s4] =	dma.local [hbm:s3], $0xF7A  }
0x26: {  	[smem:$0x3F9E] =	sst s1;
	(tag) =	ssettag s2;
	_ =	strace s9  }
0x27: {  	s1 =	sld [smem:$0x3FAE]  }
0x28: {  	s2 =	sld [smem:$0x3FAF]  }
0x29: {  	s4 =	sld [smem:$0x3FB1]  }
0x2a: {  	p0 =	seq.s32 s5, $0x0;
	s5 =	sld [smem:$0x3FB2]  }
0x2b: {  	s6 =	sld [smem:$0x3FB3]  }
0x2c: {  	s7 =	sld [smem:$0x3FB4]  }
0x2d: {  	s3 =	simm.s32 $0x108;
	s8 =	sld [smem:$0x3FB5]  }
0x2e: {  	s3 =	simm.s32 @!p0 $0x1082;
	s9 =	sld [smem:$0x3FB6]  }
0x2f: {  	lr =	sadd.s32 s0, s3;
	s0 =	sld [smem:$0x3FAD]  }
0x30: {  	s3 =	sld [smem:$0x3FB0]  }
0x31: {  	[smem:$0x3FB9] =	sst s10  }
0x32: {  	s10 =	sld [smem:$0x3FB7];
	_ =	sdelay $0x3  }
0x33: {  	p0 =	seq.s32 s10, $0x1;
	s10 =	sld [smem:$0x3FB9];
	_ =	sdelay $0x3  }
0x34: {  	[smem:$0x3FB9] =	sst s10  }
0x35: {  	s10 =	sld [smem:$0x3FB8];
	_ =	sdelay $0x3  }
0x36: {  	p1 =	seq.s32 s10, $0x1;
	s10 =	sld [smem:$0x3FB9];
	_ =	sdelay $0x3  }
0x37: {  	[smem:$0x3FB9] =	sst s10  }
0x38: {  	s10 =	sld [smem:$0x3FBA]  }
0x39: {  	_ = 	snop;
	(pc) =	sbr.ind lr, $3  }
0x3a: {  	_ = 	snop  }
0x3b: {  	_ = 	snop  }
0x3c: {  	p2 =	seq.s32 s10, $0x1;
	s10 =	sld [smem:$0x3FB9]  }
0x3d: {  	_ =	shalt  }
0x3e: {  	_ =	shalt  }
0x3f: {  	_ =	shalt  }
0x40: {  	_ =	shalt  }
0x41: {  	_ =	shalt  }
0x42: {  	_ =	shalt  }
0x43: {  	_ =	shalt  }
0x44: {  	_ =	shalt  }
0x45: {  	_ =	shalt  }
0x46: {  	_ =	shalt  }
0x47: {  	_ =	shalt  }
0x48: {  	_ =	shalt  }
0x49: {  	_ =	shalt  }
0x4a: {  	_ =	shalt  }
0x4b: {  	_ =	shalt  }
0x4c: {  	_ =	shalt  }
0x4d: {  	_ =	shalt  }
0x4e: {  	_ =	shalt  }
0x4f: {  	_ =	shalt  }
0x50: {  	_ =	shalt  }
0x51: {  	_ =	shalt  }
0x52: {  	_ =	shalt  }
0x53: {  	_ =	shalt  }
0x54: {  	_ =	shalt  }
0x55: {  	_ =	shalt  }
0x56: {  	_ =	shalt  }
0x57: {  	_ =	shalt  }
0x58: {  	_ =	shalt  }
0x59: {  	_ =	shalt  }
0x5a: {  	_ =	shalt  }
0x5b: {  	_ =	shalt  }
0x5c: {  	_ =	shalt  }
0x5d: {  	_ =	shalt  }
0x5e: {  	_ =	shalt  }
0x5f: {  	_ =	shalt  }
0x60: {  	_ =	shalt  }
0x61: {  	_ =	shalt  }
0x62: {  	_ =	shalt  }
0x63: {  	_ =	shalt  }
0x64: {  	_ =	shalt  }
0x65: {  	_ =	shalt  }
0x66: {  	_ =	shalt  }
0x67: {  	_ =	shalt  }
0x68: {  	_ =	shalt  }
0x69: {  	_ =	shalt  }
0x6a: {  	_ =	shalt  }
0x6b: {  	_ =	shalt  }
0x6c: {  	_ =	shalt  }
0x6d: {  	_ =	shalt  }
0x6e: {  	_ =	shalt  }
0x6f: {  	_ =	shalt  }
0x70: {  	_ =	shalt  }
0x71: {  	_ =	shalt  }
0x72: {  	_ =	shalt  }
0x73: {  	_ =	shalt  }
0x74: {  	_ =	shalt  }
0x75: {  	_ =	shalt  }
0x76: {  	_ =	shalt  }
0x77: {  	_ =	shalt  }
0x78: {  	_ =	shalt  }
0x79: {  	_ =	shalt  }
0x7a: {  	_ =	shalt  }
0x7b: {  	_ =	shalt  }
0x7c: {  	_ =	shalt  }
0x7d: {  	_ =	shalt  }
0x7e: {  	_ =	shalt  }
0x7f: {  	_ =	shalt  }
0x80: {  	_ =	shalt  }
0x81: {  	_ =	shalt  }
0x82: {  	_ =	shalt  }
0x83: {  	_ =	shalt  }
0x84: {  	_ =	shalt  }
0x85: {  	_ =	shalt  }
0x86: {  	_ =	shalt  }
0x87: {  	_ =	shalt  }
.Lfunc_end0:
.L_simem_size_0:
called_computation_lowered:
.L_overlay_start_0:
0x88: {  	s0 =	sld [smem:$0x3FD9]  }
0x89: {  	s1 =	sld [smem:$0x3FFE];
	_ =	sdelay $0x3  }
0x8a: {  	s0 =	sadd.s32 s1, s0  }
0x8b: {  	[smem:$0x3FC5] =	sst s0  }
0x8c: {  	_ = 	snop  }
0x8d: {  	s0 =	sld [smem:$0x3FD0];
	_ =	sdelay $0x2  }
0x8e: {  	s2 =	simm.s32 $0xA;
	s3 =	simm.s32 $0x10;
	s13 =	sld [smem:$0x3FC9]  }
0x8f: {  	[smem:s3], [sflag:s2] =	dma.local [hbm:s0], $0x1  }
0x90: {  	_ =	swait.eq [sflag:s2], $0x1  }
0x91: {  	[sflag:s2] =	ssyncset.done $0x0  }
0x92: {  	[sflag:s2] =	ssyncadd.s32 $0xFFFFFFFF  }
0x93: {  	s14 =	sld [smem:$0x11];
	(tm) =	ssettm $0x1  }
0x94: {  	s15 =	sld [smem:$0x3FFB];
	_ =	sdelay $0x3  }
0x95: {  	_ =	strace s15  }
0x96: {  	s2 =	sld [smem:$0x3FFC];
	_ =	sdelay $0x3  }
0x97: {  	_ =	strace s2  }
0x98: {  	s2 =	sld [smem:$0x3FFD];
	_ =	sdelay $0x3  }
0x99: {  	_ =	strace s2  }
0x9a: {  	_ =	strace $0x8FFFFFFF  }
0x9b: {  	s16 =	sld [smem:$0x3FDB];
	_ =	sdelay $0x1  }
0x9c: {  	s17 =	simm.s32 $_scs_section_size  }
0x9d: {  	s4 =	simm.s32 $_size__tile_overlayer_lowered;
	s5 =	simm.s32 $_tile_overlayer_lowered  }
0x9e: {  	s20 =	simm.s32 $0x1BFF;
	s19 =	sshll.u32 s5, $0x1;
	s2 =	sadd.s32 s17, s16  }
0x9f: {  	s6 =	simm.s32 $0x0;
	s18 =	sshll.u32 s4, $0x1;
	s4 =	sadd.s32 s19, s2  }
0xa0: {  	[timem:s6], [sflag:s20] =	dma.local [hbm:s4], s18  }
0xa1: {  	_ =	swait.ge [sflag:s20], s18  }
0xa2: {  	s3 =	ssub.s32 $0x0, s18;
	[sflag:s20] =	ssyncset.done $0x0  }
0xa3: {  	[sflag:s20] =	ssyncadd.s32 s3;
	_ =	sdelay $0x1  }
0xa4: {  	s21 =	simm.s32 $0x1B8B  }
0xa5: {  	_ =	swait.ge [sflag:s21], $0x1  }
0xa6: {  	[sflag:s21] =	ssyncset.done $0x0  }
0xa7: {  	s23 =	simm.s32 $0x1B8E;
	s22 =	sld [smem:$0x3FFE];
	[sflag:s21] =	ssyncadd.s32 $0xFFFFFFFF  }
0xa8: {  	s24 =	simm.s32 $execute0_lowered;
	[smem:$0x3FD2] =	sst s23  }
0xa9: {  	s4 =	sshll.u32 s24, $0x1;
	_ =	strace $0x80000046;
	[dreg:$0x1] =	wrdreg $0xFFFFFFFF  }
0xaa: {  	s25 =	simm.s32 $_size_execute0_lowered;
	s2 =	sadd.s32 s2, s4;
	[dreg:$0x0] =	wrdreg $0x0  }
0xab: {  	s4 =	sshll.u32 s25, $0x1;
	[dreg:$0x2] =	wrdreg s2  }
0xac: {  	[dreg:$0x3] =	wrdreg s4  }
0xad: {  	[dreg:$0x4] =	wrdreg $0xC0  }
0xae: {  	_ =	task [dreg:s6], $0x5FFFF  }
0xaf: {  	[dreg:$0x1] =	wrdreg $0xFFFFFFFF  }
0xb0: {  	[dreg:$0x0] =	wrdreg $0x60  }
0xb1: {  	[dreg:$0x2] =	wrdreg s13  }
0xb2: {  	[dreg:$0x3] =	wrdreg s22  }
0xb3: {  	[dreg:$0x4] =	wrdreg s14  }
0xb4: {  	[dreg:$0x5] =	wrdreg $0x0  }
0xb5: {  	[dreg:$0x6] =	wrdreg $0x9  }
0xb6: {  	_ =	task.clear_ibuf [dreg:s6], $0x7FFFF;
	_ =	strace $0x90000046  }
0xb7: {  	s26 =	simm.s32 $0x9;
	_ =	strace $0x80000048  }
0xb8: {  	_ =	swait.ge [sflag:s26], $0x1  }
0xb9: {  	[sflag:s26] =	ssyncadd.s32 $0xFFFFFFFF  }
0xba: {  	_ =	strace $0x90000048  }
0xbb: {  	_ =	sfence  }
0xbc: {  	s28 =	sld [smem:$0x0];
	_ =	sdelay $0x1  }
0xbd: {  	s29 =	srdreg.scid  }
0xbe: {  	s30 =	sshll.u32 s29, $0xD;
	s31 =	sshrl.u32 s29, $0x2  }
0xbf: {  	s1 =	sand.u32 $0x1, s29;
	s2 =	sand.u32 $0x4000, s30;
	s0 =	sadd.s32 s31, s28  }
0xc0: {  	s1 =	sor.u32 s2, s1;
	s0 =	sshll.u32 s0, $0x11  }
0xc1: {  	s0 =	sor.u32 s0, s1  }
0xc2: {  	s0 =	sadd.s32 $0x8F2B, s0  }
0xc3: {  	[sflag:s0] =	ssyncadd.remote.s32 $0x1  }
0xc4: {  	_ =	sfence.sel $0xFFFF  }
0xc5: {  	[dreg:$0x0] =	wrdreg $0xFFFFFFFF;
	(pc) =	sbr.abs _section_cstart, $3  }
0xc6: {  	[dreg:$0x1] =	wrdreg $0xFFFFFFFF  }
0xc7: {  	_ =	task.clear_ibuf [dreg:s6], $0x2FFFF;
	_ =	strace $0x9FFFFFFF  }
0xc8: {  	(tm) =	ssettm $0x7FFFFFFF  }
0xc9: {  	_ =	shalt  }
tec
execute0_lowered:
.L_overlay_start_1:
0x0: {  	(tag) =	ssettag $0x1  }
0x1: {  	s3 =	rddreg [dreg:$0x0]  }
0x2: {  	s1 =	rddreg [dreg:$0x1]  }
0x3: {  	s2 =	rddreg [dreg:$0x2]  }
0x4: {  	s4 =	rddreg [dreg:$0x3]  }
0x5: {  	s0 =	rddreg [dreg:$0x4]  }
0x6: {  	s5 =	simm.s32 $0x0;
	s8 =	simm.s32 $0x0;
	s9 =	simm.s32 $0x200  }
0x7: {  	[smem:$0x7FF] =	sst s5;
	s5 =	sadd.s32 $0x15800, s1;
	s6 =	sadd.s32 $0xB800, s1  }
0x8: {  	v0 =	vimm.f32 $0.0e+00;
	s7 =	sadd.s32 $0x1800, s1;
	s1 =	stileid.u32;
	_ =	strace $0x80000047  }
.LBB2_1:
0x9: {  	p0 =	sne.s32 s9, $0xFE00;
	[tilespmem:s8+$0x14070] =	vst v0  }
0xa: {  	[tilespmem:s8+$0x14000] =	vst v0  }
0xb: {  	[tilespmem:s8+$0x14010] =	vst v0  }
.Ltmp0:
0xc: {  	[tilespmem:s8+$0x14020] =	vst v0;
	(pc) =	sbr.rel @p0 .LBB2_1-.Ltmp0, $4  }
0xd: {  	[tilespmem:s8+$0x14030] =	vst v0  }
0xe: {  	[tilespmem:s8+$0x14040] =	vst v0  }
0xf: {  	[tilespmem:s8+$0x14050] =	vst v0  }
0x10: {  	[tilespmem:s8+$0x14060] =	vst v0;
	s8 =	sshra.s32 s9, $0x2;
	s9 =	sadd.s32 $0x200, s9  }
0x11: {  	[tilespmem:s8+$0x14070] =	vst v0  }
0x12: {  	[tilespmem:s8+$0x14000] =	vst v0  }
0x13: {  	[tilespmem:s8+$0x14010] =	vst v0  }
0x14: {  	[tilespmem:s8+$0x14020] =	vst v0  }
0x15: {  	[tilespmem:s8+$0x14030] =	vst v0;
	s9 =	smul.u32 $0x50000, s1  }
0x16: {  	[tilespmem:s8+$0x14040] =	vst v0  }
0x17: {  	[tilespmem:s8+$0x14050] =	vst v0;
	s9 =	sshrl.u32 s9, $0x2  }
0x18: {  	[tilespmem:s8+$0x14060] =	vst v0;
	s8 =	sadd.s32 s9, s4;
	s9 =	simm.s32 $0x14000  }
0x19: {  	[spmem:s8] =	stream.linear.scatter [tilespmem:s9], [sflag:$0x3], $0x4000, $0x38;
	[tilespmem:$0x1FC00] =	vst v63  }
0x1a: {  	s10 =	sadd.s32 $0x4000, s8  }
0x1b: {  	[spmem:s10] =	stream.linear.scatter [tilespmem:s9], [sflag:$0x3], $0x4000, $0x38;
	[tilespmem:$0x1FC00] =	vst v63  }
0x1c: {  	s28 =	sadd.s32 $0x8000, s8  }
0x1d: {  	[spmem:s28] =	stream.linear.scatter [tilespmem:s9], [sflag:$0x3], $0x4000, $0x38;
	[tilespmem:$0x1FC00] =	vst v63  }
0x1e: {  	s29 =	sadd.s32 $0xC000, s8  }
0x1f: {  	[spmem:s29] =	stream.linear.scatter [tilespmem:s9], [sflag:$0x3], $0x4000, $0x38;
	[tilespmem:$0x1FC00] =	vst v63  }
0x20: {  	s31 =	simm.s32 $0x3;
	s30 =	sadd.s32 $0x10000, s8  }
0x21: {  	[spmem:s30] =	stream.linear.scatter [tilespmem:s9], [sflag:$0x3], $0x4000, $0x38;
	[tilespmem:$0x1FC00] =	vst v63  }
0x22: {  	_ =	swait.ge [sflag:s31], $0x4000  }
0x23: {  	[sflag:s31] =	ssyncset.done $0x0  }
0x24: {  	[sflag:s31] =	ssyncadd.s32 $0xFFFFC000  }
0x25: {  	_ =	swait.ge [sflag:s31], $0x4000  }
0x26: {  	[sflag:s31] =	ssyncset.done $0x0  }
0x27: {  	[sflag:s31] =	ssyncadd.s32 $0xFFFFC000  }
0x28: {  	_ =	swait.ge [sflag:s31], $0x4000  }
0x29: {  	[sflag:s31] =	ssyncset.done $0x0  }
0x2a: {  	[sflag:s31] =	ssyncadd.s32 $0xFFFFC000  }
0x2b: {  	_ =	swait.ge [sflag:s31], $0x4000  }
0x2c: {  	s11 =	simm.s32 $0x0;
	[sflag:s31] =	ssyncset.done $0x0  }
0x2d: {  	s12 =	simm.s32 $0x1C000;
	s13 =	simm.s32 $0x1D400;
	[sflag:s31] =	ssyncadd.s32 $0xFFFFC000  }
.Ltmp1:
0x2e: {  	s14 =	simm.s32 $0x1E800;
	_ =	swait.ge [sflag:s31], $0x4000;
	(pc) =	sbr.rel .LBB2_3-.Ltmp1, $4  }
0x2f: {  	s15 =	simm.s32 $0x4;
	s16 =	simm.s32 $0x80;
	[sflag:s31] =	ssyncset.done $0x0  }
0x30: {  	s17 =	simm.s32 $0x1C080;
	s18 =	simm.s32 $0x18000;
	[sflag:s31] =	ssyncadd.s32 $0xFFFFC000  }
0x31: {  	s19 =	simm.s32 $0x1;
	s20 =	simm.s32 $0x5;
	[bflag:$0x0] =	sbarrier.arrive $0xFFFF  }
0x32: {  	s21 =	simm.s32 $0x2;
	s22 =	simm.s32 $0x0;
	s10 =	smul.u32 $0xA0, s1  }
.LBB2_10:
0x33: {  	s22 =	sadd.s32 $0x1, s22  }
0x34: {  	p0 =	sne.s32 s22, $0x4  }
.Ltmp2:
0x35: {  	_ = 	snop;
	(pc) =	sbr.rel @!p0 .LBB2_11-.Ltmp2, $1  }
0x36: {  	_ =	sdelay $0x3  }
.LBB2_3:
0x37: {  	s23 =	smul.u32 $0x28, s22;
	_ =	sdelay $0x1  }
0x38: {  	s23 =	sadd.s32 s10, s23  }
0x39: {  	s23 =	sshll.u32 s23, $0x4  }
0x3a: {  	s24 =	sadd.s32 s5, s23  }
0x3b: {  	[tilespmem:s12], [sflag:$0x4] =	stream.linear.gather [hbm4b:s24+s11], $0x1400, $0x38;
	[tilespmem:$0x1FC00] =	vst v63  }
0x3c: {  	s31 =	sadd.s32 s6, s23  }
0x3d: {  	[tilespmem:s13], [sflag:$0x4] =	stream.linear.gather [hbm4b:s31+s11], $0x1400, $0x38;
	[tilespmem:$0x1FC00] =	vst v63  }
0x3e: {  	s23 =	sadd.s32 s7, s23  }
0x3f: {  	[tilespmem:s14], [sflag:$0x4] =	stream.linear.gather [hbm4b:s23+s11], $0x1400, $0x38;
	[tilespmem:$0x1FC00] =	vst v63  }
0x40: {  	_ =	swait.ge [sflag:s15], $0x1400  }
0x41: {  	[sflag:s15] =	ssyncset.done $0x0  }
0x42: {  	[sflag:s15] =	ssyncadd.s32 $0xFFFFEC00  }
0x43: {  	_ =	swait.ge [sflag:s15], $0x1400  }
0x44: {  	[sflag:s15] =	ssyncset.done $0x0  }
0x45: {  	[sflag:s15] =	ssyncadd.s32 $0xFFFFEC00  }
0x46: {  	_ =	swait.ge [sflag:s15], $0x1400  }
0x47: {  	[sflag:s15] =	ssyncset.done $0x0  }
0x48: {  	[sflag:s15] =	ssyncadd.s32 $0xFFFFEC00  }
0x49: {  	[tilespmem:s9], [sflag:$0x1] =	stream.indirect.gather [hbm4b:s3+s16], $0x80, s12, s16, $0xb8;
	[tilespmem:$0x1FC00] =	vst v63  }
0x4a: {  	s23 =	simm.s32 $0x0  }
0x4b: {  	[tilespmem:s18], [sflag:$0x2] =	stream.indirect.gather [hbm4b:s3+s16], $0x80, s17, s16, $0xb8;
	[tilespmem:$0x1FC00] =	vst v63  }
.LBB2_4:
0x4c: {  	s24 =	simm.s32 $0x0  }
0x4d: {  	s25 =	sshll.u32 s23, $0x8;
	s26 =	simm.s32 $0x3;
	v0 =	vmov s24  }
0x4e: {  	v1 =	vmov s25;
	v2 =	vmov s26;
	v0 =	vand.u32 $0x7C, v0  }
0x4f: {  	v2 =	vand.u32 $0x7F, v2;
	v0 =	vor.u32 v1, v0  }
0x50: {  	v2 =	vor.u32 v1, v2;
	v0 =	vbroadcast v0, $0x0  }
0x51: {  	_ =	swait.ge [sflag:s19], $0x4000;
	v2 =	vbroadcast v2, $0x0  }
0x52: {  	[sflag:s19] =	ssyncset.done $0x0  }
0x53: {  	s24 =	simm.s32 $0x14100;
	[sflag:s19] =	ssyncadd.s32 $0xFFFFC000  }
0x54: {  	v5 =	vld [tilespmem:s24+$0xFFFFFF00]  }
0x55: {  	s30 =	simm.s32 $0x1;
	v6 =	vld [tilespmem:s24+$0xFFFFFF10]  }
0x56: {  	v4 =	vmov s30;
	v3 =	vld.idx.msk [tilespmem:v0+s14+$0x0], $0xffff  }
0x57: {  	v0 =	vld.idx.msk [tilespmem:v2+s14+$0x0], $0xffff;
	v2 =	vand.u32 $0x7D, v4  }
0x58: {  	v7 =	vld [tilespmem:s24+$0xFFFFFF20];
	v2 =	vor.u32 v1, v2  }
0x59: {  	v4 =	vld [tilespmem:s24+$0xF0];
	v2 =	vbroadcast v2, $0x0  }
0x5a: {  	v8 =	vld [tilespmem:s24+$0xFFFFFF30]  }
0x5b: {  	v9 =	vld [tilespmem:s24+$0xFFFFFF40]  }
0x5c: {  	v10 =	vld [tilespmem:s24+$0xFFFFFF50];
	v5 =	vmul.f32 v5, v3  }
0x5d: {  	v11 =	vld [tilespmem:s24+$0xFFFFFF60]  }
0x5e: {  	s31 =	simm.s32 $0x2;
	v4 =	vmul.f32 v4, v0;
	[tilespmem:s24+$0xFFFFFF00] =	vst v5;
	v5 =	vld [tilespmem:s24+$0xFFFFFF70]  }
0x5f: {  	v12 =	vmov s31;
	v6 =	vmul.f32 v6, v3;
	v13 =	vld.idx.msk [tilespmem:v2+s14+$0x0], $0xffff  }
0x60: {  	[tilespmem:s24+$0xF0] =	vst v4;
	v4 =	vmul.f32 v7, v3;
	v2 =	vand.u32 $0x7E, v12;
	v12 =	vld [tilespmem:s24+$0xFFFFFF80]  }
0x61: {  	v7 =	vld [tilespmem:s24+$0xFFFFFF90];
	[tilespmem:s24+$0xFFFFFF10] =	vst v6;
	v6 =	vmul.f32 v8, v3;
	v2 =	vor.u32 v1, v2  }
0x62: {  	v8 =	vld [tilespmem:s24+$0xFFFFFFA0];
	[tilespmem:s24+$0xFFFFFF20] =	vst v4;
	v4 =	vmul.f32 v9, v3;
	v2 =	vbroadcast v2, $0x0  }
0x63: {  	v9 =	vld [tilespmem:s24+$0xFFFFFFB0];
	[tilespmem:s24+$0xFFFFFF30] =	vst v6;
	v6 =	vmul.f32 v10, v3  }
0x64: {  	v11 =	vmul.f32 v11, v3;
	v10 =	vld [tilespmem:s24+$0xFFFFFFC0];
	[tilespmem:s24+$0xFFFFFF40] =	vst v4;
	v3 =	vmul.f32 v5, v3  }
0x65: {  	[tilespmem:s24+$0xFFFFFF50] =	vst v6;
	v6 =	vld [tilespmem:s24+$0xFFFFFFE0];
	v4 =	vmul.f32 v12, v13  }
0x66: {  	v12 =	vld [tilespmem:s24+$0xFFFFFFD0];
	[tilespmem:s24+$0xFFFFFF70] =	vst v3  }
0x67: {  	v3 =	vmul.f32 v8, v13;
	[tilespmem:s24+$0xFFFFFF80] =	vst v4;
	v4 =	vmul.f32 v7, v13;
	v7 =	vld [tilespmem:s24+$0x0]  }
0x68: {  	[tilespmem:s24+$0xFFFFFF60] =	vst v11;
	v2 =	vld.idx.msk [tilespmem:v2+s14+$0x0], $0xffff  }
0x69: {  	v5 =	vld [tilespmem:s24+$0xFFFFFFF0];
	[tilespmem:s24+$0xFFFFFFA0] =	vst v3;
	v3 =	vmul.f32 v10, v13  }
0x6a: {  	v8 =	vld [tilespmem:s24+$0x10];
	[tilespmem:s24+$0xFFFFFF90] =	vst v4;
	v4 =	vmul.f32 v9, v13  }
0x6b: {  	s26 =	simm.s32 $0x4;
	v6 =	vmul.f32 v6, v13;
	v9 =	vld [tilespmem:s24+$0x20];
	[tilespmem:s24+$0xFFFFFFC0] =	vst v3  }
0x6c: {  	v11 =	vmov s26;
	v10 =	vld [tilespmem:s24+$0x30];
	[tilespmem:s24+$0xFFFFFFB0] =	vst v4;
	v4 =	vmul.f32 v12, v13  }
0x6d: {  	v11 =	vand.u32 $0x7C, v11;
	v3 =	vld [tilespmem:s24+$0x40];
	[tilespmem:s24+$0xFFFFFFE0] =	vst v6;
	v7 =	vmul.f32 v7, v2  }
0x6e: {  	s30 =	simm.s32 $0x5;
	s31 =	simm.s32 $0x6;
	v6 =	vor.u32 v1, v11;
	v12 =	vmul.f32 v5, v13;
	[tilespmem:s24+$0xFFFFFFD0] =	vst v4;
	v4 =	vld [tilespmem:s24+$0x50]  }
0x6f: {  	v13 =	vmov s30;
	v5 =	vld [tilespmem:s24+$0x60];
	v8 =	vmul.f32 v8, v2;
	[tilespmem:s24+$0x0] =	vst v7;
	v7 =	vmov s31  }
0x70: {  	s29 =	simm.s32 $0x7;
	[tilespmem:s24+$0xFFFFFFF0] =	vst v12;
	v12 =	vand.u32 $0x7D, v13;
	v9 =	vmul.f32 v9, v2;
	v11 =	vand.u32 $0x7E, v7;
	v7 =	vld [tilespmem:s24+$0x70]  }
0x71: {  	s28 =	simm.s32 $0x8;
	s25 =	sshll.u32 s23, $0x1;
	s26 =	simm.s32 $0x14100;
	v6 =	vbroadcast v6, $0x0;
	v10 =	vmul.f32 v10, v2;
	v12 =	vor.u32 v1, v12;
	[tilespmem:s24+$0x10] =	vst v8;
	v8 =	vld [tilespmem:s24+$0x80]  }
.LBB2_5:
0x72: {  	p0 =	slt.u32 s28, $0x7C;
	v11 =	vor.u32 v1, v11;
	v13 =	vmov s29;
	[tilespmem:s24+$0x20] =	vst v9;
	v3 =	vmul.f32 v3, v2;
	v9 =	vld [tilespmem:s24+$0x90]  }
0x73: {  	v12 =	vbroadcast v12, $0x0;
	v13 =	vand.u32 $0x7F, v13;
	[tilespmem:s24+$0x30] =	vst v10;
	v4 =	vmul.f32 v4, v2;
	v10 =	vld [tilespmem:s24+$0xA0]  }
0x74: {  	v11 =	vbroadcast v11, $0x0;
	v13 =	vor.u32 v1, v13;
	[tilespmem:s24+$0x40] =	vst v3;
	v3 =	vmul.f32 v5, v2;
	v5 =	vld [tilespmem:s24+$0xB0]  }
0x75: {  	v13 =	vbroadcast v13, $0x0;
	[tilespmem:s24+$0x50] =	vst v4;
	v2 =	vmul.f32 v7, v2;
	v4 =	vld [tilespmem:s24+$0xC0]  }
0x76: {  	[tilespmem:s24+$0x60] =	vst v3;
	v3 =	vmul.f32 v8, v0;
	v7 =	vld [tilespmem:s24+$0xD0]  }
0x77: {  	[tilespmem:s24+$0x70] =	vst v2;
	v2 =	vmul.f32 v9, v0;
	v8 =	vld [tilespmem:s24+$0xE0]  }
0x78: {  	v6 =	vld.idx.msk [tilespmem:v6+s14+$0x0], $0xffff;
	[tilespmem:s24+$0x80] =	vst v3;
	v3 =	vmul.f32 v10, v0  }
0x79: {  	v9 =	vld.idx.msk [tilespmem:v12+s14+$0x0], $0xffff;
	[tilespmem:s24+$0x90] =	vst v2;
	v5 =	vmul.f32 v5, v0  }
0x7a: {  	v2 =	vld.idx.msk [tilespmem:v11+s14+$0x0], $0xffff;
	[tilespmem:s24+$0xA0] =	vst v3;
	v3 =	vmul.f32 v4, v0  }
0x7b: {  	s24 =	sadd.s32 $0x200, s24;
	v4 =	vld.idx.msk [tilespmem:v13+s14+$0x0], $0xffff;
	[tilespmem:s26+$0xB0] =	vst v5;
	v5 =	vmul.f32 v7, v0  }
0x7c: {  	v7 =	vld [tilespmem:s24+$0xF0];
	[tilespmem:s26+$0xC0] =	vst v3;
	v0 =	vmul.f32 v8, v0  }
0x7d: {  	v3 =	vld [tilespmem:s24+$0xFFFFFF00];
	[tilespmem:s26+$0xD0] =	vst v5  }
0x7e: {  	v5 =	vld [tilespmem:s24+$0xFFFFFF10];
	[tilespmem:s26+$0xE0] =	vst v0;
	s26 =	smov.u32 s24  }
0x7f: {  	v8 =	vld [tilespmem:s24+$0xFFFFFF20]  }
0x80: {  	v10 =	vld [tilespmem:s24+$0xFFFFFF30]  }
0x81: {  	v0 =	vmov v4;
	v11 =	vld [tilespmem:s24+$0xFFFFFF40];
	v7 =	vmul.f32 v7, v4  }
0x82: {  	v3 =	vmul.f32 v3, v6;
	v4 =	vld [tilespmem:s24+$0xFFFFFF50]  }
0x83: {  	v5 =	vmul.f32 v5, v6;
	v12 =	vld [tilespmem:s24+$0xFFFFFF60];
	[tilespmem:s24+$0xF0] =	vst v7  }
0x84: {  	[tilespmem:s24+$0xFFFFFF00] =	vst v3;
	v3 =	vmul.f32 v8, v6;
	v7 =	vld [tilespmem:s24+$0xFFFFFF70]  }
0x85: {  	[tilespmem:s24+$0xFFFFFF10] =	vst v5;
	v5 =	vmul.f32 v10, v6;
	v8 =	vld [tilespmem:s24+$0xFFFFFF80]  }
0x86: {  	[tilespmem:s24+$0xFFFFFF20] =	vst v3;
	v3 =	vmul.f32 v11, v6;
	v10 =	vld [tilespmem:s24+$0xFFFFFF90]  }
0x87: {  	[tilespmem:s24+$0xFFFFFF30] =	vst v5;
	v4 =	vmul.f32 v4, v6;
	v5 =	vld [tilespmem:s24+$0xFFFFFFA0]  }
0x88: {  	[tilespmem:s24+$0xFFFFFF40] =	vst v3;
	v3 =	vmul.f32 v12, v6;
	v11 =	vld [tilespmem:s24+$0xFFFFFFB0]  }
0x89: {  	[tilespmem:s24+$0xFFFFFF50] =	vst v4;
	v4 =	vmul.f32 v7, v6;
	v6 =	vld [tilespmem:s24+$0xFFFFFFC0]  }
0x8a: {  	[tilespmem:s24+$0xFFFFFF60] =	vst v3;
	v3 =	vmul.f32 v8, v9;
	v7 =	vld [tilespmem:s24+$0xFFFFFFD0]  }
0x8b: {  	[tilespmem:s24+$0xFFFFFF70] =	vst v4;
	v4 =	vmul.f32 v10, v9;
	v8 =	vld [tilespmem:s24+$0xFFFFFFE0]  }
0x8c: {  	[tilespmem:s24+$0xFFFFFF80] =	vst v3;
	v3 =	vmul.f32 v5, v9;
	v5 =	vld [tilespmem:s24+$0xFFFFFFF0]  }
0x8d: {  	[tilespmem:s24+$0xFFFFFF90] =	vst v4;
	v4 =	vmul.f32 v11, v9;
	v10 =	vld [tilespmem:s24+$0x0]  }
0x8e: {  	[tilespmem:s24+$0xFFFFFFA0] =	vst v3;
	v3 =	vmul.f32 v6, v9;
	v6 =	vld [tilespmem:s24+$0x10]  }
0x8f: {  	[tilespmem:s24+$0xFFFFFFB0] =	vst v4;
	v4 =	vmul.f32 v7, v9;
	v7 =	vld [tilespmem:s24+$0x20]  }
0x90: {  	[tilespmem:s24+$0xFFFFFFC0] =	vst v3;
	v8 =	vmul.f32 v8, v9;
	v13 =	vld [tilespmem:s24+$0x30]  }
.Ltmp3:
0x91: {  	s29 =	sadd.s32 $0x1, s28;
	v11 =	vmov s28;
	[tilespmem:s24+$0xFFFFFFD0] =	vst v4;
	v5 =	vmul.f32 v5, v9;
	v3 =	vld [tilespmem:s24+$0x40];
	(pc) =	sbr.rel @p0 .LBB2_5-.Ltmp3, $4  }
0x92: {  	v9 =	vand.u32 $0x7C, v11;
	v11 =	vmov s29;
	s29 =	sadd.s32 $0x2, s28;
	[tilespmem:s24+$0xFFFFFFE0] =	vst v8;
	v8 =	vmul.f32 v10, v2;
	v4 =	vld [tilespmem:s24+$0x50]  }
0x93: {  	v10 =	vor.u32 v1, v9;
	v9 =	vmov s29;
	[tilespmem:s24+$0xFFFFFFF0] =	vst v5;
	v14 =	vmul.f32 v6, v2;
	v5 =	vld [tilespmem:s24+$0x60]  }
0x94: {  	v12 =	vand.u32 $0x7D, v11;
	v11 =	vand.u32 $0x7E, v9;
	[tilespmem:s24+$0x0] =	vst v8;
	v9 =	vmul.f32 v7, v2;
	v7 =	vld [tilespmem:s24+$0x70]  }
0x95: {  	s29 =	sadd.s32 $0x3, s28;
	s28 =	sadd.s32 $0x4, s28;
	v6 =	vbroadcast v10, $0x0;
	v12 =	vor.u32 v1, v12;
	[tilespmem:s24+$0x10] =	vst v14;
	v10 =	vmul.f32 v13, v2;
	v8 =	vld [tilespmem:s24+$0x80]  }
0x96: {  	v14 =	vld [tilespmem:s24+$0x90]  }
0x97: {  	v15 =	vld [tilespmem:s24+$0xA0]  }
0x98: {  	v13 =	vmov s29;
	v11 =	vor.u32 v1, v11;
	v16 =	vld [tilespmem:s24+$0xC0]  }
0x99: {  	v12 =	vbroadcast v12, $0x0;
	[tilespmem:s24+$0x20] =	vst v9;
	v3 =	vmul.f32 v3, v2;
	v9 =	vld [tilespmem:s24+$0xD0];
	v13 =	vand.u32 $0x7F, v13  }
0x9a: {  	v11 =	vbroadcast v11, $0x0;
	[tilespmem:s24+$0x30] =	vst v10;
	v4 =	vmul.f32 v4, v2;
	v10 =	vld [tilespmem:s24+$0xE0];
	v1 =	vor.u32 v1, v13  }
0x9b: {  	v13 =	vld [tilespmem:s24+$0xB0];
	[tilespmem:s24+$0x40] =	vst v3;
	v3 =	vmul.f32 v5, v2;
	v1 =	vbroadcast v1, $0x0  }
0x9c: {  	s28 =	sadd.s32 $0x200, s24;
	v5 =	vld.idx.msk [tilespmem:v6+s14+$0x0], $0xffff;
	[tilespmem:s24+$0x50] =	vst v4;
	v2 =	vmul.f32 v7, v2  }
0x9d: {  	v7 =	vld [tilespmem:s28+$0xF0];
	[tilespmem:s24+$0x60] =	vst v3;
	v3 =	vmul.f32 v8, v0  }
0x9e: {  	v8 =	vld [tilespmem:s28+$0xFFFFFF00];
	[tilespmem:s24+$0x70] =	vst v2;
	v2 =	vmul.f32 v14, v0  }
0x9f: {  	v4 =	vld.idx.msk [tilespmem:v12+s14+$0x0], $0xffff;
	[tilespmem:s24+$0x80] =	vst v3;
	v3 =	vmul.f32 v15, v0  }
0xa0: {  	v6 =	vld.idx.msk [tilespmem:v11+s14+$0x0], $0xffff;
	[tilespmem:s24+$0x90] =	vst v2;
	v2 =	vmul.f32 v13, v0  }
0xa1: {  	[tilespmem:s24+$0xA0] =	vst v3;
	v3 =	vmul.f32 v16, v0;
	v1 =	vld.idx.msk [tilespmem:v1+s14+$0x0], $0xffff  }
0xa2: {  	v11 =	vld [tilespmem:s28+$0xFFFFFF10];
	[tilespmem:s26+$0xB0] =	vst v2;
	v2 =	vmul.f32 v9, v0  }
0xa3: {  	v9 =	vld [tilespmem:s28+$0xFFFFFF20];
	v0 =	vmul.f32 v10, v0;
	[tilespmem:s26+$0xC0] =	vst v3  }
0xa4: {  	v3 =	vld [tilespmem:s28+$0xFFFFFF30];
	[tilespmem:s26+$0xD0] =	vst v2  }
0xa5: {  	v2 =	vld [tilespmem:s28+$0xFFFFFF40];
	[tilespmem:s26+$0xE0] =	vst v0;
	v0 =	vmul.f32 v8, v5  }
0xa6: {  	v8 =	vld [tilespmem:s28+$0xFFFFFF50];
	v7 =	vmul.f32 v7, v1  }
0xa7: {  	v10 =	vmul.f32 v11, v5;
	v11 =	vld [tilespmem:s28+$0xFFFFFF60];
	[tilespmem:s28+$0xFFFFFF00] =	vst v0  }
0xa8: {  	v0 =	vmul.f32 v9, v5;
	[tilespmem:s28+$0xF0] =	vst v7;
	v7 =	vld [tilespmem:s28+$0xFFFFFF70]  }
0xa9: {  	[tilespmem:s28+$0xFFFFFF10] =	vst v10;
	v9 =	vld [tilespmem:s28+$0xFFFFFF80];
	v3 =	vmul.f32 v3, v5  }
0xaa: {  	[tilespmem:s28+$0xFFFFFF20] =	vst v0;
	v0 =	vmul.f32 v2, v5;
	v2 =	vld [tilespmem:s28+$0xFFFFFF90]  }
0xab: {  	[tilespmem:s28+$0xFFFFFF30] =	vst v3;
	v3 =	vmul.f32 v8, v5;
	v8 =	vld [tilespmem:s28+$0xFFFFFFA0]  }
0xac: {  	v10 =	vld [tilespmem:s28+$0xFFFFFFB0];
	[tilespmem:s28+$0xFFFFFF40] =	vst v0;
	v0 =	vmul.f32 v11, v5  }
0xad: {  	[tilespmem:s28+$0xFFFFFF50] =	vst v3;
	v3 =	vmul.f32 v7, v5;
	v5 =	vld [tilespmem:s28+$0xFFFFFFC0]  }
0xae: {  	[tilespmem:s28+$0xFFFFFF60] =	vst v0;
	v0 =	vmul.f32 v9, v4;
	v7 =	vld [tilespmem:s28+$0xFFFFFFD0]  }
0xaf: {  	v2 =	vmul.f32 v2, v4;
	[tilespmem:s28+$0xFFFFFF70] =	vst v3;
	v3 =	vld [tilespmem:s28+$0xFFFFFFE0]  }
0xb0: {  	[tilespmem:s28+$0xFFFFFF80] =	vst v0;
	v0 =	vmul.f32 v8, v4;
	v8 =	vld [tilespmem:s28+$0xFFFFFFF0]  }
0xb1: {  	v9 =	vld [tilespmem:s28+$0x0];
	[tilespmem:s28+$0xFFFFFF90] =	vst v2;
	v2 =	vmul.f32 v10, v4  }
0xb2: {  	[tilespmem:s28+$0xFFFFFFA0] =	vst v0;
	v0 =	vmul.f32 v5, v4;
	v5 =	vld [tilespmem:s28+$0x10]  }
0xb3: {  	[tilespmem:s28+$0xFFFFFFB0] =	vst v2;
	v2 =	vmul.f32 v7, v4;
	v7 =	vld [tilespmem:s28+$0x20]  }
0xb4: {  	[tilespmem:s28+$0xFFFFFFC0] =	vst v0;
	v0 =	vmul.f32 v3, v4;
	v3 =	vld [tilespmem:s28+$0x30]  }
0xb5: {  	[tilespmem:s28+$0xFFFFFFD0] =	vst v2;
	v2 =	vmul.f32 v8, v4;
	v4 =	vld [tilespmem:s28+$0x40]  }
0xb6: {  	v8 =	vld [tilespmem:s28+$0x50];
	[tilespmem:s28+$0xFFFFFFE0] =	vst v0;
	v0 =	vmul.f32 v9, v6  }
0xb7: {  	[tilespmem:s28+$0xFFFFFFF0] =	vst v2;
	v2 =	vmul.f32 v5, v6;
	v5 =	vld [tilespmem:s28+$0x60]  }
0xb8: {  	[tilespmem:s28+$0x0] =	vst v0;
	v0 =	vmul.f32 v7, v6;
	v7 =	vld [tilespmem:s28+$0x70]  }
0xb9: {  	[tilespmem:s28+$0x10] =	vst v2;
	v2 =	vmul.f32 v3, v6;
	v3 =	vld [tilespmem:s28+$0x80]  }
0xba: {  	[tilespmem:s28+$0x20] =	vst v0;
	v0 =	vmul.f32 v4, v6;
	v4 =	vld [tilespmem:s28+$0x90]  }
0xbb: {  	[tilespmem:s28+$0x30] =	vst v2;
	v2 =	vmul.f32 v8, v6;
	v8 =	vld [tilespmem:s28+$0xA0]  }
0xbc: {  	[tilespmem:s28+$0x40] =	vst v0;
	v0 =	vmul.f32 v5, v6;
	v5 =	vld [tilespmem:s28+$0xB0]  }
0xbd: {  	[tilespmem:s28+$0x50] =	vst v2;
	v2 =	vmul.f32 v7, v6;
	v6 =	vld [tilespmem:s28+$0xC0]  }
0xbe: {  	[tilespmem:s28+$0x60] =	vst v0;
	v0 =	vmul.f32 v3, v1;
	v3 =	vld [tilespmem:s28+$0xD0]  }
0xbf: {  	[tilespmem:s28+$0x70] =	vst v2;
	v2 =	vmul.f32 v4, v1;
	v4 =	vld [tilespmem:s28+$0xE0]  }
0xc0: {  	[tilespmem:s28+$0x80] =	vst v0;
	v0 =	vmul.f32 v8, v1  }
0xc1: {  	[tilespmem:s28+$0x90] =	vst v2;
	v2 =	vmul.f32 v5, v1  }
0xc2: {  	[tilespmem:s28+$0xA0] =	vst v0;
	v0 =	vmul.f32 v6, v1  }
0xc3: {  	[tilespmem:s28+$0xB0] =	vst v2;
	v2 =	vmul.f32 v3, v1  }
0xc4: {  	s26 =	sshll.u32 s23, $0xA;
	[tilespmem:s28+$0xC0] =	vst v0;
	v0 =	vmul.f32 v4, v1  }
0xc5: {  	s25 =	sor.u32 $0x1, s25;
	s24 =	sshrl.u32 s26, $0x2;
	[tilespmem:s28+$0xD0] =	vst v2  }
0xc6: {  	p0 =	seq.s32 s23, $0x13;
	s25 =	sshll.u32 s25, $0x7;
	[tilespmem:s28+$0xE0] =	vst v0;
	s28 =	sadd.s32 $0x1D400, s24  }
0xc7: {  	[spmem:s4] =	stream.indirect.scatter.add.f32 [tilespmem:s9], [sflag:$0x5], $0x80, s28, s16, $0xb8;
	[tilespmem:$0x1FC00] =	vst v63  }
0xc8: {  	s29 =	simm.s32 @!p0 $0x14000;
	s28 =	simm.s32 $0x0;
	_ =	swait.ge [sflag:s20], $0x4000  }
0xc9: {  	s26 =	sshrl.u32 @!p0 s26, $0x2;
	v1 =	vmov s28;
	s28 =	simm.s32 $0x3;
	[sflag:s20] =	ssyncset.done $0x0  }
0xca: {  	s26 =	sadd.s32 @!p0 $0x1C100, s26;
	v0 =	vmov s25;
	v1 =	vand.u32 $0x7C, v1;
	v2 =	vmov s28;
	s28 =	simm.s32 @!p0 $0x80;
	[sflag:s20] =	ssyncadd.s32 $0xFFFFC000  }
0xcb: {  	v1 =	vor.u32 v0, v1;
	v2 =	vand.u32 $0x7F, v2;
	[tilespmem:s29], [sflag:$0x1] =	stream.indirect.gather @!p0 [hbm4b:s3+s28], $0x80, s26, s28, $0xb8;
	[tilespmem:$0x1FC00] =	vst v63  }
0xcc: {  	v1 =	vbroadcast v1, $0x0;
	v2 =	vor.u32 v0, v2;
	_ =	swait.ge [sflag:s21], $0x4000  }
0xcd: {  	v2 =	vbroadcast v2, $0x0;
	[sflag:s21] =	ssyncset.done $0x0  }
0xce: {  	s26 =	simm.s32 $0x18100;
	[sflag:s21] =	ssyncadd.s32 $0xFFFFC000  }
0xcf: {  	v5 =	vld [tilespmem:s26+$0xFFFFFF00]  }
0xd0: {  	v6 =	vld [tilespmem:s26+$0xFFFFFF10]  }
0xd1: {  	s28 =	simm.s32 $0x1;
	v7 =	vld [tilespmem:s26+$0xFFFFFF20]  }
0xd2: {  	v4 =	vmov s28;
	v3 =	vld.idx.msk [tilespmem:v1+s14+$0x0], $0xffff  }
0xd3: {  	v1 =	vld.idx.msk [tilespmem:v2+s14+$0x0], $0xffff;
	v2 =	vand.u32 $0x7D, v4  }
0xd4: {  	v8 =	vld [tilespmem:s26+$0xFFFFFF30];
	v2 =	vor.u32 v0, v2  }
0xd5: {  	v11 =	vld [tilespmem:s26+$0xFFFFFF60];
	v2 =	vbroadcast v2, $0x0  }
0xd6: {  	v4 =	vld [tilespmem:s26+$0xF0]  }
0xd7: {  	v9 =	vld [tilespmem:s26+$0xFFFFFF40];
	v5 =	vmul.f32 v5, v3  }
0xd8: {  	v10 =	vld [tilespmem:s26+$0xFFFFFF50];
	v6 =	vmul.f32 v6, v3  }
0xd9: {  	[tilespmem:s26+$0xFFFFFF00] =	vst v5;
	v5 =	vld [tilespmem:s26+$0xFFFFFF70]  }
0xda: {  	s28 =	simm.s32 $0x2;
	v11 =	vmul.f32 v11, v3;
	[tilespmem:s26+$0xFFFFFF10] =	vst v6;
	v6 =	vmul.f32 v8, v3;
	v8 =	vld [tilespmem:s26+$0xFFFFFFA0]  }
0xdb: {  	v12 =	vmov s28;
	v4 =	vmul.f32 v4, v1;
	v13 =	vld.idx.msk [tilespmem:v2+s14+$0x0], $0xffff  }
0xdc: {  	[tilespmem:s26+$0xFFFFFF60] =	vst v11;
	v2 =	vand.u32 $0x7E, v12;
	v12 =	vld [tilespmem:s26+$0xFFFFFF80]  }
0xdd: {  	[tilespmem:s26+$0xF0] =	vst v4;
	v4 =	vmul.f32 v7, v3;
	v7 =	vld [tilespmem:s26+$0xFFFFFF90];
	v2 =	vor.u32 v0, v2  }
0xde: {  	[tilespmem:s26+$0xFFFFFF30] =	vst v6;
	v6 =	vmul.f32 v10, v3;
	v10 =	vld [tilespmem:s26+$0xFFFFFFC0];
	v2 =	vbroadcast v2, $0x0  }
0xdf: {  	[tilespmem:s26+$0xFFFFFF20] =	vst v4;
	v4 =	vmul.f32 v9, v3;
	v9 =	vld [tilespmem:s26+$0xFFFFFFB0]  }
0xe0: {  	[tilespmem:s26+$0xFFFFFF50] =	vst v6;
	v6 =	vld [tilespmem:s26+$0xFFFFFFE0];
	v3 =	vmul.f32 v5, v3  }
0xe1: {  	[tilespmem:s26+$0xFFFFFF40] =	vst v4;
	v5 =	vld [tilespmem:s26+$0xFFFFFFF0];
	v4 =	vmul.f32 v12, v13  }
0xe2: {  	v12 =	vld [tilespmem:s26+$0xFFFFFFD0];
	[tilespmem:s26+$0xFFFFFF70] =	vst v3;
	v3 =	vmul.f32 v8, v13  }
0xe3: {  	[tilespmem:s26+$0xFFFFFF80] =	vst v4;
	v4 =	vmul.f32 v7, v13;
	v7 =	vld [tilespmem:s26+$0x0]  }
0xe4: {  	[tilespmem:s26+$0xFFFFFFA0] =	vst v3;
	v3 =	vmul.f32 v10, v13;
	v2 =	vld.idx.msk [tilespmem:v2+s14+$0x0], $0xffff  }
0xe5: {  	v8 =	vld [tilespmem:s26+$0x10];
	[tilespmem:s26+$0xFFFFFF90] =	vst v4;
	v4 =	vmul.f32 v9, v13  }
0xe6: {  	s28 =	simm.s32 $0x4;
	v6 =	vmul.f32 v6, v13;
	v9 =	vld [tilespmem:s26+$0x20];
	[tilespmem:s26+$0xFFFFFFC0] =	vst v3  }
0xe7: {  	v11 =	vmov s28;
	v10 =	vld [tilespmem:s26+$0x30];
	[tilespmem:s26+$0xFFFFFFB0] =	vst v4;
	v4 =	vmul.f32 v12, v13  }
0xe8: {  	v11 =	vand.u32 $0x7C, v11;
	v3 =	vld [tilespmem:s26+$0x40];
	[tilespmem:s26+$0xFFFFFFE0] =	vst v6;
	v12 =	vmul.f32 v5, v13  }
0xe9: {  	s28 =	simm.s32 $0x5;
	v6 =	vor.u32 v0, v11;
	[tilespmem:s26+$0xFFFFFFD0] =	vst v4;
	v7 =	vmul.f32 v7, v2;
	v4 =	vld [tilespmem:s26+$0x50]  }
0xea: {  	v6 =	vbroadcast v6, $0x0;
	v13 =	vmov s28;
	s28 =	simm.s32 $0x6;
	v5 =	vld [tilespmem:s26+$0x60];
	v8 =	vmul.f32 v8, v2;
	[tilespmem:s26+$0xFFFFFFF0] =	vst v12  }
0xeb: {  	v11 =	vmov s28;
	v12 =	vand.u32 $0x7D, v13;
	v9 =	vmul.f32 v9, v2;
	[tilespmem:s26+$0x0] =	vst v7;
	v7 =	vld [tilespmem:s26+$0x70]  }
0xec: {  	s30 =	simm.s32 $0x7;
	s29 =	simm.s32 $0x8;
	s28 =	simm.s32 $0x18100;
	v11 =	vand.u32 $0x7E, v11;
	v10 =	vmul.f32 v10, v2;
	v12 =	vor.u32 v0, v12;
	[tilespmem:s26+$0x10] =	vst v8;
	v8 =	vld [tilespmem:s26+$0x80]  }
.LBB2_7:
0xed: {  	p1 =	slt.u32 s29, $0x7C;
	v11 =	vor.u32 v0, v11;
	v13 =	vmov s30;
	[tilespmem:s26+$0x20] =	vst v9;
	v3 =	vmul.f32 v3, v2;
	v9 =	vld [tilespmem:s26+$0x90]  }
0xee: {  	v12 =	vbroadcast v12, $0x0;
	v13 =	vand.u32 $0x7F, v13;
	[tilespmem:s26+$0x30] =	vst v10;
	v4 =	vmul.f32 v4, v2;
	v10 =	vld [tilespmem:s26+$0xA0]  }
0xef: {  	v11 =	vbroadcast v11, $0x0;
	v13 =	vor.u32 v0, v13;
	[tilespmem:s26+$0x40] =	vst v3;
	v3 =	vmul.f32 v5, v2;
	v5 =	vld [tilespmem:s26+$0xB0]  }
0xf0: {  	v13 =	vbroadcast v13, $0x0;
	[tilespmem:s26+$0x50] =	vst v4;
	v2 =	vmul.f32 v7, v2;
	v4 =	vld [tilespmem:s26+$0xC0]  }
0xf1: {  	[tilespmem:s26+$0x60] =	vst v3;
	v3 =	vmul.f32 v8, v1;
	v7 =	vld [tilespmem:s26+$0xD0]  }
0xf2: {  	[tilespmem:s26+$0x70] =	vst v2;
	v2 =	vmul.f32 v9, v1;
	v8 =	vld [tilespmem:s26+$0xE0]  }
0xf3: {  	v6 =	vld.idx.msk [tilespmem:v6+s14+$0x0], $0xffff;
	[tilespmem:s26+$0x80] =	vst v3;
	v3 =	vmul.f32 v10, v1  }
0xf4: {  	v9 =	vld.idx.msk [tilespmem:v12+s14+$0x0], $0xffff;
	[tilespmem:s26+$0x90] =	vst v2;
	v5 =	vmul.f32 v5, v1  }
0xf5: {  	v2 =	vld.idx.msk [tilespmem:v11+s14+$0x0], $0xffff;
	[tilespmem:s26+$0xA0] =	vst v3;
	v3 =	vmul.f32 v4, v1  }
0xf6: {  	s26 =	sadd.s32 $0x200, s26;
	v4 =	vld.idx.msk [tilespmem:v13+s14+$0x0], $0xffff;
	[tilespmem:s28+$0xB0] =	vst v5;
	v5 =	vmul.f32 v7, v1  }
0xf7: {  	v7 =	vld [tilespmem:s26+$0xF0];
	[tilespmem:s28+$0xC0] =	vst v3;
	v1 =	vmul.f32 v8, v1  }
0xf8: {  	v3 =	vld [tilespmem:s26+$0xFFFFFF00];
	[tilespmem:s28+$0xD0] =	vst v5  }
0xf9: {  	v5 =	vld [tilespmem:s26+$0xFFFFFF10];
	[tilespmem:s28+$0xE0] =	vst v1;
	s28 =	smov.u32 s26  }
0xfa: {  	v8 =	vld [tilespmem:s26+$0xFFFFFF20]  }
0xfb: {  	v10 =	vld [tilespmem:s26+$0xFFFFFF30]  }
0xfc: {  	v1 =	vmov v4;
	v11 =	vld [tilespmem:s26+$0xFFFFFF40];
	v7 =	vmul.f32 v7, v4  }
0xfd: {  	v3 =	vmul.f32 v3, v6;
	v4 =	vld [tilespmem:s26+$0xFFFFFF50]  }
0xfe: {  	v5 =	vmul.f32 v5, v6;
	v12 =	vld [tilespmem:s26+$0xFFFFFF60];
	[tilespmem:s26+$0xF0] =	vst v7  }
0xff: {  	[tilespmem:s26+$0xFFFFFF00] =	vst v3;
	v3 =	vmul.f32 v8, v6;
	v7 =	vld [tilespmem:s26+$0xFFFFFF70]  }
0x100: {  	[tilespmem:s26+$0xFFFFFF10] =	vst v5;
	v5 =	vmul.f32 v10, v6;
	v8 =	vld [tilespmem:s26+$0xFFFFFF80]  }
0x101: {  	[tilespmem:s26+$0xFFFFFF20] =	vst v3;
	v3 =	vmul.f32 v11, v6;
	v10 =	vld [tilespmem:s26+$0xFFFFFF90]  }
0x102: {  	[tilespmem:s26+$0xFFFFFF30] =	vst v5;
	v4 =	vmul.f32 v4, v6;
	v5 =	vld [tilespmem:s26+$0xFFFFFFA0]  }
0x103: {  	[tilespmem:s26+$0xFFFFFF40] =	vst v3;
	v3 =	vmul.f32 v12, v6;
	v11 =	vld [tilespmem:s26+$0xFFFFFFB0]  }
0x104: {  	[tilespmem:s26+$0xFFFFFF50] =	vst v4;
	v4 =	vmul.f32 v7, v6;
	v6 =	vld [tilespmem:s26+$0xFFFFFFC0]  }
0x105: {  	[tilespmem:s26+$0xFFFFFF60] =	vst v3;
	v3 =	vmul.f32 v8, v9;
	v7 =	vld [tilespmem:s26+$0xFFFFFFD0]  }
0x106: {  	[tilespmem:s26+$0xFFFFFF70] =	vst v4;
	v4 =	vmul.f32 v10, v9;
	v8 =	vld [tilespmem:s26+$0xFFFFFFE0]  }
0x107: {  	[tilespmem:s26+$0xFFFFFF80] =	vst v3;
	v3 =	vmul.f32 v5, v9;
	v5 =	vld [tilespmem:s26+$0xFFFFFFF0]  }
0x108: {  	[tilespmem:s26+$0xFFFFFF90] =	vst v4;
	v4 =	vmul.f32 v11, v9;
	v10 =	vld [tilespmem:s26+$0x0]  }
0x109: {  	[tilespmem:s26+$0xFFFFFFA0] =	vst v3;
	v3 =	vmul.f32 v6, v9;
	v6 =	vld [tilespmem:s26+$0x10]  }
0x10a: {  	[tilespmem:s26+$0xFFFFFFB0] =	vst v4;
	v4 =	vmul.f32 v7, v9;
	v7 =	vld [tilespmem:s26+$0x20]  }
0x10b: {  	[tilespmem:s26+$0xFFFFFFC0] =	vst v3;
	v8 =	vmul.f32 v8, v9;
	v13 =	vld [tilespmem:s26+$0x30]  }
.Ltmp4:
0x10c: {  	s30 =	sadd.s32 $0x1, s29;
	v11 =	vmov s29;
	[tilespmem:s26+$0xFFFFFFD0] =	vst v4;
	v5 =	vmul.f32 v5, v9;
	v3 =	vld [tilespmem:s26+$0x40];
	(pc) =	sbr.rel @p1 .LBB2_7-.Ltmp4, $4  }
0x10d: {  	v9 =	vand.u32 $0x7C, v11;
	v11 =	vmov s30;
	s30 =	sadd.s32 $0x2, s29;
	[tilespmem:s26+$0xFFFFFFE0] =	vst v8;
	v8 =	vmul.f32 v10, v2;
	v4 =	vld [tilespmem:s26+$0x50]  }
0x10e: {  	v10 =	vor.u32 v0, v9;
	v9 =	vmov s30;
	[tilespmem:s26+$0xFFFFFFF0] =	vst v5;
	v14 =	vmul.f32 v6, v2;
	v5 =	vld [tilespmem:s26+$0x60]  }
0x10f: {  	v12 =	vand.u32 $0x7D, v11;
	v11 =	vand.u32 $0x7E, v9;
	[tilespmem:s26+$0x0] =	vst v8;
	v9 =	vmul.f32 v7, v2;
	v7 =	vld [tilespmem:s26+$0x70]  }
0x110: {  	s30 =	sadd.s32 $0x3, s29;
	s29 =	sadd.s32 $0x4, s29;
	v6 =	vbroadcast v10, $0x0;
	v12 =	vor.u32 v0, v12;
	[tilespmem:s26+$0x10] =	vst v14;
	v10 =	vmul.f32 v13, v2;
	v8 =	vld [tilespmem:s26+$0x80]  }
0x111: {  	v14 =	vld [tilespmem:s26+$0x90]  }
0x112: {  	v15 =	vld [tilespmem:s26+$0xA0]  }
0x113: {  	v42 =	vld [tilespmem:s26+$0xB0]  }
0x114: {  	v16 =	vld [tilespmem:s26+$0xC0]  }
0x115: {  	[tilespmem:s26+$0x20] =	vst v9;
	v3 =	vmul.f32 v3, v2;
	v43 =	vld [tilespmem:s26+$0xD0]  }
0x116: {  	v44 =	vld [tilespmem:s26+$0xE0];
	[tilespmem:s26+$0x30] =	vst v10;
	v4 =	vmul.f32 v4, v2  }
0x117: {  	s29 =	sadd.s32 $0x200, s26;
	v46 =	vld.idx.msk [tilespmem:v6+s14+$0x0], $0xffff;
	[tilespmem:s26+$0x40] =	vst v3;
	v45 =	vmul.f32 v5, v2  }
0x118: {  	v52 =	vld [tilespmem:s29+$0xF0];
	[tilespmem:s26+$0x50] =	vst v4;
	v47 =	vmul.f32 v7, v2  }
0x119: {  	v54 =	vld [tilespmem:s29+$0xFFFFFF00];
	[tilespmem:s26+$0x60] =	vst v45;
	v49 =	vmul.f32 v8, v1  }
0x11a: {  	v56 =	vld [tilespmem:s29+$0xFFFFFF10];
	[tilespmem:s26+$0x70] =	vst v47;
	v50 =	vmul.f32 v14, v1  }
0x11b: {  	v12 =	vbroadcast v12, $0x0;
	v58 =	vld [tilespmem:s29+$0xFFFFFF20];
	v51 =	vmul.f32 v15, v1;
	[tilespmem:s26+$0x80] =	vst v49  }
0x11c: {  	v60 =	vld [tilespmem:s29+$0xFFFFFF30];
	v53 =	vmul.f32 v42, v1;
	[tilespmem:s26+$0x90] =	vst v50  }
0x11d: {  	v61 =	vld [tilespmem:s29+$0xFFFFFF40];
	v55 =	vmul.f32 v16, v1;
	[tilespmem:s26+$0xA0] =	vst v51  }
0x11e: {  	v13 =	vmov s30;
	v63 =	vld [tilespmem:s29+$0xFFFFFF50];
	v57 =	vmul.f32 v43, v1;
	[tilespmem:s28+$0xB0] =	vst v53  }
0x11f: {  	v13 =	vand.u32 $0x7F, v13;
	v18 =	vld [tilespmem:s29+$0xFFFFFF90];
	v59 =	vmul.f32 v44, v1;
	[tilespmem:s28+$0xC0] =	vst v55  }
0x120: {  	v41 =	vor.u32 v0, v13;
	v13 =	vld [tilespmem:s29+$0xFFFFFF60];
	v62 =	vmul.f32 v54, v46;
	[tilespmem:s28+$0xD0] =	vst v57  }
0x121: {  	v48 =	vld.idx.msk [tilespmem:v12+s14+$0x0], $0xffff;
	v12 =	vmul.f32 v56, v46;
	[tilespmem:s28+$0xE0] =	vst v59  }
0x122: {  	v15 =	vld [tilespmem:s29+$0xFFFFFF70];
	v14 =	vmul.f32 v58, v46;
	[tilespmem:s29+$0xFFFFFF00] =	vst v62  }
0x123: {  	v16 =	vld [tilespmem:s29+$0xFFFFFF80];
	v3 =	vmul.f32 v60, v46;
	[tilespmem:s29+$0xFFFFFF10] =	vst v12  }
0x124: {  	v11 =	vor.u32 v0, v11;
	v20 =	vld [tilespmem:s29+$0xFFFFFFA0];
	v17 =	vmul.f32 v61, v46;
	[tilespmem:s29+$0xFFFFFF20] =	vst v14  }
0x125: {  	v11 =	vbroadcast v11, $0x0;
	v22 =	vld [tilespmem:s29+$0xFFFFFFB0];
	v19 =	vmul.f32 v63, v46;
	[tilespmem:s29+$0xFFFFFF30] =	vst v3  }
0x126: {  	v24 =	vld [tilespmem:s29+$0xFFFFFFC0];
	v21 =	vmul.f32 v13, v46;
	[tilespmem:s29+$0xFFFFFF40] =	vst v17  }
0x127: {  	v26 =	vld [tilespmem:s29+$0xFFFFFFD0];
	[tilespmem:s29+$0xFFFFFF50] =	vst v19;
	v23 =	vmul.f32 v15, v46  }
0x128: {  	v27 =	vld [tilespmem:s29+$0xFFFFFFE0];
	[tilespmem:s29+$0xFFFFFF60] =	vst v21;
	v25 =	vmul.f32 v16, v48  }
0x129: {  	v29 =	vld [tilespmem:s29+$0xFFFFFFF0];
	v2 =	vmul.f32 v18, v48;
	[tilespmem:s29+$0xFFFFFF70] =	vst v23  }
0x12a: {  	v31 =	vld [tilespmem:s29+$0x0];
	v28 =	vmul.f32 v20, v48;
	[tilespmem:s29+$0xFFFFFF80] =	vst v25  }
0x12b: {  	v6 =	vld.idx.msk [tilespmem:v11+s14+$0x0], $0xffff;
	v30 =	vmul.f32 v22, v48;
	[tilespmem:s29+$0xFFFFFF90] =	vst v2  }
0x12c: {  	v33 =	vld [tilespmem:s29+$0x10];
	v0 =	vbroadcast v41, $0x0;
	v32 =	vmul.f32 v24, v48;
	[tilespmem:s29+$0xFFFFFFA0] =	vst v28  }
0x12d: {  	v35 =	vld [tilespmem:s29+$0x20];
	v34 =	vmul.f32 v26, v48;
	[tilespmem:s29+$0xFFFFFFB0] =	vst v30  }
0x12e: {  	v37 =	vld [tilespmem:s29+$0x30];
	v36 =	vmul.f32 v27, v48;
	[tilespmem:s29+$0xFFFFFFC0] =	vst v32  }
0x12f: {  	v39 =	vld [tilespmem:s29+$0x40];
	v38 =	vmul.f32 v29, v48;
	[tilespmem:s29+$0xFFFFFFD0] =	vst v34  }
0x130: {  	v41 =	vld [tilespmem:s29+$0x50];
	v40 =	vmul.f32 v31, v6;
	[tilespmem:s29+$0xFFFFFFE0] =	vst v36  }
0x131: {  	v45 =	vld [tilespmem:s29+$0x70];
	v42 =	vmul.f32 v33, v6;
	[tilespmem:s29+$0xFFFFFFF0] =	vst v38  }
0x132: {  	v0 =	vld.idx.msk [tilespmem:v0+s14+$0x0], $0xffff;
	v44 =	vmul.f32 v35, v6;
	[tilespmem:s29+$0x0] =	vst v40  }
0x133: {  	v43 =	vld [tilespmem:s29+$0x60];
	v46 =	vmul.f32 v37, v6;
	[tilespmem:s29+$0x10] =	vst v42  }
0x134: {  	v47 =	vld [tilespmem:s29+$0x80];
	v48 =	vmul.f32 v39, v6;
	[tilespmem:s29+$0x20] =	vst v44  }
0x135: {  	v49 =	vld [tilespmem:s29+$0x90];
	v50 =	vmul.f32 v41, v6;
	[tilespmem:s29+$0x30] =	vst v46  }
0x136: {  	v51 =	vld [tilespmem:s29+$0xA0];
	v54 =	vmul.f32 v45, v6;
	[tilespmem:s29+$0x40] =	vst v48  }
0x137: {  	v53 =	vld [tilespmem:s29+$0xB0];
	v7 =	vmul.f32 v52, v0;
	[tilespmem:s29+$0x50] =	vst v50  }
0x138: {  	v55 =	vld [tilespmem:s29+$0xC0];
	v52 =	vmul.f32 v43, v6;
	[tilespmem:s29+$0x70] =	vst v54  }
0x139: {  	v57 =	vld [tilespmem:s29+$0xD0];
	v56 =	vmul.f32 v47, v0;
	[tilespmem:s29+$0xF0] =	vst v7  }
0x13a: {  	v59 =	vld [tilespmem:s29+$0xE0];
	v58 =	vmul.f32 v49, v0;
	[tilespmem:s29+$0x60] =	vst v52  }
0x13b: {  	v60 =	vmul.f32 v51, v0;
	[tilespmem:s29+$0x80] =	vst v56  }
0x13c: {  	v61 =	vmul.f32 v53, v0;
	[tilespmem:s29+$0x90] =	vst v58  }
0x13d: {  	v62 =	vmul.f32 v55, v0;
	[tilespmem:s29+$0xA0] =	vst v60  }
0x13e: {  	v63 =	vmul.f32 v57, v0;
	[tilespmem:s29+$0xB0] =	vst v61  }
0x13f: {  	v0 =	vmul.f32 v59, v0;
	[tilespmem:s29+$0xC0] =	vst v62  }
0x140: {  	s25 =	sand.u32 $0x3FFFFF80, s25;
	[tilespmem:s29+$0xD0] =	vst v63  }
.Ltmp5:
0x141: {  	s25 =	sadd.s32 $0x1D400, s25;
	[tilespmem:s29+$0xE0] =	vst v0;
	(pc) =	sbr.rel @p0 .LBB2_10-.Ltmp5, $4  }
0x142: {  	[spmem:s4] =	stream.indirect.scatter.add.f32 [tilespmem:s18], [sflag:$0x5], $0x80, s25, s16, $0xb8;
	[tilespmem:$0x1FC00] =	vst v63  }
0x143: {  	_ =	swait.ge [sflag:s20], $0x4000  }
0x144: {  	[sflag:s20] =	ssyncset.done $0x0  }
0x145: {  	[sflag:s20] =	ssyncadd.s32 $0xFFFFC000  }
.Ltmp6:
0x146: {  	(pc) =	sbr.rel .LBB2_4-.Ltmp6, $3  }
0x147: {  	_ =	sdelay $0x1  }
0x148: {  	s24 =	sadd.s32 $0x1C180, s24;
	s23 =	sadd.s32 $0x1, s23  }
0x149: {  	[tilespmem:s18], [sflag:$0x2] =	stream.indirect.gather [hbm4b:s3+s16], $0x80, s24, s16, $0xb8;
	[tilespmem:$0x1FC00] =	vst v63  }
.LBB2_11:
0x14a: {  	s3 =	smul.u32 $0x2800, s1  }
0x14b: {  	s30 =	sshll.u32 s1, $0x6;
	[bflag:$0x0] =	sbarrier.arrive $0xFFFF;
	s4 =	sshrl.u32 s8, $0x3  }
0x14c: {  	s31 =	simm.s32 $0x3;
	s2 =	sadd.s32 s2, s3;
	s3 =	sor.u32 $0x1C03, s30  }
0x14d: {  	[hbm:s2], [sflag:s3] =	dma.local [spmem:s4], $0x2800  }
0x14e: {  	_ =	swait.ge [sflag:s31], $0x2800  }
0x14f: {  	[sflag:s31] =	ssyncset.done $0x0  }
0x150: {  	[sflag:s31] =	ssyncadd.s32 $0xFFFFD800  }
0x151: {  	_ =	sfence.sel $0x180000  }
0x152: {  	[bflag:$0x0] =	sbarrier.arrive $0xFFFF  }
0x153: {  	p0 =	sne.s32 s1, $0x0;
	_ =	strace $0x90000047  }
0x154: {  	s0 =	sadd.s32 @!p0 $0x100000, s0;
	[bflag:$0x2] =	sbarrier.arrive $0xFFFF  }
0x155: {  	[sflag:s0] =	ssyncadd.tile.s32 @!p0 $0x1;
	_ =	shalt  }
.Lfunc_end2:
_tile_overlayer_lowered:
.L_overlay_start_2:
0x156: {  	(tag) =	ssettag $0x2  }
0x157: {  	s0 =	rddreg [dreg:$0x0];
	s2 =	stileid.u32  }
0x158: {  	s1 =	rddreg [dreg:$0x1];
	p0 =	sne.s32 s2, $0x0  }
0x159: {  	s3 =	rddreg [dreg:$0x2];
	[bflag:$0x3] =	sbarrier.arrive $0xFFFF;
	s2 =	simm.s32 @!p0 $0x1C05  }
0x15a: {  	[timem:s3], [sflag:s2] =	dma.local @!p0 [hbm:s0], s1  }
0x15b: {  	s0 =	simm.s32 @!p0 $0x5  }
0x15c: {  	_ =	swait.ge @!p0 [sflag:s0], s1  }
0x15d: {  	s1 =	ssub.s32 @!p0 $0x0, s1;
	[sflag:s0] =	ssyncset.done @!p0 $0x0  }
0x15e: {  	[sflag:s0] =	ssyncadd.s32 @!p0 s1  }
0x15f: {  	[bflag:$0x3] =	sbarrier.arrive $0xFFFF  }
0x160: {  	_ =	shalt  }

// kernel: kernel.8.cloned.1.call-start
scs
__scs_entry_jumppad:
0x0: {  	(pc) =	sbr.rel $0x88, $3  }
0x1: {  	(tag) =	ssettag $0x0;
	lr =	simm.s32 $0x1  }
0x2: {  	[smem:$0x3F9E] =	sst lr;
	_ =	strace $0xD0000000  }
0x3: {  	_ = 	snop  }
0x4: {  	_ = 	snop  }
0x5: {  	_ = 	snop  }
0x6: {  	_ = 	snop  }
0x7: {  	_ = 	snop  }
__scs_overlays_trampoline_lowered:
0x8: {  	[smem:$0x3FAD] =	sst s0  }
0x9: {  	[smem:$0x3FAE] =	sst s1  }
0xa: {  	[smem:$0x3FAF] =	sst s2  }
0xb: {  	[smem:$0x3FB0] =	sst s3  }
0xc: {  	[smem:$0x3FB1] =	sst s4  }
0xd: {  	[smem:$0x3FB2] =	sst s5  }
0xe: {  	[smem:$0x3FB3] =	sst s6  }
0xf: {  	[smem:$0x3FB4] =	sst s7  }
0x10: {  	[smem:$0x3FB5] =	sst s8  }
0x11: {  	[smem:$0x3FB6] =	sst s9;
	s0 =	simm.s32 @!p0 $0x0  }
0x12: {  	s1 =	sld [smem:$0x3F9C];
	s0 =	simm.s32 @p0 $0x1  }
0x13: {  	[smem:$0x3FB7] =	sst s0;
	s0 =	simm.s32 @!p1 $0x0  }
0x14: {  	s2 =	sld [smem:$0x3F9B];
	s0 =	simm.s32 @p1 $0x1  }
0x15: {  	[smem:$0x3FB8] =	sst s0;
	s0 =	simm.s32 @!p2 $0x0  }
0x16: {  	s3 =	sld [smem:$0x3FDB];
	s0 =	simm.s32 @p2 $0x1  }
0x17: {  	s4 =	simm.s32 $0x1BF5;
	[smem:$0x3FBA] =	sst s0  }
0x18: {  	s0 =	sld [smem:$0x3F9D];
	_ =	swait.ge [sflag:s4], $0x0  }
0x19: {  	s7 =	sld [smem:$0x3F9E]  }
0x1a: {  	s8 =	sadd.s32 $0xFFFFE003, lr  }
0x1b: {  	s9 =	sadd.s32 $0xFFFFFEF7, lr;
	s5 =	simm.s32 $0xFFFFFFFF;
	p2 =	slt.u32 s8, $0xFFFFF086  }
0x1c: {  	p1 =	slt.u32 s9, $0xF7A;
	s5 =	simm.s32 @!p2 $0x0  }
0x1d: {  	s5 =	simm.s32 @p1 $0x1;
	p0 =	seq.s32 s7, s2  }
0x1e: {  	s7 =	smul.u32 @!p0 $0xF7A, s2;
	p2 =	seq.s32 @!p0 s5, $0x0  }
0x1f: {  	s9 =	smul.u32 $0xF7A, s1;
	s8 =	simm.s32 @!p0 $0x1BF5;
	p2 =	por !p2, p0  }
0x20: {  	[sflag:s8] =	ssyncset.s32 @!p0 $0xFFFFF086;
	s6 =	sadd.s32 @!p0 s3, s7;
	s7 =	simm.s32 @!p0 $0x108  }
0x21: {  	s3 =	sadd.s32 s3, s9;
	s6 =	sadd.s32 @!p0 $0x88, s6;
	s7 =	simm.s32 @p2 $0x1082  }
0x22: {  	[simem:s7], [sflag:s8] =	dma.local @!p0 [hbm:s6], $0xF7A  }
0x23: {  	s9 =	sor.u32 $0xD0000000, s2;
	s6 =	simm.s32 $0x108;
	_ =	swait.ge @!p0 [sflag:s8], $0x0  }
0x24: {  	s3 =	sadd.s32 $0x88, s3;
	s6 =	simm.s32 @!p1 $0x1082;
	[sflag:s4] =	ssyncset.s32 $0xFFFFF086  }
0x25: {  	[simem:s6], [sflag:s4] =	dma.local [hbm:s3], $0xF7A  }
0x26: {  	[smem:$0x3F9E] =	sst s1;
	(tag) =	ssettag s2;
	_ =	strace s9  }
0x27: {  	s1 =	sld [smem:$0x3FAE]  }
0x28: {  	s2 =	sld [smem:$0x3FAF]  }
0x29: {  	s4 =	sld [smem:$0x3FB1]  }
0x2a: {  	p0 =	seq.s32 s5, $0x0;
	s5 =	sld [smem:$0x3FB2]  }
0x2b: {  	s6 =	sld [smem:$0x3FB3]  }
0x2c: {  	s7 =	sld [smem:$0x3FB4]  }
0x2d: {  	s3 =	simm.s32 $0x108;
	s8 =	sld [smem:$0x3FB5]  }
0x2e: {  	s3 =	simm.s32 @!p0 $0x1082;
	s9 =	sld [smem:$0x3FB6]  }
0x2f: {  	lr =	sadd.s32 s0, s3;
	s0 =	sld [smem:$0x3FAD]  }
0x30: {  	s3 =	sld [smem:$0x3FB0]  }
0x31: {  	[smem:$0x3FB9] =	sst s10  }
0x32: {  	s10 =	sld [smem:$0x3FB7];
	_ =	sdelay $0x3  }
0x33: {  	p0 =	seq.s32 s10, $0x1;
	s10 =	sld [smem:$0x3FB9];
	_ =	sdelay $0x3  }
0x34: {  	[smem:$0x3FB9] =	sst s10  }
0x35: {  	s10 =	sld [smem:$0x3FB8];
	_ =	sdelay $0x3  }
0x36: {  	p1 =	seq.s32 s10, $0x1;
	s10 =	sld [smem:$0x3FB9];
	_ =	sdelay $0x3  }
0x37: {  	[smem:$0x3FB9] =	sst s10  }
0x38: {  	s10 =	sld [smem:$0x3FBA]  }
0x39: {  	_ = 	snop;
	(pc) =	sbr.ind lr, $3  }
0x3a: {  	_ = 	snop  }
0x3b: {  	_ = 	snop  }
0x3c: {  	p2 =	seq.s32 s10, $0x1;
	s10 =	sld [smem:$0x3FB9]  }
0x3d: {  	_ =	shalt  }
0x3e: {  	_ =	shalt  }
0x3f: {  	_ =	shalt  }
0x40: {  	_ =	shalt  }
0x41: {  	_ =	shalt  }
0x42: {  	_ =	shalt  }
0x43: {  	_ =	shalt  }
0x44: {  	_ =	shalt  }
0x45: {  	_ =	shalt  }
0x46: {  	_ =	shalt  }
0x47: {  	_ =	shalt  }
0x48: {  	_ =	shalt  }
0x49: {  	_ =	shalt  }
0x4a: {  	_ =	shalt  }
0x4b: {  	_ =	shalt  }
0x4c: {  	_ =	shalt  }
0x4d: {  	_ =	shalt  }
0x4e: {  	_ =	shalt  }
0x4f: {  	_ =	shalt  }
0x50: {  	_ =	shalt  }
0x51: {  	_ =	shalt  }
0x52: {  	_ =	shalt  }
0x53: {  	_ =	shalt  }
0x54: {  	_ =	shalt  }
0x55: {  	_ =	shalt  }
0x56: {  	_ =	shalt  }
0x57: {  	_ =	shalt  }
0x58: {  	_ =	shalt  }
0x59: {  	_ =	shalt  }
0x5a: {  	_ =	shalt  }
0x5b: {  	_ =	shalt  }
0x5c: {  	_ =	shalt  }
0x5d: {  	_ =	shalt  }
0x5e: {  	_ =	shalt  }
0x5f: {  	_ =	shalt  }
0x60: {  	_ =	shalt  }
0x61: {  	_ =	shalt  }
0x62: {  	_ =	shalt  }
0x63: {  	_ =	shalt  }
0x64: {  	_ =	shalt  }
0x65: {  	_ =	shalt  }
0x66: {  	_ =	shalt  }
0x67: {  	_ =	shalt  }
0x68: {  	_ =	shalt  }
0x69: {  	_ =	shalt  }
0x6a: {  	_ =	shalt  }
0x6b: {  	_ =	shalt  }
0x6c: {  	_ =	shalt  }
0x6d: {  	_ =	shalt  }
0x6e: {  	_ =	shalt  }
0x6f: {  	_ =	shalt  }
0x70: {  	_ =	shalt  }
0x71: {  	_ =	shalt  }
0x72: {  	_ =	shalt  }
0x73: {  	_ =	shalt  }
0x74: {  	_ =	shalt  }
0x75: {  	_ =	shalt  }
0x76: {  	_ =	shalt  }
0x77: {  	_ =	shalt  }
0x78: {  	_ =	shalt  }
0x79: {  	_ =	shalt  }
0x7a: {  	_ =	shalt  }
0x7b: {  	_ =	shalt  }
0x7c: {  	_ =	shalt  }
0x7d: {  	_ =	shalt  }
0x7e: {  	_ =	shalt  }
0x7f: {  	_ =	shalt  }
0x80: {  	_ =	shalt  }
0x81: {  	_ =	shalt  }
0x82: {  	_ =	shalt  }
0x83: {  	_ =	shalt  }
0x84: {  	_ =	shalt  }
0x85: {  	_ =	shalt  }
0x86: {  	_ =	shalt  }
0x87: {  	_ =	shalt  }
.Lfunc_end0:
.L_simem_size_0:
called_computation.1_lowered:
.L_overlay_start_0:
0x88: {  	s0 =	sld [smem:$0x3FD9]  }
0x89: {  	s1 =	sld [smem:$0x3FFE];
	_ =	sdelay $0x3  }
0x8a: {  	s0 =	sadd.s32 s1, s0  }
0x8b: {  	[smem:$0x3FC5] =	sst s0  }
0x8c: {  	_ = 	snop  }
0x8d: {  	s0 =	sld [smem:$0x3FD0];
	_ =	sdelay $0x2  }
0x8e: {  	s13 =	simm.s32 $0xA;
	s2 =	simm.s32 $0x10  }
0x8f: {  	[smem:s2], [sflag:s13] =	dma.local [hbm:s0], $0x1  }
0x90: {  	_ =	swait.eq [sflag:s13], $0x1  }
0x91: {  	[sflag:s13] =	ssyncset.done $0x0  }
0x92: {  	s14 =	sld [smem:$0x10];
	[sflag:s13] =	ssyncadd.s32 $0xFFFFFFFF  }
0x93: {  	s15 =	sld [smem:$0x11];
	(tm) =	ssettm $0x1  }
0x94: {  	s16 =	sld [smem:$0x3FFB];
	_ =	sdelay $0x3  }
0x95: {  	_ =	strace s16  }
0x96: {  	s2 =	sld [smem:$0x3FFC];
	_ =	sdelay $0x3  }
0x97: {  	_ =	strace s2  }
0x98: {  	s2 =	sld [smem:$0x3FFD];
	_ =	sdelay $0x3  }
0x99: {  	_ =	strace s2  }
0x9a: {  	_ =	strace $0x8FFFFFFF  }
0x9b: {  	s17 =	sld [smem:$0x3FDB];
	_ =	sdelay $0x1  }
0x9c: {  	s3 =	simm.s32 $_scs_section_size  }
0x9d: {  	s4 =	simm.s32 $_size__tile_overlayer_lowered;
	s5 =	simm.s32 $_tile_overlayer_lowered  }
0x9e: {  	s20 =	simm.s32 $0x1BFF;
	s19 =	sshll.u32 s5, $0x1;
	s2 =	sadd.s32 s3, s17  }
0x9f: {  	s6 =	simm.s32 $0x0;
	s18 =	sshll.u32 s4, $0x1;
	s4 =	sadd.s32 s19, s2  }
0xa0: {  	[timem:s6], [sflag:s20] =	dma.local [hbm:s4], s18  }
0xa1: {  	_ =	swait.ge [sflag:s20], s18  }
0xa2: {  	s3 =	ssub.s32 $0x0, s18;
	[sflag:s20] =	ssyncset.done $0x0  }
0xa3: {  	[sflag:s20] =	ssyncadd.s32 s3;
	_ =	sdelay $0x1  }
0xa4: {  	s21 =	simm.s32 $0x1B8B  }
0xa5: {  	_ =	swait.ge [sflag:s21], $0x1  }
0xa6: {  	[sflag:s21] =	ssyncset.done $0x0  }
0xa7: {  	s23 =	simm.s32 $0x1B8E;
	s22 =	sld [smem:$0x3FFE];
	[sflag:s21] =	ssyncadd.s32 $0xFFFFFFFF  }
0xa8: {  	s24 =	simm.s32 $execute0_lowered;
	[smem:$0x3FD2] =	sst s23  }
0xa9: {  	s4 =	sshll.u32 s24, $0x1;
	_ =	strace $0x80000049;
	[dreg:$0x1] =	wrdreg $0xFFFFFFFF  }
0xaa: {  	s25 =	simm.s32 $_size_execute0_lowered;
	s2 =	sadd.s32 s2, s4;
	[dreg:$0x0] =	wrdreg $0x0  }
0xab: {  	s4 =	sshll.u32 s25, $0x1;
	[dreg:$0x2] =	wrdreg s2  }
0xac: {  	[dreg:$0x3] =	wrdreg s4  }
0xad: {  	[dreg:$0x4] =	wrdreg $0xC0  }
0xae: {  	_ =	task [dreg:s6], $0x5FFFF  }
0xaf: {  	[dreg:$0x1] =	wrdreg $0xFFFFFFFF  }
0xb0: {  	[dreg:$0x0] =	wrdreg $0x60  }
0xb1: {  	[dreg:$0x2] =	wrdreg s14  }
0xb2: {  	[dreg:$0x3] =	wrdreg s22  }
0xb3: {  	[dreg:$0x4] =	wrdreg s15  }
0xb4: {  	[dreg:$0x5] =	wrdreg $0x0  }
0xb5: {  	[dreg:$0x6] =	wrdreg $0x9  }
0xb6: {  	_ =	task.clear_ibuf [dreg:s6], $0x7FFFF;
	_ =	strace $0x90000049  }
0xb7: {  	s26 =	simm.s32 $0x9;
	_ =	strace $0x8000004B  }
0xb8: {  	_ =	swait.ge [sflag:s26], $0x1  }
0xb9: {  	[sflag:s26] =	ssyncadd.s32 $0xFFFFFFFF  }
0xba: {  	_ =	strace $0x9000004B  }
0xbb: {  	_ =	sfence  }
0xbc: {  	s28 =	sld [smem:$0x0];
	_ =	sdelay $0x1  }
0xbd: {  	s29 =	srdreg.scid  }
0xbe: {  	s30 =	sshll.u32 s29, $0xD;
	s31 =	sshrl.u32 s29, $0x2  }
0xbf: {  	s1 =	sand.u32 $0x1, s29;
	s2 =	sand.u32 $0x4000, s30;
	s0 =	sadd.s32 s31, s28  }
0xc0: {  	s1 =	sor.u32 s2, s1;
	s0 =	sshll.u32 s0, $0x11  }
0xc1: {  	s0 =	sor.u32 s0, s1  }
0xc2: {  	s0 =	sadd.s32 $0x8F2B, s0  }
0xc3: {  	[sflag:s0] =	ssyncadd.remote.s32 $0x1  }
0xc4: {  	_ =	sfence.sel $0xFFFF  }
0xc5: {  	[dreg:$0x0] =	wrdreg $0xFFFFFFFF;
	(pc) =	sbr.abs _section_cstart, $3  }
0xc6: {  	[dreg:$0x1] =	wrdreg $0xFFFFFFFF  }
0xc7: {  	_ =	task.clear_ibuf [dreg:s6], $0x2FFFF;
	_ =	strace $0x9FFFFFFF  }
0xc8: {  	(tm) =	ssettm $0x7FFFFFFF  }
0xc9: {  	_ =	shalt  }
tec
execute0_lowered:
.L_overlay_start_1:
0x0: {  	(tag) =	ssettag $0x1  }
0x1: {  	s3 =	rddreg [dreg:$0x0]  }
0x2: {  	s1 =	rddreg [dreg:$0x1]  }
0x3: {  	s2 =	rddreg [dreg:$0x2]  }
0x4: {  	s4 =	rddreg [dreg:$0x3]  }
0x5: {  	s0 =	rddreg [dreg:$0x4]  }
0x6: {  	s5 =	simm.s32 $0x0;
	s8 =	simm.s32 $0x0;
	s9 =	simm.s32 $0x200  }
0x7: {  	[smem:$0x7FF] =	sst s5;
	s5 =	sadd.s32 $0x15800, s1;
	s6 =	sadd.s32 $0xB800, s1  }
0x8: {  	v0 =	vimm.f32 $0.0e+00;
	s7 =	sadd.s32 $0x1800, s1;
	s1 =	stileid.u32;
	_ =	strace $0x8000004A  }
.LBB2_1:
0x9: {  	p0 =	sne.s32 s9, $0xFE00;
	[tilespmem:s8+$0x14070] =	vst v0  }
0xa: {  	[tilespmem:s8+$0x14000] =	vst v0  }
0xb: {  	[tilespmem:s8+$0x14010] =	vst v0  }
.Ltmp0:
0xc: {  	[tilespmem:s8+$0x14020] =	vst v0;
	(pc) =	sbr.rel @p0 .LBB2_1-.Ltmp0, $4  }
0xd: {  	[tilespmem:s8+$0x14030] =	vst v0  }
0xe: {  	[tilespmem:s8+$0x14040] =	vst v0  }
0xf: {  	[tilespmem:s8+$0x14050] =	vst v0  }
0x10: {  	[tilespmem:s8+$0x14060] =	vst v0;
	s8 =	sshra.s32 s9, $0x2;
	s9 =	sadd.s32 $0x200, s9  }
0x11: {  	[tilespmem:s8+$0x14070] =	vst v0  }
0x12: {  	[tilespmem:s8+$0x14000] =	vst v0  }
0x13: {  	[tilespmem:s8+$0x14010] =	vst v0  }
0x14: {  	[tilespmem:s8+$0x14020] =	vst v0  }
0x15: {  	[tilespmem:s8+$0x14030] =	vst v0;
	s9 =	smul.u32 $0x50000, s1  }
0x16: {  	[tilespmem:s8+$0x14040] =	vst v0  }
0x17: {  	[tilespmem:s8+$0x14050] =	vst v0;
	s9 =	sshrl.u32 s9, $0x2  }
0x18: {  	[tilespmem:s8+$0x14060] =	vst v0;
	s8 =	sadd.s32 s9, s4;
	s9 =	simm.s32 $0x14000  }
0x19: {  	[spmem:s8] =	stream.linear.scatter [tilespmem:s9], [sflag:$0x3], $0x4000, $0x38;
	[tilespmem:$0x1FC00] =	vst v63  }
0x1a: {  	s10 =	sadd.s32 $0x4000, s8  }
0x1b: {  	[spmem:s10] =	stream.linear.scatter [tilespmem:s9], [sflag:$0x3], $0x4000, $0x38;
	[tilespmem:$0x1FC00] =	vst v63  }
0x1c: {  	s28 =	sadd.s32 $0x8000, s8  }
0x1d: {  	[spmem:s28] =	stream.linear.scatter [tilespmem:s9], [sflag:$0x3], $0x4000, $0x38;
	[tilespmem:$0x1FC00] =	vst v63  }
0x1e: {  	s29 =	sadd.s32 $0xC000, s8  }
0x1f: {  	[spmem:s29] =	stream.linear.scatter [tilespmem:s9], [sflag:$0x3], $0x4000, $0x38;
	[tilespmem:$0x1FC00] =	vst v63  }
0x20: {  	s31 =	simm.s32 $0x3;
	s30 =	sadd.s32 $0x10000, s8  }
0x21: {  	[spmem:s30] =	stream.linear.scatter [tilespmem:s9], [sflag:$0x3], $0x4000, $0x38;
	[tilespmem:$0x1FC00] =	vst v63  }
0x22: {  	_ =	swait.ge [sflag:s31], $0x4000  }
0x23: {  	[sflag:s31] =	ssyncset.done $0x0  }
0x24: {  	[sflag:s31] =	ssyncadd.s32 $0xFFFFC000  }
0x25: {  	_ =	swait.ge [sflag:s31], $0x4000  }
0x26: {  	[sflag:s31] =	ssyncset.done $0x0  }
0x27: {  	[sflag:s31] =	ssyncadd.s32 $0xFFFFC000  }
0x28: {  	_ =	swait.ge [sflag:s31], $0x4000  }
0x29: {  	[sflag:s31] =	ssyncset.done $0x0  }
0x2a: {  	[sflag:s31] =	ssyncadd.s32 $0xFFFFC000  }
0x2b: {  	_ =	swait.ge [sflag:s31], $0x4000  }
0x2c: {  	s11 =	simm.s32 $0x0;
	[sflag:s31] =	ssyncset.done $0x0  }
0x2d: {  	s12 =	simm.s32 $0x1C000;
	s13 =	simm.s32 $0x1D400;
	[sflag:s31] =	ssyncadd.s32 $0xFFFFC000  }
.Ltmp1:
0x2e: {  	s14 =	simm.s32 $0x1E800;
	_ =	swait.ge [sflag:s31], $0x4000;
	(pc) =	sbr.rel .LBB2_3-.Ltmp1, $4  }
0x2f: {  	s15 =	simm.s32 $0x4;
	s16 =	simm.s32 $0x80;
	[sflag:s31] =	ssyncset.done $0x0  }
0x30: {  	s17 =	simm.s32 $0x1C080;
	s18 =	simm.s32 $0x18000;
	[sflag:s31] =	ssyncadd.s32 $0xFFFFC000  }
0x31: {  	s19 =	simm.s32 $0x1;
	s20 =	simm.s32 $0x5;
	[bflag:$0x0] =	sbarrier.arrive $0xFFFF  }
0x32: {  	s21 =	simm.s32 $0x2;
	s22 =	simm.s32 $0x0;
	s10 =	smul.u32 $0xA0, s1  }
.LBB2_10:
0x33: {  	s22 =	sadd.s32 $0x1, s22  }
0x34: {  	p0 =	sne.s32 s22, $0x4  }
.Ltmp2:
0x35: {  	_ = 	snop;
	(pc) =	sbr.rel @!p0 .LBB2_11-.Ltmp2, $1  }
0x36: {  	_ =	sdelay $0x3  }
.LBB2_3:
0x37: {  	s23 =	smul.u32 $0x28, s22;
	_ =	sdelay $0x1  }
0x38: {  	s23 =	sadd.s32 s10, s23  }
0x39: {  	s23 =	sshll.u32 s23, $0x4  }
0x3a: {  	s24 =	sadd.s32 s5, s23  }
0x3b: {  	[tilespmem:s12], [sflag:$0x4] =	stream.linear.gather [hbm4b:s24+s11], $0x1400, $0x38;
	[tilespmem:$0x1FC00] =	vst v63  }
0x3c: {  	s31 =	sadd.s32 s6, s23  }
0x3d: {  	[tilespmem:s13], [sflag:$0x4] =	stream.linear.gather [hbm4b:s31+s11], $0x1400, $0x38;
	[tilespmem:$0x1FC00] =	vst v63  }
0x3e: {  	s23 =	sadd.s32 s7, s23  }
0x3f: {  	[tilespmem:s14], [sflag:$0x4] =	stream.linear.gather [hbm4b:s23+s11], $0x1400, $0x38;
	[tilespmem:$0x1FC00] =	vst v63  }
0x40: {  	_ =	swait.ge [sflag:s15], $0x1400  }
0x41: {  	[sflag:s15] =	ssyncset.done $0x0  }
0x42: {  	[sflag:s15] =	ssyncadd.s32 $0xFFFFEC00  }
0x43: {  	_ =	swait.ge [sflag:s15], $0x1400  }
0x44: {  	[sflag:s15] =	ssyncset.done $0x0  }
0x45: {  	[sflag:s15] =	ssyncadd.s32 $0xFFFFEC00  }
0x46: {  	_ =	swait.ge [sflag:s15], $0x1400  }
0x47: {  	[sflag:s15] =	ssyncset.done $0x0  }
0x48: {  	[sflag:s15] =	ssyncadd.s32 $0xFFFFEC00  }
0x49: {  	[tilespmem:s9], [sflag:$0x1] =	stream.indirect.gather [hbm4b:s3+s16], $0x80, s12, s16, $0xb8;
	[tilespmem:$0x1FC00] =	vst v63  }
0x4a: {  	s23 =	simm.s32 $0x0  }
0x4b: {  	[tilespmem:s18], [sflag:$0x2] =	stream.indirect.gather [hbm4b:s3+s16], $0x80, s17, s16, $0xb8;
	[tilespmem:$0x1FC00] =	vst v63  }
.LBB2_4:
0x4c: {  	s24 =	simm.s32 $0x0  }
0x4d: {  	s25 =	sshll.u32 s23, $0x8;
	s26 =	simm.s32 $0x3;
	v0 =	vmov s24  }
0x4e: {  	v1 =	vmov s25;
	v2 =	vmov s26;
	v0 =	vand.u32 $0x7C, v0  }
0x4f: {  	v2 =	vand.u32 $0x7F, v2;
	v0 =	vor.u32 v1, v0  }
0x50: {  	v2 =	vor.u32 v1, v2;
	v0 =	vbroadcast v0, $0x0  }
0x51: {  	_ =	swait.ge [sflag:s19], $0x4000;
	v2 =	vbroadcast v2, $0x0  }
0x52: {  	[sflag:s19] =	ssyncset.done $0x0  }
0x53: {  	s24 =	simm.s32 $0x14100;
	[sflag:s19] =	ssyncadd.s32 $0xFFFFC000  }
0x54: {  	v5 =	vld [tilespmem:s24+$0xFFFFFF00]  }
0x55: {  	s30 =	simm.s32 $0x1;
	v6 =	vld [tilespmem:s24+$0xFFFFFF10]  }
0x56: {  	v4 =	vmov s30;
	v3 =	vld.idx.msk [tilespmem:v0+s14+$0x0], $0xffff  }
0x57: {  	v0 =	vld.idx.msk [tilespmem:v2+s14+$0x0], $0xffff;
	v2 =	vand.u32 $0x7D, v4  }
0x58: {  	v7 =	vld [tilespmem:s24+$0xFFFFFF20];
	v2 =	vor.u32 v1, v2  }
0x59: {  	v4 =	vld [tilespmem:s24+$0xF0];
	v2 =	vbroadcast v2, $0x0  }
0x5a: {  	v8 =	vld [tilespmem:s24+$0xFFFFFF30]  }
0x5b: {  	v9 =	vld [tilespmem:s24+$0xFFFFFF40]  }
0x5c: {  	v10 =	vld [tilespmem:s24+$0xFFFFFF50];
	v5 =	vmul.f32 v5, v3  }
0x5d: {  	v11 =	vld [tilespmem:s24+$0xFFFFFF60]  }
0x5e: {  	s31 =	simm.s32 $0x2;
	v4 =	vmul.f32 v4, v0;
	[tilespmem:s24+$0xFFFFFF00] =	vst v5;
	v5 =	vld [tilespmem:s24+$0xFFFFFF70]  }
0x5f: {  	v12 =	vmov s31;
	v6 =	vmul.f32 v6, v3;
	v13 =	vld.idx.msk [tilespmem:v2+s14+$0x0], $0xffff  }
0x60: {  	[tilespmem:s24+$0xF0] =	vst v4;
	v4 =	vmul.f32 v7, v3;
	v2 =	vand.u32 $0x7E, v12;
	v12 =	vld [tilespmem:s24+$0xFFFFFF80]  }
0x61: {  	v7 =	vld [tilespmem:s24+$0xFFFFFF90];
	[tilespmem:s24+$0xFFFFFF10] =	vst v6;
	v6 =	vmul.f32 v8, v3;
	v2 =	vor.u32 v1, v2  }
0x62: {  	v8 =	vld [tilespmem:s24+$0xFFFFFFA0];
	[tilespmem:s24+$0xFFFFFF20] =	vst v4;
	v4 =	vmul.f32 v9, v3;
	v2 =	vbroadcast v2, $0x0  }
0x63: {  	v9 =	vld [tilespmem:s24+$0xFFFFFFB0];
	[tilespmem:s24+$0xFFFFFF30] =	vst v6;
	v6 =	vmul.f32 v10, v3  }
0x64: {  	v11 =	vmul.f32 v11, v3;
	v10 =	vld [tilespmem:s24+$0xFFFFFFC0];
	[tilespmem:s24+$0xFFFFFF40] =	vst v4;
	v3 =	vmul.f32 v5, v3  }
0x65: {  	[tilespmem:s24+$0xFFFFFF50] =	vst v6;
	v6 =	vld [tilespmem:s24+$0xFFFFFFE0];
	v4 =	vmul.f32 v12, v13  }
0x66: {  	v12 =	vld [tilespmem:s24+$0xFFFFFFD0];
	[tilespmem:s24+$0xFFFFFF70] =	vst v3  }
0x67: {  	v3 =	vmul.f32 v8, v13;
	[tilespmem:s24+$0xFFFFFF80] =	vst v4;
	v4 =	vmul.f32 v7, v13;
	v7 =	vld [tilespmem:s24+$0x0]  }
0x68: {  	[tilespmem:s24+$0xFFFFFF60] =	vst v11;
	v2 =	vld.idx.msk [tilespmem:v2+s14+$0x0], $0xffff  }
0x69: {  	v5 =	vld [tilespmem:s24+$0xFFFFFFF0];
	[tilespmem:s24+$0xFFFFFFA0] =	vst v3;
	v3 =	vmul.f32 v10, v13  }
0x6a: {  	v8 =	vld [tilespmem:s24+$0x10];
	[tilespmem:s24+$0xFFFFFF90] =	vst v4;
	v4 =	vmul.f32 v9, v13  }
0x6b: {  	s26 =	simm.s32 $0x4;
	v6 =	vmul.f32 v6, v13;
	v9 =	vld [tilespmem:s24+$0x20];
	[tilespmem:s24+$0xFFFFFFC0] =	vst v3  }
0x6c: {  	v11 =	vmov s26;
	v10 =	vld [tilespmem:s24+$0x30];
	[tilespmem:s24+$0xFFFFFFB0] =	vst v4;
	v4 =	vmul.f32 v12, v13  }
0x6d: {  	v11 =	vand.u32 $0x7C, v11;
	v3 =	vld [tilespmem:s24+$0x40];
	[tilespmem:s24+$0xFFFFFFE0] =	vst v6;
	v7 =	vmul.f32 v7, v2  }
0x6e: {  	s30 =	simm.s32 $0x5;
	s31 =	simm.s32 $0x6;
	v6 =	vor.u32 v1, v11;
	v12 =	vmul.f32 v5, v13;
	[tilespmem:s24+$0xFFFFFFD0] =	vst v4;
	v4 =	vld [tilespmem:s24+$0x50]  }
0x6f: {  	v13 =	vmov s30;
	v5 =	vld [tilespmem:s24+$0x60];
	v8 =	vmul.f32 v8, v2;
	[tilespmem:s24+$0x0] =	vst v7;
	v7 =	vmov s31  }
0x70: {  	s29 =	simm.s32 $0x7;
	[tilespmem:s24+$0xFFFFFFF0] =	vst v12;
	v12 =	vand.u32 $0x7D, v13;
	v9 =	vmul.f32 v9, v2;
	v11 =	vand.u32 $0x7E, v7;
	v7 =	vld [tilespmem:s24+$0x70]  }
0x71: {  	s28 =	simm.s32 $0x8;
	s25 =	sshll.u32 s23, $0x1;
	s26 =	simm.s32 $0x14100;
	v6 =	vbroadcast v6, $0x0;
	v10 =	vmul.f32 v10, v2;
	v12 =	vor.u32 v1, v12;
	[tilespmem:s24+$0x10] =	vst v8;
	v8 =	vld [tilespmem:s24+$0x80]  }
.LBB2_5:
0x72: {  	p0 =	slt.u32 s28, $0x7C;
	v11 =	vor.u32 v1, v11;
	v13 =	vmov s29;
	[tilespmem:s24+$0x20] =	vst v9;
	v3 =	vmul.f32 v3, v2;
	v9 =	vld [tilespmem:s24+$0x90]  }
0x73: {  	v12 =	vbroadcast v12, $0x0;
	v13 =	vand.u32 $0x7F, v13;
	[tilespmem:s24+$0x30] =	vst v10;
	v4 =	vmul.f32 v4, v2;
	v10 =	vld [tilespmem:s24+$0xA0]  }
0x74: {  	v11 =	vbroadcast v11, $0x0;
	v13 =	vor.u32 v1, v13;
	[tilespmem:s24+$0x40] =	vst v3;
	v3 =	vmul.f32 v5, v2;
	v5 =	vld [tilespmem:s24+$0xB0]  }
0x75: {  	v13 =	vbroadcast v13, $0x0;
	[tilespmem:s24+$0x50] =	vst v4;
	v2 =	vmul.f32 v7, v2;
	v4 =	vld [tilespmem:s24+$0xC0]  }
0x76: {  	[tilespmem:s24+$0x60] =	vst v3;
	v3 =	vmul.f32 v8, v0;
	v7 =	vld [tilespmem:s24+$0xD0]  }
0x77: {  	[tilespmem:s24+$0x70] =	vst v2;
	v2 =	vmul.f32 v9, v0;
	v8 =	vld [tilespmem:s24+$0xE0]  }
0x78: {  	v6 =	vld.idx.msk [tilespmem:v6+s14+$0x0], $0xffff;
	[tilespmem:s24+$0x80] =	vst v3;
	v3 =	vmul.f32 v10, v0  }
0x79: {  	v9 =	vld.idx.msk [tilespmem:v12+s14+$0x0], $0xffff;
	[tilespmem:s24+$0x90] =	vst v2;
	v5 =	vmul.f32 v5, v0  }
0x7a: {  	v2 =	vld.idx.msk [tilespmem:v11+s14+$0x0], $0xffff;
	[tilespmem:s24+$0xA0] =	vst v3;
	v3 =	vmul.f32 v4, v0  }
0x7b: {  	s24 =	sadd.s32 $0x200, s24;
	v4 =	vld.idx.msk [tilespmem:v13+s14+$0x0], $0xffff;
	[tilespmem:s26+$0xB0] =	vst v5;
	v5 =	vmul.f32 v7, v0  }
0x7c: {  	v7 =	vld [tilespmem:s24+$0xF0];
	[tilespmem:s26+$0xC0] =	vst v3;
	v0 =	vmul.f32 v8, v0  }
0x7d: {  	v3 =	vld [tilespmem:s24+$0xFFFFFF00];
	[tilespmem:s26+$0xD0] =	vst v5  }
0x7e: {  	v5 =	vld [tilespmem:s24+$0xFFFFFF10];
	[tilespmem:s26+$0xE0] =	vst v0;
	s26 =	smov.u32 s24  }
0x7f: {  	v8 =	vld [tilespmem:s24+$0xFFFFFF20]  }
0x80: {  	v10 =	vld [tilespmem:s24+$0xFFFFFF30]  }
0x81: {  	v0 =	vmov v4;
	v11 =	vld [tilespmem:s24+$0xFFFFFF40];
	v7 =	vmul.f32 v7, v4  }
0x82: {  	v3 =	vmul.f32 v3, v6;
	v4 =	vld [tilespmem:s24+$0xFFFFFF50]  }
0x83: {  	v5 =	vmul.f32 v5, v6;
	v12 =	vld [tilespmem:s24+$0xFFFFFF60];
	[tilespmem:s24+$0xF0] =	vst v7  }
0x84: {  	[tilespmem:s24+$0xFFFFFF00] =	vst v3;
	v3 =	vmul.f32 v8, v6;
	v7 =	vld [tilespmem:s24+$0xFFFFFF70]  }
0x85: {  	[tilespmem:s24+$0xFFFFFF10] =	vst v5;
	v5 =	vmul.f32 v10, v6;
	v8 =	vld [tilespmem:s24+$0xFFFFFF80]  }
0x86: {  	[tilespmem:s24+$0xFFFFFF20] =	vst v3;
	v3 =	vmul.f32 v11, v6;
	v10 =	vld [tilespmem:s24+$0xFFFFFF90]  }
0x87: {  	[tilespmem:s24+$0xFFFFFF30] =	vst v5;
	v4 =	vmul.f32 v4, v6;
	v5 =	vld [tilespmem:s24+$0xFFFFFFA0]  }
0x88: {  	[tilespmem:s24+$0xFFFFFF40] =	vst v3;
	v3 =	vmul.f32 v12, v6;
	v11 =	vld [tilespmem:s24+$0xFFFFFFB0]  }
0x89: {  	[tilespmem:s24+$0xFFFFFF50] =	vst v4;
	v4 =	vmul.f32 v7, v6;
	v6 =	vld [tilespmem:s24+$0xFFFFFFC0]  }
0x8a: {  	[tilespmem:s24+$0xFFFFFF60] =	vst v3;
	v3 =	vmul.f32 v8, v9;
	v7 =	vld [tilespmem:s24+$0xFFFFFFD0]  }
0x8b: {  	[tilespmem:s24+$0xFFFFFF70] =	vst v4;
	v4 =	vmul.f32 v10, v9;
	v8 =	vld [tilespmem:s24+$0xFFFFFFE0]  }
0x8c: {  	[tilespmem:s24+$0xFFFFFF80] =	vst v3;
	v3 =	vmul.f32 v5, v9;
	v5 =	vld [tilespmem:s24+$0xFFFFFFF0]  }
0x8d: {  	[tilespmem:s24+$0xFFFFFF90] =	vst v4;
	v4 =	vmul.f32 v11, v9;
	v10 =	vld [tilespmem:s24+$0x0]  }
0x8e: {  	[tilespmem:s24+$0xFFFFFFA0] =	vst v3;
	v3 =	vmul.f32 v6, v9;
	v6 =	vld [tilespmem:s24+$0x10]  }
0x8f: {  	[tilespmem:s24+$0xFFFFFFB0] =	vst v4;
	v4 =	vmul.f32 v7, v9;
	v7 =	vld [tilespmem:s24+$0x20]  }
0x90: {  	[tilespmem:s24+$0xFFFFFFC0] =	vst v3;
	v8 =	vmul.f32 v8, v9;
	v13 =	vld [tilespmem:s24+$0x30]  }
.Ltmp3:
0x91: {  	s29 =	sadd.s32 $0x1, s28;
	v11 =	vmov s28;
	[tilespmem:s24+$0xFFFFFFD0] =	vst v4;
	v5 =	vmul.f32 v5, v9;
	v3 =	vld [tilespmem:s24+$0x40];
	(pc) =	sbr.rel @p0 .LBB2_5-.Ltmp3, $4  }
0x92: {  	v9 =	vand.u32 $0x7C, v11;
	v11 =	vmov s29;
	s29 =	sadd.s32 $0x2, s28;
	[tilespmem:s24+$0xFFFFFFE0] =	vst v8;
	v8 =	vmul.f32 v10, v2;
	v4 =	vld [tilespmem:s24+$0x50]  }
0x93: {  	v10 =	vor.u32 v1, v9;
	v9 =	vmov s29;
	[tilespmem:s24+$0xFFFFFFF0] =	vst v5;
	v14 =	vmul.f32 v6, v2;
	v5 =	vld [tilespmem:s24+$0x60]  }
0x94: {  	v12 =	vand.u32 $0x7D, v11;
	v11 =	vand.u32 $0x7E, v9;
	[tilespmem:s24+$0x0] =	vst v8;
	v9 =	vmul.f32 v7, v2;
	v7 =	vld [tilespmem:s24+$0x70]  }
0x95: {  	s29 =	sadd.s32 $0x3, s28;
	s28 =	sadd.s32 $0x4, s28;
	v6 =	vbroadcast v10, $0x0;
	v12 =	vor.u32 v1, v12;
	[tilespmem:s24+$0x10] =	vst v14;
	v10 =	vmul.f32 v13, v2;
	v8 =	vld [tilespmem:s24+$0x80]  }
0x96: {  	v14 =	vld [tilespmem:s24+$0x90]  }
0x97: {  	v15 =	vld [tilespmem:s24+$0xA0]  }
0x98: {  	v13 =	vmov s29;
	v11 =	vor.u32 v1, v11;
	v16 =	vld [tilespmem:s24+$0xC0]  }
0x99: {  	v12 =	vbroadcast v12, $0x0;
	[tilespmem:s24+$0x20] =	vst v9;
	v3 =	vmul.f32 v3, v2;
	v9 =	vld [tilespmem:s24+$0xD0];
	v13 =	vand.u32 $0x7F, v13  }
0x9a: {  	v11 =	vbroadcast v11, $0x0;
	[tilespmem:s24+$0x30] =	vst v10;
	v4 =	vmul.f32 v4, v2;
	v10 =	vld [tilespmem:s24+$0xE0];
	v1 =	vor.u32 v1, v13  }
0x9b: {  	v13 =	vld [tilespmem:s24+$0xB0];
	[tilespmem:s24+$0x40] =	vst v3;
	v3 =	vmul.f32 v5, v2;
	v1 =	vbroadcast v1, $0x0  }
0x9c: {  	s28 =	sadd.s32 $0x200, s24;
	v5 =	vld.idx.msk [tilespmem:v6+s14+$0x0], $0xffff;
	[tilespmem:s24+$0x50] =	vst v4;
	v2 =	vmul.f32 v7, v2  }
0x9d: {  	v7 =	vld [tilespmem:s28+$0xF0];
	[tilespmem:s24+$0x60] =	vst v3;
	v3 =	vmul.f32 v8, v0  }
0x9e: {  	v8 =	vld [tilespmem:s28+$0xFFFFFF00];
	[tilespmem:s24+$0x70] =	vst v2;
	v2 =	vmul.f32 v14, v0  }
0x9f: {  	v4 =	vld.idx.msk [tilespmem:v12+s14+$0x0], $0xffff;
	[tilespmem:s24+$0x80] =	vst v3;
	v3 =	vmul.f32 v15, v0  }
0xa0: {  	v6 =	vld.idx.msk [tilespmem:v11+s14+$0x0], $0xffff;
	[tilespmem:s24+$0x90] =	vst v2;
	v2 =	vmul.f32 v13, v0  }
0xa1: {  	[tilespmem:s24+$0xA0] =	vst v3;
	v3 =	vmul.f32 v16, v0;
	v1 =	vld.idx.msk [tilespmem:v1+s14+$0x0], $0xffff  }
0xa2: {  	v11 =	vld [tilespmem:s28+$0xFFFFFF10];
	[tilespmem:s26+$0xB0] =	vst v2;
	v2 =	vmul.f32 v9, v0  }
0xa3: {  	v9 =	vld [tilespmem:s28+$0xFFFFFF20];
	v0 =	vmul.f32 v10, v0;
	[tilespmem:s26+$0xC0] =	vst v3  }
0xa4: {  	v3 =	vld [tilespmem:s28+$0xFFFFFF30];
	[tilespmem:s26+$0xD0] =	vst v2  }
0xa5: {  	v2 =	vld [tilespmem:s28+$0xFFFFFF40];
	[tilespmem:s26+$0xE0] =	vst v0;
	v0 =	vmul.f32 v8, v5  }
0xa6: {  	v8 =	vld [tilespmem:s28+$0xFFFFFF50];
	v7 =	vmul.f32 v7, v1  }
0xa7: {  	v10 =	vmul.f32 v11, v5;
	v11 =	vld [tilespmem:s28+$0xFFFFFF60];
	[tilespmem:s28+$0xFFFFFF00] =	vst v0  }
0xa8: {  	v0 =	vmul.f32 v9, v5;
	[tilespmem:s28+$0xF0] =	vst v7;
	v7 =	vld [tilespmem:s28+$0xFFFFFF70]  }
0xa9: {  	[tilespmem:s28+$0xFFFFFF10] =	vst v10;
	v9 =	vld [tilespmem:s28+$0xFFFFFF80];
	v3 =	vmul.f32 v3, v5  }
0xaa: {  	[tilespmem:s28+$0xFFFFFF20] =	vst v0;
	v0 =	vmul.f32 v2, v5;
	v2 =	vld [tilespmem:s28+$0xFFFFFF90]  }
0xab: {  	[tilespmem:s28+$0xFFFFFF30] =	vst v3;
	v3 =	vmul.f32 v8, v5;
	v8 =	vld [tilespmem:s28+$0xFFFFFFA0]  }
0xac: {  	v10 =	vld [tilespmem:s28+$0xFFFFFFB0];
	[tilespmem:s28+$0xFFFFFF40] =	vst v0;
	v0 =	vmul.f32 v11, v5  }
0xad: {  	[tilespmem:s28+$0xFFFFFF50] =	vst v3;
	v3 =	vmul.f32 v7, v5;
	v5 =	vld [tilespmem:s28+$0xFFFFFFC0]  }
0xae: {  	[tilespmem:s28+$0xFFFFFF60] =	vst v0;
	v0 =	vmul.f32 v9, v4;
	v7 =	vld [tilespmem:s28+$0xFFFFFFD0]  }
0xaf: {  	v2 =	vmul.f32 v2, v4;
	[tilespmem:s28+$0xFFFFFF70] =	vst v3;
	v3 =	vld [tilespmem:s28+$0xFFFFFFE0]  }
0xb0: {  	[tilespmem:s28+$0xFFFFFF80] =	vst v0;
	v0 =	vmul.f32 v8, v4;
	v8 =	vld [tilespmem:s28+$0xFFFFFFF0]  }
0xb1: {  	v9 =	vld [tilespmem:s28+$0x0];
	[tilespmem:s28+$0xFFFFFF90] =	vst v2;
	v2 =	vmul.f32 v10, v4  }
0xb2: {  	[tilespmem:s28+$0xFFFFFFA0] =	vst v0;
	v0 =	vmul.f32 v5, v4;
	v5 =	vld [tilespmem:s28+$0x10]  }
0xb3: {  	[tilespmem:s28+$0xFFFFFFB0] =	vst v2;
	v2 =	vmul.f32 v7, v4;
	v7 =	vld [tilespmem:s28+$0x20]  }
0xb4: {  	[tilespmem:s28+$0xFFFFFFC0] =	vst v0;
	v0 =	vmul.f32 v3, v4;
	v3 =	vld [tilespmem:s28+$0x30]  }
0xb5: {  	[tilespmem:s28+$0xFFFFFFD0] =	vst v2;
	v2 =	vmul.f32 v8, v4;
	v4 =	vld [tilespmem:s28+$0x40]  }
0xb6: {  	v8 =	vld [tilespmem:s28+$0x50];
	[tilespmem:s28+$0xFFFFFFE0] =	vst v0;
	v0 =	vmul.f32 v9, v6  }
0xb7: {  	[tilespmem:s28+$0xFFFFFFF0] =	vst v2;
	v2 =	vmul.f32 v5, v6;
	v5 =	vld [tilespmem:s28+$0x60]  }
0xb8: {  	[tilespmem:s28+$0x0] =	vst v0;
	v0 =	vmul.f32 v7, v6;
	v7 =	vld [tilespmem:s28+$0x70]  }
0xb9: {  	[tilespmem:s28+$0x10] =	vst v2;
	v2 =	vmul.f32 v3, v6;
	v3 =	vld [tilespmem:s28+$0x80]  }
0xba: {  	[tilespmem:s28+$0x20] =	vst v0;
	v0 =	vmul.f32 v4, v6;
	v4 =	vld [tilespmem:s28+$0x90]  }
0xbb: {  	[tilespmem:s28+$0x30] =	vst v2;
	v2 =	vmul.f32 v8, v6;
	v8 =	vld [tilespmem:s28+$0xA0]  }
0xbc: {  	[tilespmem:s28+$0x40] =	vst v0;
	v0 =	vmul.f32 v5, v6;
	v5 =	vld [tilespmem:s28+$0xB0]  }
0xbd: {  	[tilespmem:s28+$0x50] =	vst v2;
	v2 =	vmul.f32 v7, v6;
	v6 =	vld [tilespmem:s28+$0xC0]  }
0xbe: {  	[tilespmem:s28+$0x60] =	vst v0;
	v0 =	vmul.f32 v3, v1;
	v3 =	vld [tilespmem:s28+$0xD0]  }
0xbf: {  	[tilespmem:s28+$0x70] =	vst v2;
	v2 =	vmul.f32 v4, v1;
	v4 =	vld [tilespmem:s28+$0xE0]  }
0xc0: {  	[tilespmem:s28+$0x80] =	vst v0;
	v0 =	vmul.f32 v8, v1  }
0xc1: {  	[tilespmem:s28+$0x90] =	vst v2;
	v2 =	vmul.f32 v5, v1  }
0xc2: {  	[tilespmem:s28+$0xA0] =	vst v0;
	v0 =	vmul.f32 v6, v1  }
0xc3: {  	[tilespmem:s28+$0xB0] =	vst v2;
	v2 =	vmul.f32 v3, v1  }
0xc4: {  	s26 =	sshll.u32 s23, $0xA;
	[tilespmem:s28+$0xC0] =	vst v0;
	v0 =	vmul.f32 v4, v1  }
0xc5: {  	s25 =	sor.u32 $0x1, s25;
	s24 =	sshrl.u32 s26, $0x2;
	[tilespmem:s28+$0xD0] =	vst v2  }
0xc6: {  	p0 =	seq.s32 s23, $0x13;
	s25 =	sshll.u32 s25, $0x7;
	[tilespmem:s28+$0xE0] =	vst v0;
	s28 =	sadd.s32 $0x1D400, s24  }
0xc7: {  	[spmem:s4] =	stream.indirect.scatter.add.f32 [tilespmem:s9], [sflag:$0x5], $0x80, s28, s16, $0xb8;
	[tilespmem:$0x1FC00] =	vst v63  }
0xc8: {  	s29 =	simm.s32 @!p0 $0x14000;
	s28 =	simm.s32 $0x0;
	_ =	swait.ge [sflag:s20], $0x4000  }
0xc9: {  	s26 =	sshrl.u32 @!p0 s26, $0x2;
	v1 =	vmov s28;
	s28 =	simm.s32 $0x3;
	[sflag:s20] =	ssyncset.done $0x0  }
0xca: {  	s26 =	sadd.s32 @!p0 $0x1C100, s26;
	v0 =	vmov s25;
	v1 =	vand.u32 $0x7C, v1;
	v2 =	vmov s28;
	s28 =	simm.s32 @!p0 $0x80;
	[sflag:s20] =	ssyncadd.s32 $0xFFFFC000  }
0xcb: {  	v1 =	vor.u32 v0, v1;
	v2 =	vand.u32 $0x7F, v2;
	[tilespmem:s29], [sflag:$0x1] =	stream.indirect.gather @!p0 [hbm4b:s3+s28], $0x80, s26, s28, $0xb8;
	[tilespmem:$0x1FC00] =	vst v63  }
0xcc: {  	v1 =	vbroadcast v1, $0x0;
	v2 =	vor.u32 v0, v2;
	_ =	swait.ge [sflag:s21], $0x4000  }
0xcd: {  	v2 =	vbroadcast v2, $0x0;
	[sflag:s21] =	ssyncset.done $0x0  }
0xce: {  	s26 =	simm.s32 $0x18100;
	[sflag:s21] =	ssyncadd.s32 $0xFFFFC000  }
0xcf: {  	v5 =	vld [tilespmem:s26+$0xFFFFFF00]  }
0xd0: {  	v6 =	vld [tilespmem:s26+$0xFFFFFF10]  }
0xd1: {  	s28 =	simm.s32 $0x1;
	v7 =	vld [tilespmem:s26+$0xFFFFFF20]  }
0xd2: {  	v4 =	vmov s28;
	v3 =	vld.idx.msk [tilespmem:v1+s14+$0x0], $0xffff  }
0xd3: {  	v1 =	vld.idx.msk [tilespmem:v2+s14+$0x0], $0xffff;
	v2 =	vand.u32 $0x7D, v4  }
0xd4: {  	v8 =	vld [tilespmem:s26+$0xFFFFFF30];
	v2 =	vor.u32 v0, v2  }
0xd5: {  	v11 =	vld [tilespmem:s26+$0xFFFFFF60];
	v2 =	vbroadcast v2, $0x0  }
0xd6: {  	v4 =	vld [tilespmem:s26+$0xF0]  }
0xd7: {  	v9 =	vld [tilespmem:s26+$0xFFFFFF40];
	v5 =	vmul.f32 v5, v3  }
0xd8: {  	v10 =	vld [tilespmem:s26+$0xFFFFFF50];
	v6 =	vmul.f32 v6, v3  }
0xd9: {  	[tilespmem:s26+$0xFFFFFF00] =	vst v5;
	v5 =	vld [tilespmem:s26+$0xFFFFFF70]  }
0xda: {  	s28 =	simm.s32 $0x2;
	v11 =	vmul.f32 v11, v3;
	[tilespmem:s26+$0xFFFFFF10] =	vst v6;
	v6 =	vmul.f32 v8, v3;
	v8 =	vld [tilespmem:s26+$0xFFFFFFA0]  }
0xdb: {  	v12 =	vmov s28;
	v4 =	vmul.f32 v4, v1;
	v13 =	vld.idx.msk [tilespmem:v2+s14+$0x0], $0xffff  }
0xdc: {  	[tilespmem:s26+$0xFFFFFF60] =	vst v11;
	v2 =	vand.u32 $0x7E, v12;
	v12 =	vld [tilespmem:s26+$0xFFFFFF80]  }
0xdd: {  	[tilespmem:s26+$0xF0] =	vst v4;
	v4 =	vmul.f32 v7, v3;
	v7 =	vld [tilespmem:s26+$0xFFFFFF90];
	v2 =	vor.u32 v0, v2  }
0xde: {  	[tilespmem:s26+$0xFFFFFF30] =	vst v6;
	v6 =	vmul.f32 v10, v3;
	v10 =	vld [tilespmem:s26+$0xFFFFFFC0];
	v2 =	vbroadcast v2, $0x0  }
0xdf: {  	[tilespmem:s26+$0xFFFFFF20] =	vst v4;
	v4 =	vmul.f32 v9, v3;
	v9 =	vld [tilespmem:s26+$0xFFFFFFB0]  }
0xe0: {  	[tilespmem:s26+$0xFFFFFF50] =	vst v6;
	v6 =	vld [tilespmem:s26+$0xFFFFFFE0];
	v3 =	vmul.f32 v5, v3  }
0xe1: {  	[tilespmem:s26+$0xFFFFFF40] =	vst v4;
	v5 =	vld [tilespmem:s26+$0xFFFFFFF0];
	v4 =	vmul.f32 v12, v13  }
0xe2: {  	v12 =	vld [tilespmem:s26+$0xFFFFFFD0];
	[tilespmem:s26+$0xFFFFFF70] =	vst v3;
	v3 =	vmul.f32 v8, v13  }
0xe3: {  	[tilespmem:s26+$0xFFFFFF80] =	vst v4;
	v4 =	vmul.f32 v7, v13;
	v7 =	vld [tilespmem:s26+$0x0]  }
0xe4: {  	[tilespmem:s26+$0xFFFFFFA0] =	vst v3;
	v3 =	vmul.f32 v10, v13;
	v2 =	vld.idx.msk [tilespmem:v2+s14+$0x0], $0xffff  }
0xe5: {  	v8 =	vld [tilespmem:s26+$0x10];
	[tilespmem:s26+$0xFFFFFF90] =	vst v4;
	v4 =	vmul.f32 v9, v13  }
0xe6: {  	s28 =	simm.s32 $0x4;
	v6 =	vmul.f32 v6, v13;
	v9 =	vld [tilespmem:s26+$0x20];
	[tilespmem:s26+$0xFFFFFFC0] =	vst v3  }
0xe7: {  	v11 =	vmov s28;
	v10 =	vld [tilespmem:s26+$0x30];
	[tilespmem:s26+$0xFFFFFFB0] =	vst v4;
	v4 =	vmul.f32 v12, v13  }
0xe8: {  	v11 =	vand.u32 $0x7C, v11;
	v3 =	vld [tilespmem:s26+$0x40];
	[tilespmem:s26+$0xFFFFFFE0] =	vst v6;
	v12 =	vmul.f32 v5, v13  }
0xe9: {  	s28 =	simm.s32 $0x5;
	v6 =	vor.u32 v0, v11;
	[tilespmem:s26+$0xFFFFFFD0] =	vst v4;
	v7 =	vmul.f32 v7, v2;
	v4 =	vld [tilespmem:s26+$0x50]  }
0xea: {  	v6 =	vbroadcast v6, $0x0;
	v13 =	vmov s28;
	s28 =	simm.s32 $0x6;
	v5 =	vld [tilespmem:s26+$0x60];
	v8 =	vmul.f32 v8, v2;
	[tilespmem:s26+$0xFFFFFFF0] =	vst v12  }
0xeb: {  	v11 =	vmov s28;
	v12 =	vand.u32 $0x7D, v13;
	v9 =	vmul.f32 v9, v2;
	[tilespmem:s26+$0x0] =	vst v7;
	v7 =	vld [tilespmem:s26+$0x70]  }
0xec: {  	s30 =	simm.s32 $0x7;
	s29 =	simm.s32 $0x8;
	s28 =	simm.s32 $0x18100;
	v11 =	vand.u32 $0x7E, v11;
	v10 =	vmul.f32 v10, v2;
	v12 =	vor.u32 v0, v12;
	[tilespmem:s26+$0x10] =	vst v8;
	v8 =	vld [tilespmem:s26+$0x80]  }
.LBB2_7:
0xed: {  	p1 =	slt.u32 s29, $0x7C;
	v11 =	vor.u32 v0, v11;
	v13 =	vmov s30;
	[tilespmem:s26+$0x20] =	vst v9;
	v3 =	vmul.f32 v3, v2;
	v9 =	vld [tilespmem:s26+$0x90]  }
0xee: {  	v12 =	vbroadcast v12, $0x0;
	v13 =	vand.u32 $0x7F, v13;
	[tilespmem:s26+$0x30] =	vst v10;
	v4 =	vmul.f32 v4, v2;
	v10 =	vld [tilespmem:s26+$0xA0]  }
0xef: {  	v11 =	vbroadcast v11, $0x0;
	v13 =	vor.u32 v0, v13;
	[tilespmem:s26+$0x40] =	vst v3;
	v3 =	vmul.f32 v5, v2;
	v5 =	vld [tilespmem:s26+$0xB0]  }
0xf0: {  	v13 =	vbroadcast v13, $0x0;
	[tilespmem:s26+$0x50] =	vst v4;
	v2 =	vmul.f32 v7, v2;
	v4 =	vld [tilespmem:s26+$0xC0]  }
0xf1: {  	[tilespmem:s26+$0x60] =	vst v3;
	v3 =	vmul.f32 v8, v1;
	v7 =	vld [tilespmem:s26+$0xD0]  }
0xf2: {  	[tilespmem:s26+$0x70] =	vst v2;
	v2 =	vmul.f32 v9, v1;
	v8 =	vld [tilespmem:s26+$0xE0]  }
0xf3: {  	v6 =	vld.idx.msk [tilespmem:v6+s14+$0x0], $0xffff;
	[tilespmem:s26+$0x80] =	vst v3;
	v3 =	vmul.f32 v10, v1  }
0xf4: {  	v9 =	vld.idx.msk [tilespmem:v12+s14+$0x0], $0xffff;
	[tilespmem:s26+$0x90] =	vst v2;
	v5 =	vmul.f32 v5, v1  }
0xf5: {  	v2 =	vld.idx.msk [tilespmem:v11+s14+$0x0], $0xffff;
	[tilespmem:s26+$0xA0] =	vst v3;
	v3 =	vmul.f32 v4, v1  }
0xf6: {  	s26 =	sadd.s32 $0x200, s26;
	v4 =	vld.idx.msk [tilespmem:v13+s14+$0x0], $0xffff;
	[tilespmem:s28+$0xB0] =	vst v5;
	v5 =	vmul.f32 v7, v1  }
0xf7: {  	v7 =	vld [tilespmem:s26+$0xF0];
	[tilespmem:s28+$0xC0] =	vst v3;
	v1 =	vmul.f32 v8, v1  }
0xf8: {  	v3 =	vld [tilespmem:s26+$0xFFFFFF00];
	[tilespmem:s28+$0xD0] =	vst v5  }
0xf9: {  	v5 =	vld [tilespmem:s26+$0xFFFFFF10];
	[tilespmem:s28+$0xE0] =	vst v1;
	s28 =	smov.u32 s26  }
0xfa: {  	v8 =	vld [tilespmem:s26+$0xFFFFFF20]  }
0xfb: {  	v10 =	vld [tilespmem:s26+$0xFFFFFF30]  }
0xfc: {  	v1 =	vmov v4;
	v11 =	vld [tilespmem:s26+$0xFFFFFF40];
	v7 =	vmul.f32 v7, v4  }
0xfd: {  	v3 =	vmul.f32 v3, v6;
	v4 =	vld [tilespmem:s26+$0xFFFFFF50]  }
0xfe: {  	v5 =	vmul.f32 v5, v6;
	v12 =	vld [tilespmem:s26+$0xFFFFFF60];
	[tilespmem:s26+$0xF0] =	vst v7  }
0xff: {  	[tilespmem:s26+$0xFFFFFF00] =	vst v3;
	v3 =	vmul.f32 v8, v6;
	v7 =	vld [tilespmem:s26+$0xFFFFFF70]  }
0x100: {  	[tilespmem:s26+$0xFFFFFF10] =	vst v5;
	v5 =	vmul.f32 v10, v6;
	v8 =	vld [tilespmem:s26+$0xFFFFFF80]  }
0x101: {  	[tilespmem:s26+$0xFFFFFF20] =	vst v3;
	v3 =	vmul.f32 v11, v6;
	v10 =	vld [tilespmem:s26+$0xFFFFFF90]  }
0x102: {  	[tilespmem:s26+$0xFFFFFF30] =	vst v5;
	v4 =	vmul.f32 v4, v6;
	v5 =	vld [tilespmem:s26+$0xFFFFFFA0]  }
0x103: {  	[tilespmem:s26+$0xFFFFFF40] =	vst v3;
	v3 =	vmul.f32 v12, v6;
	v11 =	vld [tilespmem:s26+$0xFFFFFFB0]  }
0x104: {  	[tilespmem:s26+$0xFFFFFF50] =	vst v4;
	v4 =	vmul.f32 v7, v6;
	v6 =	vld [tilespmem:s26+$0xFFFFFFC0]  }
0x105: {  	[tilespmem:s26+$0xFFFFFF60] =	vst v3;
	v3 =	vmul.f32 v8, v9;
	v7 =	vld [tilespmem:s26+$0xFFFFFFD0]  }
0x106: {  	[tilespmem:s26+$0xFFFFFF70] =	vst v4;
	v4 =	vmul.f32 v10, v9;
	v8 =	vld [tilespmem:s26+$0xFFFFFFE0]  }
0x107: {  	[tilespmem:s26+$0xFFFFFF80] =	vst v3;
	v3 =	vmul.f32 v5, v9;
	v5 =	vld [tilespmem:s26+$0xFFFFFFF0]  }
0x108: {  	[tilespmem:s26+$0xFFFFFF90] =	vst v4;
	v4 =	vmul.f32 v11, v9;
	v10 =	vld [tilespmem:s26+$0x0]  }
0x109: {  	[tilespmem:s26+$0xFFFFFFA0] =	vst v3;
	v3 =	vmul.f32 v6, v9;
	v6 =	vld [tilespmem:s26+$0x10]  }
0x10a: {  	[tilespmem:s26+$0xFFFFFFB0] =	vst v4;
	v4 =	vmul.f32 v7, v9;
	v7 =	vld [tilespmem:s26+$0x20]  }
0x10b: {  	[tilespmem:s26+$0xFFFFFFC0] =	vst v3;
	v8 =	vmul.f32 v8, v9;
	v13 =	vld [tilespmem:s26+$0x30]  }
.Ltmp4:
0x10c: {  	s30 =	sadd.s32 $0x1, s29;
	v11 =	vmov s29;
	[tilespmem:s26+$0xFFFFFFD0] =	vst v4;
	v5 =	vmul.f32 v5, v9;
	v3 =	vld [tilespmem:s26+$0x40];
	(pc) =	sbr.rel @p1 .LBB2_7-.Ltmp4, $4  }
0x10d: {  	v9 =	vand.u32 $0x7C, v11;
	v11 =	vmov s30;
	s30 =	sadd.s32 $0x2, s29;
	[tilespmem:s26+$0xFFFFFFE0] =	vst v8;
	v8 =	vmul.f32 v10, v2;
	v4 =	vld [tilespmem:s26+$0x50]  }
0x10e: {  	v10 =	vor.u32 v0, v9;
	v9 =	vmov s30;
	[tilespmem:s26+$0xFFFFFFF0] =	vst v5;
	v14 =	vmul.f32 v6, v2;
	v5 =	vld [tilespmem:s26+$0x60]  }
0x10f: {  	v12 =	vand.u32 $0x7D, v11;
	v11 =	vand.u32 $0x7E, v9;
	[tilespmem:s26+$0x0] =	vst v8;
	v9 =	vmul.f32 v7, v2;
	v7 =	vld [tilespmem:s26+$0x70]  }
0x110: {  	s30 =	sadd.s32 $0x3, s29;
	s29 =	sadd.s32 $0x4, s29;
	v6 =	vbroadcast v10, $0x0;
	v12 =	vor.u32 v0, v12;
	[tilespmem:s26+$0x10] =	vst v14;
	v10 =	vmul.f32 v13, v2;
	v8 =	vld [tilespmem:s26+$0x80]  }
0x111: {  	v14 =	vld [tilespmem:s26+$0x90]  }
0x112: {  	v15 =	vld [tilespmem:s26+$0xA0]  }
0x113: {  	v42 =	vld [tilespmem:s26+$0xB0]  }
0x114: {  	v16 =	vld [tilespmem:s26+$0xC0]  }
0x115: {  	[tilespmem:s26+$0x20] =	vst v9;
	v3 =	vmul.f32 v3, v2;
	v43 =	vld [tilespmem:s26+$0xD0]  }
0x116: {  	v44 =	vld [tilespmem:s26+$0xE0];
	[tilespmem:s26+$0x30] =	vst v10;
	v4 =	vmul.f32 v4, v2  }
0x117: {  	s29 =	sadd.s32 $0x200, s26;
	v46 =	vld.idx.msk [tilespmem:v6+s14+$0x0], $0xffff;
	[tilespmem:s26+$0x40] =	vst v3;
	v45 =	vmul.f32 v5, v2  }
0x118: {  	v52 =	vld [tilespmem:s29+$0xF0];
	[tilespmem:s26+$0x50] =	vst v4;
	v47 =	vmul.f32 v7, v2  }
0x119: {  	v54 =	vld [tilespmem:s29+$0xFFFFFF00];
	[tilespmem:s26+$0x60] =	vst v45;
	v49 =	vmul.f32 v8, v1  }
0x11a: {  	v56 =	vld [tilespmem:s29+$0xFFFFFF10];
	[tilespmem:s26+$0x70] =	vst v47;
	v50 =	vmul.f32 v14, v1  }
0x11b: {  	v12 =	vbroadcast v12, $0x0;
	v58 =	vld [tilespmem:s29+$0xFFFFFF20];
	v51 =	vmul.f32 v15, v1;
	[tilespmem:s26+$0x80] =	vst v49  }
0x11c: {  	v60 =	vld [tilespmem:s29+$0xFFFFFF30];
	v53 =	vmul.f32 v42, v1;
	[tilespmem:s26+$0x90] =	vst v50  }
0x11d: {  	v61 =	vld [tilespmem:s29+$0xFFFFFF40];
	v55 =	vmul.f32 v16, v1;
	[tilespmem:s26+$0xA0] =	vst v51  }
0x11e: {  	v13 =	vmov s30;
	v63 =	vld [tilespmem:s29+$0xFFFFFF50];
	v57 =	vmul.f32 v43, v1;
	[tilespmem:s28+$0xB0] =	vst v53  }
0x11f: {  	v13 =	vand.u32 $0x7F, v13;
	v18 =	vld [tilespmem:s29+$0xFFFFFF90];
	v59 =	vmul.f32 v44, v1;
	[tilespmem:s28+$0xC0] =	vst v55  }
0x120: {  	v41 =	vor.u32 v0, v13;
	v13 =	vld [tilespmem:s29+$0xFFFFFF60];
	v62 =	vmul.f32 v54, v46;
	[tilespmem:s28+$0xD0] =	vst v57  }
0x121: {  	v48 =	vld.idx.msk [tilespmem:v12+s14+$0x0], $0xffff;
	v12 =	vmul.f32 v56, v46;
	[tilespmem:s28+$0xE0] =	vst v59  }
0x122: {  	v15 =	vld [tilespmem:s29+$0xFFFFFF70];
	v14 =	vmul.f32 v58, v46;
	[tilespmem:s29+$0xFFFFFF00] =	vst v62  }
0x123: {  	v16 =	vld [tilespmem:s29+$0xFFFFFF80];
	v3 =	vmul.f32 v60, v46;
	[tilespmem:s29+$0xFFFFFF10] =	vst v12  }
0x124: {  	v11 =	vor.u32 v0, v11;
	v20 =	vld [tilespmem:s29+$0xFFFFFFA0];
	v17 =	vmul.f32 v61, v46;
	[tilespmem:s29+$0xFFFFFF20] =	vst v14  }
0x125: {  	v11 =	vbroadcast v11, $0x0;
	v22 =	vld [tilespmem:s29+$0xFFFFFFB0];
	v19 =	vmul.f32 v63, v46;
	[tilespmem:s29+$0xFFFFFF30] =	vst v3  }
0x126: {  	v24 =	vld [tilespmem:s29+$0xFFFFFFC0];
	v21 =	vmul.f32 v13, v46;
	[tilespmem:s29+$0xFFFFFF40] =	vst v17  }
0x127: {  	v26 =	vld [tilespmem:s29+$0xFFFFFFD0];
	[tilespmem:s29+$0xFFFFFF50] =	vst v19;
	v23 =	vmul.f32 v15, v46  }
0x128: {  	v27 =	vld [tilespmem:s29+$0xFFFFFFE0];
	[tilespmem:s29+$0xFFFFFF60] =	vst v21;
	v25 =	vmul.f32 v16, v48  }
0x129: {  	v29 =	vld [tilespmem:s29+$0xFFFFFFF0];
	v2 =	vmul.f32 v18, v48;
	[tilespmem:s29+$0xFFFFFF70] =	vst v23  }
0x12a: {  	v31 =	vld [tilespmem:s29+$0x0];
	v28 =	vmul.f32 v20, v48;
	[tilespmem:s29+$0xFFFFFF80] =	vst v25  }
0x12b: {  	v6 =	vld.idx.msk [tilespmem:v11+s14+$0x0], $0xffff;
	v30 =	vmul.f32 v22, v48;
	[tilespmem:s29+$0xFFFFFF90] =	vst v2  }
0x12c: {  	v33 =	vld [tilespmem:s29+$0x10];
	v0 =	vbroadcast v41, $0x0;
	v32 =	vmul.f32 v24, v48;
	[tilespmem:s29+$0xFFFFFFA0] =	vst v28  }
0x12d: {  	v35 =	vld [tilespmem:s29+$0x20];
	v34 =	vmul.f32 v26, v48;
	[tilespmem:s29+$0xFFFFFFB0] =	vst v30  }
0x12e: {  	v37 =	vld [tilespmem:s29+$0x30];
	v36 =	vmul.f32 v27, v48;
	[tilespmem:s29+$0xFFFFFFC0] =	vst v32  }
0x12f: {  	v39 =	vld [tilespmem:s29+$0x40];
	v38 =	vmul.f32 v29, v48;
	[tilespmem:s29+$0xFFFFFFD0] =	vst v34  }
0x130: {  	v41 =	vld [tilespmem:s29+$0x50];
	v40 =	vmul.f32 v31, v6;
	[tilespmem:s29+$0xFFFFFFE0] =	vst v36  }
0x131: {  	v45 =	vld [tilespmem:s29+$0x70];
	v42 =	vmul.f32 v33, v6;
	[tilespmem:s29+$0xFFFFFFF0] =	vst v38  }
0x132: {  	v0 =	vld.idx.msk [tilespmem:v0+s14+$0x0], $0xffff;
	v44 =	vmul.f32 v35, v6;
	[tilespmem:s29+$0x0] =	vst v40  }
0x133: {  	v43 =	vld [tilespmem:s29+$0x60];
	v46 =	vmul.f32 v37, v6;
	[tilespmem:s29+$0x10] =	vst v42  }
0x134: {  	v47 =	vld [tilespmem:s29+$0x80];
	v48 =	vmul.f32 v39, v6;
	[tilespmem:s29+$0x20] =	vst v44  }
0x135: {  	v49 =	vld [tilespmem:s29+$0x90];
	v50 =	vmul.f32 v41, v6;
	[tilespmem:s29+$0x30] =	vst v46  }
0x136: {  	v51 =	vld [tilespmem:s29+$0xA0];
	v54 =	vmul.f32 v45, v6;
	[tilespmem:s29+$0x40] =	vst v48  }
0x137: {  	v53 =	vld [tilespmem:s29+$0xB0];
	v7 =	vmul.f32 v52, v0;
	[tilespmem:s29+$0x50] =	vst v50  }
0x138: {  	v55 =	vld [tilespmem:s29+$0xC0];
	v52 =	vmul.f32 v43, v6;
	[tilespmem:s29+$0x70] =	vst v54  }
0x139: {  	v57 =	vld [tilespmem:s29+$0xD0];
	v56 =	vmul.f32 v47, v0;
	[tilespmem:s29+$0xF0] =	vst v7  }
0x13a: {  	v59 =	vld [tilespmem:s29+$0xE0];
	v58 =	vmul.f32 v49, v0;
	[tilespmem:s29+$0x60] =	vst v52  }
0x13b: {  	v60 =	vmul.f32 v51, v0;
	[tilespmem:s29+$0x80] =	vst v56  }
0x13c: {  	v61 =	vmul.f32 v53, v0;
	[tilespmem:s29+$0x90] =	vst v58  }
0x13d: {  	v62 =	vmul.f32 v55, v0;
	[tilespmem:s29+$0xA0] =	vst v60  }
0x13e: {  	v63 =	vmul.f32 v57, v0;
	[tilespmem:s29+$0xB0] =	vst v61  }
0x13f: {  	v0 =	vmul.f32 v59, v0;
	[tilespmem:s29+$0xC0] =	vst v62  }
0x140: {  	s25 =	sand.u32 $0x3FFFFF80, s25;
	[tilespmem:s29+$0xD0] =	vst v63  }
.Ltmp5:
0x141: {  	s25 =	sadd.s32 $0x1D400, s25;
	[tilespmem:s29+$0xE0] =	vst v0;
	(pc) =	sbr.rel @p0 .LBB2_10-.Ltmp5, $4  }
0x142: {  	[spmem:s4] =	stream.indirect.scatter.add.f32 [tilespmem:s18], [sflag:$0x5], $0x80, s25, s16, $0xb8;
	[tilespmem:$0x1FC00] =	vst v63  }
0x143: {  	_ =	swait.ge [sflag:s20], $0x4000  }
0x144: {  	[sflag:s20] =	ssyncset.done $0x0  }
0x145: {  	[sflag:s20] =	ssyncadd.s32 $0xFFFFC000  }
.Ltmp6:
0x146: {  	(pc) =	sbr.rel .LBB2_4-.Ltmp6, $3  }
0x147: {  	_ =	sdelay $0x1  }
0x148: {  	s24 =	sadd.s32 $0x1C180, s24;
	s23 =	sadd.s32 $0x1, s23  }
0x149: {  	[tilespmem:s18], [sflag:$0x2] =	stream.indirect.gather [hbm4b:s3+s16], $0x80, s24, s16, $0xb8;
	[tilespmem:$0x1FC00] =	vst v63  }
.LBB2_11:
0x14a: {  	s3 =	smul.u32 $0x2800, s1  }
0x14b: {  	s30 =	sshll.u32 s1, $0x6;
	[bflag:$0x0] =	sbarrier.arrive $0xFFFF;
	s4 =	sshrl.u32 s8, $0x3  }
0x14c: {  	s31 =	simm.s32 $0x3;
	s2 =	sadd.s32 s2, s3;
	s3 =	sor.u32 $0x1C03, s30  }
0x14d: {  	[hbm:s2], [sflag:s3] =	dma.local [spmem:s4], $0x2800  }
0x14e: {  	_ =	swait.ge [sflag:s31], $0x2800  }
0x14f: {  	[sflag:s31] =	ssyncset.done $0x0  }
0x150: {  	[sflag:s31] =	ssyncadd.s32 $0xFFFFD800  }
0x151: {  	_ =	sfence.sel $0x180000  }
0x152: {  	[bflag:$0x0] =	sbarrier.arrive $0xFFFF  }
0x153: {  	p0 =	sne.s32 s1, $0x0;
	_ =	strace $0x9000004A  }
0x154: {  	s0 =	sadd.s32 @!p0 $0x100000, s0;
	[bflag:$0x2] =	sbarrier.arrive $0xFFFF  }
0x155: {  	[sflag:s0] =	ssyncadd.tile.s32 @!p0 $0x1;
	_ =	shalt  }
.Lfunc_end2:
_tile_overlayer_lowered:
.L_overlay_start_2:
0x156: {  	(tag) =	ssettag $0x2  }
0x157: {  	s0 =	rddreg [dreg:$0x0];
	s2 =	stileid.u32  }
0x158: {  	s1 =	rddreg [dreg:$0x1];
	p0 =	sne.s32 s2, $0x0  }
0x159: {  	s3 =	rddreg [dreg:$0x2];
	[bflag:$0x3] =	sbarrier.arrive $0xFFFF;
	s2 =	simm.s32 @!p0 $0x1C05  }
0x15a: {  	[timem:s3], [sflag:s2] =	dma.local @!p0 [hbm:s0], s1  }
0x15b: {  	s0 =	simm.s32 @!p0 $0x5  }
0x15c: {  	_ =	swait.ge @!p0 [sflag:s0], s1  }
0x15d: {  	s1 =	ssub.s32 @!p0 $0x0, s1;
	[sflag:s0] =	ssyncset.done @!p0 $0x0  }
0x15e: {  	[sflag:s0] =	ssyncadd.s32 @!p0 s1  }
0x15f: {  	[bflag:$0x3] =	sbarrier.arrive $0xFFFF  }
0x160: {  	_ =	shalt  }

</sc_bundles>
